<compile_context>
chip_gen: v7x
topology: tpu7x:2x2x1
jax: 0.10.2.dev20260603
libtpu: 0.0.44.dev20260713+nightly
codegen_flags: <defaults>
</compile_context>

<pallas_src>
import functools

import jax
import jax.numpy as jnp
from jax import lax
from jax.experimental import pallas as pl
from jax.experimental.pallas import tpu as pltpu
from jax.experimental.pallas import tpu_sc as plsc

B, H, S, E = 8, 16, 2048, 128
_SPLIT = 768


_HB = 8


def _tc_copy_body(n_ref, t_ref, cache_ref, out_ref):
    out_ref[...] = cache_ref[...]
    slot = n_ref[0] + 1
    out_ref[0, :, pl.ds(slot, 1), :] = t_ref[0, :, :, :]


def _tc_copy(n_arr, t, cache):
    cache_spec = pl.BlockSpec((1, _HB, S, E), lambda b, h: (b, h, 0, 0))
    t_spec = pl.BlockSpec((1, _HB, 1, E), lambda b, h: (b, h, 0, 0))
    return pl.pallas_call(
        _tc_copy_body,
        grid=(B, H // _HB),
        out_shape=jax.ShapeDtypeStruct(cache.shape, cache.dtype),
        in_specs=[pl.BlockSpec(memory_space=pltpu.MemorySpace.SMEM),
                  t_spec, cache_spec],
        out_specs=cache_spec,
        compiler_params=pltpu.CompilerParams(
            dimension_semantics=("parallel", "parallel")),
    )(n_arr, t, cache)



_SB = 256
_S_TC = S - _SPLIT


def _tc_finish_body(n_ref, t_ref, cache_ref, part_ref, out_ref):
    del part_ref
    out_ref[...] = cache_ref[...]
    slot = n_ref[0] + 1
    sk = pl.program_id(1)
    base = _SPLIT + sk * _SB

    @pl.when(jnp.logical_and(slot >= base, slot < base + _SB))
    def _():
        out_ref[0, :, pl.ds(slot - base, 1), :] = t_ref[0, :, :, :]


def _tc_finish(n_arr, t, part, cache):
    cache_spec = pl.BlockSpec(
        (1, H, _SB, E), lambda b, k: (b, 0, k + _SPLIT // _SB, 0))
    t_spec = pl.BlockSpec((1, H, 1, E), lambda b, k: (b, 0, 0, 0))
    return pl.pallas_call(
        _tc_finish_body,
        grid=(B, _S_TC // _SB),
        out_shape=jax.ShapeDtypeStruct(cache.shape, cache.dtype),
        in_specs=[pl.BlockSpec(memory_space=pltpu.MemorySpace.SMEM),
                  t_spec,
                  cache_spec,
                  pl.BlockSpec(memory_space=pltpu.MemorySpace.HBM)],
        out_specs=cache_spec,
        input_output_aliases={2: 0},
        compiler_params=pltpu.CompilerParams(
            dimension_semantics=("parallel", "parallel")),
    )(n_arr, t, part, cache)



_NC, _NS = 2, 16
_NW = _NC * _NS
_HPW = (B * H) // _NW
_CHUNK = 256
_SCHUNKS = _SPLIT // _CHUNK


def _sc_copy_body(slot_hbm, vt_hbm, vc_hbm, out_hbm,
                  buf, rowbuf, slot_idx, insems, outsems, rowsem):
    cc = lax.axis_index("c")
    ss = lax.axis_index("s")
    wid = ss * _NC + cc
    pltpu.sync_copy(slot_hbm, slot_idx)

    def refs(t):
        j, ci = divmod(t, _SCHUNKS)
        head = wid * _HPW + j
        b = head // H
        h = head % H
        src = vc_hbm.at[b, h, pl.ds(ci * _CHUNK, _CHUNK), :]
        dst = out_hbm.at[b, h, pl.ds(ci * _CHUNK, _CHUNK), :]
        return src, dst

    total = _HPW * _SCHUNKS
    in_copies = [None] * total
    out_copies = [None] * total
    src0, _ = refs(0)
    in_copies[0] = pltpu.make_async_copy(src0, buf.at[0], insems.at[0])
    in_copies[0].start()
    for t in range(total):
        bi = t % 2
        if t + 1 < total:
            if t >= 1:
                out_copies[t - 1].wait()
            srcn, _ = refs(t + 1)
            nbi = (t + 1) % 2
            in_copies[t + 1] = pltpu.make_async_copy(
                srcn, buf.at[nbi], insems.at[nbi])
            in_copies[t + 1].start()
        in_copies[t].wait()
        _, dst = refs(t)
        out_copies[t] = pltpu.make_async_copy(buf.at[bi], dst, outsems.at[bi])
        out_copies[t].start()
    out_copies[total - 2].wait()
    out_copies[total - 1].wait()

    for j in range(_HPW):
        head = wid * _HPW + j
        b = head // H
        h = head % H
        cin = pltpu.make_async_copy(vt_hbm.at[b, h], rowbuf, rowsem)
        cin.start()
        cin.wait()
        cout = pltpu.make_async_copy(
            rowbuf, out_hbm.at[b, h].at[slot_idx], rowsem)
        cout.start()
        cout.wait()


def _sc_copy(slot_arr, t, cache):
    mesh = plsc.VectorSubcoreMesh(core_axis_name="c", subcore_axis_name="s")
    fn = functools.partial(
        pl.kernel,
        mesh=mesh,
        out_type=jax.ShapeDtypeStruct(cache.shape, cache.dtype),
        scratch_types=[
            pltpu.VMEM((2, _CHUNK, E), jnp.float32),
            pltpu.VMEM((1, E), jnp.float32),
            pltpu.VMEM((1,), jnp.int32),
            pltpu.SemaphoreType.DMA((2,)),
            pltpu.SemaphoreType.DMA((2,)),
            pltpu.SemaphoreType.DMA,
        ],
    )(_sc_copy_body)
    return fn(slot_arr, t, cache)


def kernel(k_t, v_t, k_cache, v_cache, n_cached):
    n_arr = jnp.asarray(n_cached, jnp.int32).reshape(1)
    slot_arr = n_arr + 1
    v_part = _sc_copy(slot_arr, v_t, v_cache)
    new_k = _tc_copy(n_arr, k_t, k_cache)
    new_v = _tc_finish(n_arr, v_t, v_part, v_cache)
    return (new_k, new_v)

# --- scband reference (transcript-rebuilt; emitter-appended) ---
"""Pipeline reference for scband-kvcache-3427383902908 (READ-ONLY COPY).

The authoritative reference and input builder live on the scoring server;
editing this copy changes nothing except your own understanding.
"""

import jax, jax.numpy as jnp
import numpy as np

B, H, S, E = 8, 16, 2048, 128

def setup_inputs(seed: int = 0) -> dict:
    key = jax.random.key(seed)
    ks = jax.random.split(key, 4)
    k_t = jax.random.normal(ks[0], (B, H, 1, E), dtype=jnp.float32)
    v_t = jax.random.normal(ks[1], (B, H, 1, E), dtype=jnp.float32)
    # cache state (torch buffers k_cache / v_cache), already allocated to kv_len=S
    k_cache = jax.random.normal(ks[2], (B, H, S, E), dtype=jnp.float32)
    v_cache = jax.random.normal(ks[3], (B, H, S, E), dtype=jnp.float32)
    n_cached = 1000  # current fill level; write goes to slot n_cached + 1
    return {"k_t": k_t, "v_t": v_t, "k_cache": k_cache, "v_cache": v_cache, "n_cached": n_cached}

def reference(k_t, v_t, k_cache, v_cache, n_cached):
    # Faithful translation of KVCache.add steady-state path:
    #   self.k_cache[:, :, self.n_cached + 1, :] = k_t
    #   self.v_cache[:, :, self.n_cached + 1, :] = v_t
    # scatter-overwrite of one timestep slice into the cache
    new_k = k_cache.at[:, :, n_cached + 1, :].set(k_t[:, :, 0, :])
    new_v = v_cache.at[:, :, n_cached + 1, :].set(v_t[:, :, 0, :])
    return (new_k, new_v)

if __name__ == "__main__":
    import jax
    _d = setup_inputs()
    print(jax.jit(kernel)(*tuple(_d.values())))

</pallas_src>

<mosaic_0001>
#map = affine_map<(d0, d1) -> (0)>
#map1 = affine_map<(d0, d1) -> (0, 0, 0, 0)>
module attributes {stable_mosaic.version = 14 : i64} {
  func.func @_sc_copy_body(%arg0: i32, %arg1: i32, %arg2: memref<1xi32, #tpu.memory_space<hbm>>, %arg3: memref<8x16x1x128xf32, #tpu.memory_space<hbm>>, %arg4: memref<8x16x2048x128xf32, #tpu.memory_space<hbm>>, %arg5: memref<8x16x2048x128xf32, #tpu.memory_space<hbm>>, %arg6: memref<2x256x128xf32, #tpu.memory_space<vmem>>, %arg7: memref<1x128xf32, #tpu.memory_space<vmem>>, %arg8: memref<1xi32, #tpu.memory_space<vmem>>, %arg9: memref<2x!tpu.dma_semaphore, #tpu.memory_space<semaphore_mem>>, %arg10: memref<2x!tpu.dma_semaphore, #tpu.memory_space<semaphore_mem>>, %arg11: memref<!tpu.dma_semaphore, #tpu.memory_space<semaphore_mem>>) attributes {dimension_semantics = [#tpu.dimension_semantics<core_parallel>, #tpu.dimension_semantics<subcore_parallel>], iteration_bounds = array<i64: 2, 16>, scalar_prefetch = 0 : i64, scratch_operands = 6 : i64, tpu.core_type = #tpu.core_type<sc_vector_subcore>, window_params = [{transform_indices = #map}, {transform_indices = #map1}, {transform_indices = #map1}, {transform_indices = #map1}]} {
    %mul3A = arith.constant 2 : i32
    %mul3A_0 = arith.muli %arg1, %mul3A : i32
    %add3A = arith.addi %mul3A_0, %arg0 : i32
    "tpu.region"() ({
      %run_scoped3A = tpu.sem_alloc : memref<!tpu.dma_semaphore, #tpu.memory_space<semaphore_mem>>
      tpu.enqueue_dma source(%arg2 : memref<1xi32, #tpu.memory_space<hbm>>) target(%arg8 : memref<1xi32, #tpu.memory_space<vmem>>) target_semaphore(%run_scoped3A : memref<!tpu.dma_semaphore, #tpu.memory_space<semaphore_mem>>)
      tpu.wait_dma2 semaphore(%run_scoped3A : memref<!tpu.dma_semaphore, #tpu.memory_space<semaphore_mem>>) src(%arg2 : memref<1xi32, #tpu.memory_space<hbm>>) dst(%arg8 : memref<1xi32, #tpu.memory_space<vmem>>)
      tpu.yield
    }) : () -> ()
    %mul3A_1 = arith.constant 4 : i32
    %mul3A_2 = arith.muli %add3A, %mul3A_1 : i32
    %add3A_3 = arith.constant 0 : i32
    %add3A_4 = arith.addi %mul3A_2, %add3A_3 : i32
    %jit3A = arith.constant 16 : i32
    %div3A = arith.divsi %add3A_4, %jit3A : i32
    %sign3A = arith.constant 0 : i32
    %sign3A_5 = arith.cmpi sgt, %add3A_4, %sign3A : i32
    %sign3A_6 = arith.extui %sign3A_5 : i1 to i32
    %sign3A_7 = arith.constant 0 : i32
    %sign3A_8 = arith.cmpi slt, %add3A_4, %sign3A_7 : i32
    %sign3A_9 = arith.extui %sign3A_8 : i1 to i32
    %sign3A_10 = arith.subi %sign3A_6, %sign3A_9 : i32
    %sign3A_11 = arith.constant 0 : i32
    %sign3A_12 = arith.cmpi sgt, %jit3A, %sign3A_11 : i32
    %sign3A_13 = arith.extui %sign3A_12 : i1 to i32
    %sign3A_14 = arith.constant 0 : i32
    %sign3A_15 = arith.cmpi slt, %jit3A, %sign3A_14 : i32
    %sign3A_16 = arith.extui %sign3A_15 : i1 to i32
    %sign3A_17 = arith.subi %sign3A_13, %sign3A_16 : i32
    %ne3A = arith.cmpi ne, %sign3A_10, %sign3A_17 : i32
    %rem3A = arith.remsi %add3A_4, %jit3A : i32
    %ne3A_18 = arith.constant 0 : i32
    %ne3A_19 = arith.cmpi ne, %rem3A, %ne3A_18 : i32
    %and3A = arith.andi %ne3A, %ne3A_19 : i1
    %sub3A = arith.constant 1 : i32
    %sub3A_20 = arith.subi %div3A, %sub3A : i32
    %select_n3A = arith.select %and3A, %sub3A_20, %div3A : i32
    %jit3A_21 = arith.constant 16 : i32
    %eq3A = arith.constant 0 : i32
    %eq3A_22 = arith.cmpi eq, %jit3A_21, %eq3A : i32
    %jit3A_23 = arith.constant 1 : i32
    %select_n3A_24 = arith.select %eq3A_22, %jit3A_23, %jit3A_21 : i32
    %rem3A_25 = arith.remsi %add3A_4, %select_n3A_24 : i32
    %ne3A_26 = arith.constant 0 : i32
    %ne3A_27 = arith.cmpi ne, %rem3A_25, %ne3A_26 : i32
    %lt3A = arith.constant 0 : i32
    %lt3A_28 = arith.cmpi slt, %rem3A_25, %lt3A : i32
    %lt3A_29 = arith.constant 0 : i32
    %lt3A_30 = arith.cmpi slt, %select_n3A_24, %lt3A_29 : i32
    %ne3A_31 = arith.xori %lt3A_28, %lt3A_30 : i1
    %and3A_32 = arith.andi %ne3A_31, %ne3A_27 : i1
    %add3A_33 = arith.addi %rem3A_25, %select_n3A_24 : i32
    %select_n3A_34 = arith.select %and3A_32, %add3A_33, %rem3A_25 : i32
    %dma_start3A = arith.constant 0 : i32
    %dma_start3A_35 = arith.constant 0 : i32
    %dma_start3A_36 = arith.constant 0 : i32
    %dma_start3A_37 = arith.constant 0 : i32
    %dma_start3A_38 = tpu.memref_slice %arg6[%dma_start3A, %dma_start3A_36, %dma_start3A_37] : memref<2x256x128xf32, #tpu.memory_space<vmem>> -> memref<1x256x128xf32, #tpu.memory_space<vmem>>
    %dma_start3A_39 = tpu.memref_squeeze %dma_start3A_38 : memref<1x256x128xf32, #tpu.memory_space<vmem>> -> memref<256x128xf32, #tpu.memory_space<vmem>>
    %dma_start3A_40 = arith.constant 0 : i32
    %dma_start3A_41 = arith.constant 0 : i32
    %dma_start3A_42 = tpu.memref_slice %arg4[%select_n3A, %select_n3A_34, %dma_start3A_40, %dma_start3A_41] : memref<8x16x2048x128xf32, #tpu.memory_space<hbm>> -> memref<1x1x256x128xf32, #tpu.memory_space<hbm>>
    %dma_start3A_43 = tpu.memref_squeeze %dma_start3A_42 : memref<1x1x256x128xf32, #tpu.memory_space<hbm>> -> memref<256x128xf32, #tpu.memory_space<hbm>>
    %dma_start3A_44 = tpu.memref_slice %arg9[%dma_start3A_35] : memref<2x!tpu.dma_semaphore, #tpu.memory_space<semaphore_mem>> -> memref<1x!tpu.dma_semaphore, #tpu.memory_space<semaphore_mem>>
    %dma_start3A_45 = tpu.memref_squeeze %dma_start3A_44 : memref<1x!tpu.dma_semaphore, #tpu.memory_space<semaphore_mem>> -> memref<!tpu.dma_semaphore, #tpu.memory_space<semaphore_mem>>
    %dma_start3A_46 = arith.constant 0 : i32
    %dma_start3A_47 = arith.constant 0 : i32
    %dma_start3A_48 = tpu.memref_slice %arg6[%dma_start3A, %dma_start3A_46, %dma_start3A_47] : memref<2x256x128xf32, #tpu.memory_space<vmem>> -> memref<1x256x128xf32, #tpu.memory_space<vmem>>
    %dma_start3A_49 = tpu.memref_squeeze %dma_start3A_48 : memref<1x256x128xf32, #tpu.memory_space<vmem>> -> memref<256x128xf32, #tpu.memory_space<vmem>>
    %dma_start3A_50 = arith.constant 0 : i32
    %dma_start3A_51 = arith.constant 0 : i32
    %dma_start3A_52 = tpu.memref_slice %arg4[%select_n3A, %select_n3A_34, %dma_start3A_50, %dma_start3A_51] : memref<8x16x2048x128xf32, #tpu.memory_space<hbm>> -> memref<1x1x256x128xf32, #tpu.memory_space<hbm>>
    %dma_start3A_53 = tpu.memref_squeeze %dma_start3A_52 : memref<1x1x256x128xf32, #tpu.memory_space<hbm>> -> memref<256x128xf32, #tpu.memory_space<hbm>>
    tpu.enqueue_dma source(%dma_start3A_53 : memref<256x128xf32, #tpu.memory_space<hbm>>) target(%dma_start3A_49 : memref<256x128xf32, #tpu.memory_space<vmem>>) target_semaphore(%dma_start3A_45 : memref<!tpu.dma_semaphore, #tpu.memory_space<semaphore_mem>>)
    %mul3A_54 = arith.constant 4 : i32
    %mul3A_55 = arith.muli %add3A, %mul3A_54 : i32
    %add3A_56 = arith.constant 0 : i32
    %add3A_57 = arith.addi %mul3A_55, %add3A_56 : i32
    %jit3A_58 = arith.constant 16 : i32
    %div3A_59 = arith.divsi %add3A_57, %jit3A_58 : i32
    %sign3A_60 = arith.constant 0 : i32
    %sign3A_61 = arith.cmpi sgt, %add3A_57, %sign3A_60 : i32
    %sign3A_62 = arith.extui %sign3A_61 : i1 to i32
    %sign3A_63 = arith.constant 0 : i32
    %sign3A_64 = arith.cmpi slt, %add3A_57, %sign3A_63 : i32
    %sign3A_65 = arith.extui %sign3A_64 : i1 to i32
    %sign3A_66 = arith.subi %sign3A_62, %sign3A_65 : i32
    %sign3A_67 = arith.constant 0 : i32
    %sign3A_68 = arith.cmpi sgt, %jit3A_58, %sign3A_67 : i32
    %sign3A_69 = arith.extui %sign3A_68 : i1 to i32
    %sign3A_70 = arith.constant 0 : i32
    %sign3A_71 = arith.cmpi slt, %jit3A_58, %sign3A_70 : i32
    %sign3A_72 = arith.extui %sign3A_71 : i1 to i32
    %sign3A_73 = arith.subi %sign3A_69, %sign3A_72 : i32
    %ne3A_74 = arith.cmpi ne, %sign3A_66, %sign3A_73 : i32
    %rem3A_75 = arith.remsi %add3A_57, %jit3A_58 : i32
    %ne3A_76 = arith.constant 0 : i32
    %ne3A_77 = arith.cmpi ne, %rem3A_75, %ne3A_76 : i32
    %and3A_78 = arith.andi %ne3A_74, %ne3A_77 : i1
    %sub3A_79 = arith.constant 1 : i32
    %sub3A_80 = arith.subi %div3A_59, %sub3A_79 : i32
    %select_n3A_81 = arith.select %and3A_78, %sub3A_80, %div3A_59 : i32
    %jit3A_82 = arith.constant 16 : i32
    %eq3A_83 = arith.constant 0 : i32
    %eq3A_84 = arith.cmpi eq, %jit3A_82, %eq3A_83 : i32
    %jit3A_85 = arith.constant 1 : i32
    %select_n3A_86 = arith.select %eq3A_84, %jit3A_85, %jit3A_82 : i32
    %rem3A_87 = arith.remsi %add3A_57, %select_n3A_86 : i32
    %ne3A_88 = arith.constant 0 : i32
    %ne3A_89 = arith.cmpi ne, %rem3A_87, %ne3A_88 : i32
    %lt3A_90 = arith.constant 0 : i32
    %lt3A_91 = arith.cmpi slt, %rem3A_87, %lt3A_90 : i32
    %lt3A_92 = arith.constant 0 : i32
    %lt3A_93 = arith.cmpi slt, %select_n3A_86, %lt3A_92 : i32
    %ne3A_94 = arith.xori %lt3A_91, %lt3A_93 : i1
    %and3A_95 = arith.andi %ne3A_94, %ne3A_89 : i1
    %add3A_96 = arith.addi %rem3A_87, %select_n3A_86 : i32
    %select_n3A_97 = arith.select %and3A_95, %add3A_96, %rem3A_87 : i32
    %dma_start3A_98 = arith.constant 1 : i32
    %dma_start3A_99 = arith.constant 1 : i32
    %dma_start3A_100 = arith.constant 0 : i32
    %dma_start3A_101 = arith.constant 0 : i32
    %dma_start3A_102 = tpu.memref_slice %arg6[%dma_start3A_98, %dma_start3A_100, %dma_start3A_101] : memref<2x256x128xf32, #tpu.memory_space<vmem>> -> memref<1x256x128xf32, #tpu.memory_space<vmem>>
    %dma_start3A_103 = tpu.memref_squeeze %dma_start3A_102 : memref<1x256x128xf32, #tpu.memory_space<vmem>> -> memref<256x128xf32, #tpu.memory_space<vmem>>
    %dma_start3A_104 = arith.constant 256 : i32
    %dma_start3A_105 = arith.constant 0 : i32
    %dma_start3A_106 = tpu.memref_slice %arg4[%select_n3A_81, %select_n3A_97, %dma_start3A_104, %dma_start3A_105] : memref<8x16x2048x128xf32, #tpu.memory_space<hbm>> -> memref<1x1x256x128xf32, #tpu.memory_space<hbm>>
    %dma_start3A_107 = tpu.memref_squeeze %dma_start3A_106 : memref<1x1x256x128xf32, #tpu.memory_space<hbm>> -> memref<256x128xf32, #tpu.memory_space<hbm>>
    %dma_start3A_108 = tpu.memref_slice %arg9[%dma_start3A_99] : memref<2x!tpu.dma_semaphore, #tpu.memory_space<semaphore_mem>> -> memref<1x!tpu.dma_semaphore, #tpu.memory_space<semaphore_mem>>
    %dma_start3A_109 = tpu.memref_squeeze %dma_start3A_108 : memref<1x!tpu.dma_semaphore, #tpu.memory_space<semaphore_mem>> -> memref<!tpu.dma_semaphore, #tpu.memory_space<semaphore_mem>>
    %dma_start3A_110 = arith.constant 0 : i32
    %dma_start3A_111 = arith.constant 0 : i32
    %dma_start3A_112 = tpu.memref_slice %arg6[%dma_start3A_98, %dma_start3A_110, %dma_start3A_111] : memref<2x256x128xf32, #tpu.memory_space<vmem>> -> memref<1x256x128xf32, #tpu.memory_space<vmem>>
    %dma_start3A_113 = tpu.memref_squeeze %dma_start3A_112 : memref<1x256x128xf32, #tpu.memory_space<vmem>> -> memref<256x128xf32, #tpu.memory_space<vmem>>
    %dma_start3A_114 = arith.constant 256 : i32
    %dma_start3A_115 = arith.constant 0 : i32
    %dma_start3A_116 = tpu.memref_slice %arg4[%select_n3A_81, %select_n3A_97, %dma_start3A_114, %dma_start3A_115] : memref<8x16x2048x128xf32, #tpu.memory_space<hbm>> -> memref<1x1x256x128xf32, #tpu.memory_space<hbm>>
    %dma_start3A_117 = tpu.memref_squeeze %dma_start3A_116 : memref<1x1x256x128xf32, #tpu.memory_space<hbm>> -> memref<256x128xf32, #tpu.memory_space<hbm>>
    tpu.enqueue_dma source(%dma_start3A_117 : memref<256x128xf32, #tpu.memory_space<hbm>>) target(%dma_start3A_113 : memref<256x128xf32, #tpu.memory_space<vmem>>) target_semaphore(%dma_start3A_109 : memref<!tpu.dma_semaphore, #tpu.memory_space<semaphore_mem>>)
    %dma_wait3A = arith.constant 0 : i32
    %dma_wait3A_118 = arith.constant 0 : i32
    %dma_wait3A_119 = arith.constant 0 : i32
    %dma_wait3A_120 = arith.constant 0 : i32
    %dma_wait3A_121 = tpu.memref_slice %arg6[%dma_wait3A, %dma_wait3A_119, %dma_wait3A_120] : memref<2x256x128xf32, #tpu.memory_space<vmem>> -> memref<1x256x128xf32, #tpu.memory_space<vmem>>
    %dma_wait3A_122 = tpu.memref_squeeze %dma_wait3A_121 : memref<1x256x128xf32, #tpu.memory_space<vmem>> -> memref<256x128xf32, #tpu.memory_space<vmem>>
    %dma_wait3A_123 = arith.constant 0 : i32
    %dma_wait3A_124 = arith.constant 0 : i32
    %dma_wait3A_125 = tpu.memref_slice %arg4[%select_n3A, %select_n3A_34, %dma_wait3A_123, %dma_wait3A_124] : memref<8x16x2048x128xf32, #tpu.memory_space<hbm>> -> memref<1x1x256x128xf32, #tpu.memory_space<hbm>>
    %dma_wait3A_126 = tpu.memref_squeeze %dma_wait3A_125 : memref<1x1x256x128xf32, #tpu.memory_space<hbm>> -> memref<256x128xf32, #tpu.memory_space<hbm>>
    %dma_wait3A_127 = tpu.memref_slice %arg9[%dma_wait3A_118] : memref<2x!tpu.dma_semaphore, #tpu.memory_space<semaphore_mem>> -> memref<1x!tpu.dma_semaphore, #tpu.memory_space<semaphore_mem>>
    %dma_wait3A_128 = tpu.memref_squeeze %dma_wait3A_127 : memref<1x!tpu.dma_semaphore, #tpu.memory_space<semaphore_mem>> -> memref<!tpu.dma_semaphore, #tpu.memory_space<semaphore_mem>>
    %dma_wait3A_129 = arith.constant 0 : i32
    %dma_wait3A_130 = arith.constant 0 : i32
    %dma_wait3A_131 = tpu.memref_slice %arg6[%dma_wait3A, %dma_wait3A_129, %dma_wait3A_130] : memref<2x256x128xf32, #tpu.memory_space<vmem>> -> memref<1x256x128xf32, #tpu.memory_space<vmem>>
    %dma_wait3A_132 = tpu.memref_squeeze %dma_wait3A_131 : memref<1x256x128xf32, #tpu.memory_space<vmem>> -> memref<256x128xf32, #tpu.memory_space<vmem>>
    %dma_wait3A_133 = arith.constant 0 : i32
    %dma_wait3A_134 = arith.constant 0 : i32
    %dma_wait3A_135 = tpu.memref_slice %arg4[%select_n3A, %select_n3A_34, %dma_wait3A_133, %dma_wait3A_134] : memref<8x16x2048x128xf32, #tpu.memory_space<hbm>> -> memref<1x1x256x128xf32, #tpu.memory_space<hbm>>
    %dma_wait3A_136 = tpu.memref_squeeze %dma_wait3A_135 : memref<1x1x256x128xf32, #tpu.memory_space<hbm>> -> memref<256x128xf32, #tpu.memory_space<hbm>>
    tpu.wait_dma2 semaphore(%dma_wait3A_128 : memref<!tpu.dma_semaphore, #tpu.memory_space<semaphore_mem>>) src(%dma_wait3A_136 : memref<256x128xf32, #tpu.memory_space<hbm>>) dst(%dma_wait3A_132 : memref<256x128xf32, #tpu.memory_space<vmem>>)
    %mul3A_137 = arith.constant 4 : i32
    %mul3A_138 = arith.muli %add3A, %mul3A_137 : i32
    %add3A_139 = arith.constant 0 : i32
    %add3A_140 = arith.addi %mul3A_138, %add3A_139 : i32
    %jit3A_141 = arith.constant 16 : i32
    %div3A_142 = arith.divsi %add3A_140, %jit3A_141 : i32
    %sign3A_143 = arith.constant 0 : i32
    %sign3A_144 = arith.cmpi sgt, %add3A_140, %sign3A_143 : i32
    %sign3A_145 = arith.extui %sign3A_144 : i1 to i32
    %sign3A_146 = arith.constant 0 : i32
    %sign3A_147 = arith.cmpi slt, %add3A_140, %sign3A_146 : i32
    %sign3A_148 = arith.extui %sign3A_147 : i1 to i32
    %sign3A_149 = arith.subi %sign3A_145, %sign3A_148 : i32
    %sign3A_150 = arith.constant 0 : i32
    %sign3A_151 = arith.cmpi sgt, %jit3A_141, %sign3A_150 : i32
    %sign3A_152 = arith.extui %sign3A_151 : i1 to i32
    %sign3A_153 = arith.constant 0 : i32
    %sign3A_154 = arith.cmpi slt, %jit3A_141, %sign3A_153 : i32
    %sign3A_155 = arith.extui %sign3A_154 : i1 to i32
    %sign3A_156 = arith.subi %sign3A_152, %sign3A_155 : i32
    %ne3A_157 = arith.cmpi ne, %sign3A_149, %sign3A_156 : i32
    %rem3A_158 = arith.remsi %add3A_140, %jit3A_141 : i32
    %ne3A_159 = arith.constant 0 : i32
    %ne3A_160 = arith.cmpi ne, %rem3A_158, %ne3A_159 : i32
    %and3A_161 = arith.andi %ne3A_157, %ne3A_160 : i1
    %sub3A_162 = arith.constant 1 : i32
    %sub3A_163 = arith.subi %div3A_142, %sub3A_162 : i32
    %select_n3A_164 = arith.select %and3A_161, %sub3A_163, %div3A_142 : i32
    %jit3A_165 = arith.constant 16 : i32
    %eq3A_166 = arith.constant 0 : i32
    %eq3A_167 = arith.cmpi eq, %jit3A_165, %eq3A_166 : i32
    %jit3A_168 = arith.constant 1 : i32
    %select_n3A_169 = arith.select %eq3A_167, %jit3A_168, %jit3A_165 : i32
    %rem3A_170 = arith.remsi %add3A_140, %select_n3A_169 : i32
    %ne3A_171 = arith.constant 0 : i32
    %ne3A_172 = arith.cmpi ne, %rem3A_170, %ne3A_171 : i32
    %lt3A_173 = arith.constant 0 : i32
    %lt3A_174 = arith.cmpi slt, %rem3A_170, %lt3A_173 : i32
    %lt3A_175 = arith.constant 0 : i32
    %lt3A_176 = arith.cmpi slt, %select_n3A_169, %lt3A_175 : i32
    %ne3A_177 = arith.xori %lt3A_174, %lt3A_176 : i1
    %and3A_178 = arith.andi %ne3A_177, %ne3A_172 : i1
    %add3A_179 = arith.addi %rem3A_170, %select_n3A_169 : i32
    %select_n3A_180 = arith.select %and3A_178, %add3A_179, %rem3A_170 : i32
    %dma_start3A_181 = arith.constant 0 : i32
    %dma_start3A_182 = arith.constant 0 : i32
    %dma_start3A_183 = arith.constant 0 : i32
    %dma_start3A_184 = arith.constant 0 : i32
    %dma_start3A_185 = tpu.memref_slice %arg6[%dma_start3A_181, %dma_start3A_183, %dma_start3A_184] : memref<2x256x128xf32, #tpu.memory_space<vmem>> -> memref<1x256x128xf32, #tpu.memory_space<vmem>>
    %dma_start3A_186 = tpu.memref_squeeze %dma_start3A_185 : memref<1x256x128xf32, #tpu.memory_space<vmem>> -> memref<256x128xf32, #tpu.memory_space<vmem>>
    %dma_start3A_187 = arith.constant 0 : i32
    %dma_start3A_188 = arith.constant 0 : i32
    %dma_start3A_189 = tpu.memref_slice %arg5[%select_n3A_164, %select_n3A_180, %dma_start3A_187, %dma_start3A_188] : memref<8x16x2048x128xf32, #tpu.memory_space<hbm>> -> memref<1x1x256x128xf32, #tpu.memory_space<hbm>>
    %dma_start3A_190 = tpu.memref_squeeze %dma_start3A_189 : memref<1x1x256x128xf32, #tpu.memory_space<hbm>> -> memref<256x128xf32, #tpu.memory_space<hbm>>
    %dma_start3A_191 = tpu.memref_slice %arg10[%dma_start3A_182] : memref<2x!tpu.dma_semaphore, #tpu.memory_space<semaphore_mem>> -> memref<1x!tpu.dma_semaphore, #tpu.memory_space<semaphore_mem>>
    %dma_start3A_192 = tpu.memref_squeeze %dma_start3A_191 : memref<1x!tpu.dma_semaphore, #tpu.memory_space<semaphore_mem>> -> memref<!tpu.dma_semaphore, #tpu.memory_space<semaphore_mem>>
    %dma_start3A_193 = arith.constant 0 : i32
    %dma_start3A_194 = arith.constant 0 : i32
    %dma_start3A_195 = tpu.memref_slice %arg5[%select_n3A_164, %select_n3A_180, %dma_start3A_193, %dma_start3A_194] : memref<8x16x2048x128xf32, #tpu.memory_space<hbm>> -> memref<1x1x256x128xf32, #tpu.memory_space<hbm>>
    %dma_start3A_196 = tpu.memref_squeeze %dma_start3A_195 : memref<1x1x256x128xf32, #tpu.memory_space<hbm>> -> memref<256x128xf32, #tpu.memory_space<hbm>>
    %dma_start3A_197 = arith.constant 0 : i32
    %dma_start3A_198 = arith.constant 0 : i32
    %dma_start3A_199 = tpu.memref_slice %arg6[%dma_start3A_181, %dma_start3A_197, %dma_start3A_198] : memref<2x256x128xf32, #tpu.memory_space<vmem>> -> memref<1x256x128xf32, #tpu.memory_space<vmem>>
    %dma_start3A_200 = tpu.memref_squeeze %dma_start3A_199 : memref<1x256x128xf32, #tpu.memory_space<vmem>> -> memref<256x128xf32, #tpu.memory_space<vmem>>
    tpu.enqueue_dma source(%dma_start3A_200 : memref<256x128xf32, #tpu.memory_space<vmem>>) target(%dma_start3A_196 : memref<256x128xf32, #tpu.memory_space<hbm>>) target_semaphore(%dma_start3A_192 : memref<!tpu.dma_semaphore, #tpu.memory_space<semaphore_mem>>)
    %dma_wait3A_201 = arith.constant 0 : i32
    %dma_wait3A_202 = arith.constant 0 : i32
    %dma_wait3A_203 = arith.constant 0 : i32
    %dma_wait3A_204 = arith.constant 0 : i32
    %dma_wait3A_205 = tpu.memref_slice %arg6[%dma_wait3A_201, %dma_wait3A_203, %dma_wait3A_204] : memref<2x256x128xf32, #tpu.memory_space<vmem>> -> memref<1x256x128xf32, #tpu.memory_space<vmem>>
    %dma_wait3A_206 = tpu.memref_squeeze %dma_wait3A_205 : memref<1x256x128xf32, #tpu.memory_space<vmem>> -> memref<256x128xf32, #tpu.memory_space<vmem>>
    %dma_wait3A_207 = arith.constant 0 : i32
    %dma_wait3A_208 = arith.constant 0 : i32
    %dma_wait3A_209 = tpu.memref_slice %arg5[%select_n3A_164, %select_n3A_180, %dma_wait3A_207, %dma_wait3A_208] : memref<8x16x2048x128xf32, #tpu.memory_space<hbm>> -> memref<1x1x256x128xf32, #tpu.memory_space<hbm>>
    %dma_wait3A_210 = tpu.memref_squeeze %dma_wait3A_209 : memref<1x1x256x128xf32, #tpu.memory_space<hbm>> -> memref<256x128xf32, #tpu.memory_space<hbm>>
    %dma_wait3A_211 = tpu.memref_slice %arg10[%dma_wait3A_202] : memref<2x!tpu.dma_semaphore, #tpu.memory_space<semaphore_mem>> -> memref<1x!tpu.dma_semaphore, #tpu.memory_space<semaphore_mem>>
    %dma_wait3A_212 = tpu.memref_squeeze %dma_wait3A_211 : memref<1x!tpu.dma_semaphore, #tpu.memory_space<semaphore_mem>> -> memref<!tpu.dma_semaphore, #tpu.memory_space<semaphore_mem>>
    %dma_wait3A_213 = arith.constant 0 : i32
    %dma_wait3A_214 = arith.constant 0 : i32
    %dma_wait3A_215 = tpu.memref_slice %arg5[%select_n3A_164, %select_n3A_180, %dma_wait3A_213, %dma_wait3A_214] : memref<8x16x2048x128xf32, #tpu.memory_space<hbm>> -> memref<1x1x256x128xf32, #tpu.memory_space<hbm>>
    %dma_wait3A_216 = tpu.memref_squeeze %dma_wait3A_215 : memref<1x1x256x128xf32, #tpu.memory_space<hbm>> -> memref<256x128xf32, #tpu.memory_space<hbm>>
    %dma_wait3A_217 = arith.constant 0 : i32
    %dma_wait3A_218 = arith.constant 0 : i32
    %dma_wait3A_219 = tpu.memref_slice %arg6[%dma_wait3A_201, %dma_wait3A_217, %dma_wait3A_218] : memref<2x256x128xf32, #tpu.memory_space<vmem>> -> memref<1x256x128xf32, #tpu.memory_space<vmem>>
    %dma_wait3A_220 = tpu.memref_squeeze %dma_wait3A_219 : memref<1x256x128xf32, #tpu.memory_space<vmem>> -> memref<256x128xf32, #tpu.memory_space<vmem>>
    tpu.wait_dma2 semaphore(%dma_wait3A_212 : memref<!tpu.dma_semaphore, #tpu.memory_space<semaphore_mem>>) src(%dma_wait3A_220 : memref<256x128xf32, #tpu.memory_space<vmem>>) dst(%dma_wait3A_216 : memref<256x128xf32, #tpu.memory_space<hbm>>)
    %mul3A_221 = arith.constant 4 : i32
    %mul3A_222 = arith.muli %add3A, %mul3A_221 : i32
    %add3A_223 = arith.constant 0 : i32
    %add3A_224 = arith.addi %mul3A_222, %add3A_223 : i32
    %jit3A_225 = arith.constant 16 : i32
    %div3A_226 = arith.divsi %add3A_224, %jit3A_225 : i32
    %sign3A_227 = arith.constant 0 : i32
    %sign3A_228 = arith.cmpi sgt, %add3A_224, %sign3A_227 : i32
    %sign3A_229 = arith.extui %sign3A_228 : i1 to i32
    %sign3A_230 = arith.constant 0 : i32
    %sign3A_231 = arith.cmpi slt, %add3A_224, %sign3A_230 : i32
    %sign3A_232 = arith.extui %sign3A_231 : i1 to i32
    %sign3A_233 = arith.subi %sign3A_229, %sign3A_232 : i32
    %sign3A_234 = arith.constant 0 : i32
    %sign3A_235 = arith.cmpi sgt, %jit3A_225, %sign3A_234 : i32
    %sign3A_236 = arith.extui %sign3A_235 : i1 to i32
    %sign3A_237 = arith.constant 0 : i32
    %sign3A_238 = arith.cmpi slt, %jit3A_225, %sign3A_237 : i32
    %sign3A_239 = arith.extui %sign3A_238 : i1 to i32
    %sign3A_240 = arith.subi %sign3A_236, %sign3A_239 : i32
    %ne3A_241 = arith.cmpi ne, %sign3A_233, %sign3A_240 : i32
    %rem3A_242 = arith.remsi %add3A_224, %jit3A_225 : i32
    %ne3A_243 = arith.constant 0 : i32
    %ne3A_244 = arith.cmpi ne, %rem3A_242, %ne3A_243 : i32
    %and3A_245 = arith.andi %ne3A_241, %ne3A_244 : i1
    %sub3A_246 = arith.constant 1 : i32
    %sub3A_247 = arith.subi %div3A_226, %sub3A_246 : i32
    %select_n3A_248 = arith.select %and3A_245, %sub3A_247, %div3A_226 : i32
    %jit3A_249 = arith.constant 16 : i32
    %eq3A_250 = arith.constant 0 : i32
    %eq3A_251 = arith.cmpi eq, %jit3A_249, %eq3A_250 : i32
    %jit3A_252 = arith.constant 1 : i32
    %select_n3A_253 = arith.select %eq3A_251, %jit3A_252, %jit3A_249 : i32
    %rem3A_254 = arith.remsi %add3A_224, %select_n3A_253 : i32
    %ne3A_255 = arith.constant 0 : i32
    %ne3A_256 = arith.cmpi ne, %rem3A_254, %ne3A_255 : i32
    %lt3A_257 = arith.constant 0 : i32
    %lt3A_258 = arith.cmpi slt, %rem3A_254, %lt3A_257 : i32
    %lt3A_259 = arith.constant 0 : i32
    %lt3A_260 = arith.cmpi slt, %select_n3A_253, %lt3A_259 : i32
    %ne3A_261 = arith.xori %lt3A_258, %lt3A_260 : i1
    %and3A_262 = arith.andi %ne3A_261, %ne3A_256 : i1
    %add3A_263 = arith.addi %rem3A_254, %select_n3A_253 : i32
    %select_n3A_264 = arith.select %and3A_262, %add3A_263, %rem3A_254 : i32
    %dma_start3A_265 = arith.constant 0 : i32
    %dma_start3A_266 = arith.constant 0 : i32
    %dma_start3A_267 = arith.constant 0 : i32
    %dma_start3A_268 = arith.constant 0 : i32
    %dma_start3A_269 = tpu.memref_slice %arg6[%dma_start3A_265, %dma_start3A_267, %dma_start3A_268] : memref<2x256x128xf32, #tpu.memory_space<vmem>> -> memref<1x256x128xf32, #tpu.memory_space<vmem>>
    %dma_start3A_270 = tpu.memref_squeeze %dma_start3A_269 : memref<1x256x128xf32, #tpu.memory_space<vmem>> -> memref<256x128xf32, #tpu.memory_space<vmem>>
    %dma_start3A_271 = arith.constant 512 : i32
    %dma_start3A_272 = arith.constant 0 : i32
    %dma_start3A_273 = tpu.memref_slice %arg4[%select_n3A_248, %select_n3A_264, %dma_start3A_271, %dma_start3A_272] : memref<8x16x2048x128xf32, #tpu.memory_space<hbm>> -> memref<1x1x256x128xf32, #tpu.memory_space<hbm>>
    %dma_start3A_274 = tpu.memref_squeeze %dma_start3A_273 : memref<1x1x256x128xf32, #tpu.memory_space<hbm>> -> memref<256x128xf32, #tpu.memory_space<hbm>>
    %dma_start3A_275 = tpu.memref_slice %arg9[%dma_start3A_266] : memref<2x!tpu.dma_semaphore, #tpu.memory_space<semaphore_mem>> -> memref<1x!tpu.dma_semaphore, #tpu.memory_space<semaphore_mem>>
    %dma_start3A_276 = tpu.memref_squeeze %dma_start3A_275 : memref<1x!tpu.dma_semaphore, #tpu.memory_space<semaphore_mem>> -> memref<!tpu.dma_semaphore, #tpu.memory_space<semaphore_mem>>
    %dma_start3A_277 = arith.constant 0 : i32
    %dma_start3A_278 = arith.constant 0 : i32
    %dma_start3A_279 = tpu.memref_slice %arg6[%dma_start3A_265, %dma_start3A_277, %dma_start3A_278] : memref<2x256x128xf32, #tpu.memory_space<vmem>> -> memref<1x256x128xf32, #tpu.memory_space<vmem>>
    %dma_start3A_280 = tpu.memref_squeeze %dma_start3A_279 : memref<1x256x128xf32, #tpu.memory_space<vmem>> -> memref<256x128xf32, #tpu.memory_space<vmem>>
    %dma_start3A_281 = arith.constant 512 : i32
    %dma_start3A_282 = arith.constant 0 : i32
    %dma_start3A_283 = tpu.memref_slice %arg4[%select_n3A_248, %select_n3A_264, %dma_start3A_281, %dma_start3A_282] : memref<8x16x2048x128xf32, #tpu.memory_space<hbm>> -> memref<1x1x256x128xf32, #tpu.memory_space<hbm>>
    %dma_start3A_284 = tpu.memref_squeeze %dma_start3A_283 : memref<1x1x256x128xf32, #tpu.memory_space<hbm>> -> memref<256x128xf32, #tpu.memory_space<hbm>>
    tpu.enqueue_dma source(%dma_start3A_284 : memref<256x128xf32, #tpu.memory_space<hbm>>) target(%dma_start3A_280 : memref<256x128xf32, #tpu.memory_space<vmem>>) target_semaphore(%dma_start3A_276 : memref<!tpu.dma_semaphore, #tpu.memory_space<semaphore_mem>>)
    %dma_wait3A_285 = arith.constant 1 : i32
    %dma_wait3A_286 = arith.constant 1 : i32
    %dma_wait3A_287 = arith.constant 0 : i32
    %dma_wait3A_288 = arith.constant 0 : i32
    %dma_wait3A_289 = tpu.memref_slice %arg6[%dma_wait3A_285, %dma_wait3A_287, %dma_wait3A_288] : memref<2x256x128xf32, #tpu.memory_space<vmem>> -> memref<1x256x128xf32, #tpu.memory_space<vmem>>
    %dma_wait3A_290 = tpu.memref_squeeze %dma_wait3A_289 : memref<1x256x128xf32, #tpu.memory_space<vmem>> -> memref<256x128xf32, #tpu.memory_space<vmem>>
    %dma_wait3A_291 = arith.constant 256 : i32
    %dma_wait3A_292 = arith.constant 0 : i32
    %dma_wait3A_293 = tpu.memref_slice %arg4[%select_n3A_81, %select_n3A_97, %dma_wait3A_291, %dma_wait3A_292] : memref<8x16x2048x128xf32, #tpu.memory_space<hbm>> -> memref<1x1x256x128xf32, #tpu.memory_space<hbm>>
    %dma_wait3A_294 = tpu.memref_squeeze %dma_wait3A_293 : memref<1x1x256x128xf32, #tpu.memory_space<hbm>> -> memref<256x128xf32, #tpu.memory_space<hbm>>
    %dma_wait3A_295 = tpu.memref_slice %arg9[%dma_wait3A_286] : memref<2x!tpu.dma_semaphore, #tpu.memory_space<semaphore_mem>> -> memref<1x!tpu.dma_semaphore, #tpu.memory_space<semaphore_mem>>
    %dma_wait3A_296 = tpu.memref_squeeze %dma_wait3A_295 : memref<1x!tpu.dma_semaphore, #tpu.memory_space<semaphore_mem>> -> memref<!tpu.dma_semaphore, #tpu.memory_space<semaphore_mem>>
    %dma_wait3A_297 = arith.constant 0 : i32
    %dma_wait3A_298 = arith.constant 0 : i32
    %dma_wait3A_299 = tpu.memref_slice %arg6[%dma_wait3A_285, %dma_wait3A_297, %dma_wait3A_298] : memref<2x256x128xf32, #tpu.memory_space<vmem>> -> memref<1x256x128xf32, #tpu.memory_space<vmem>>
    %dma_wait3A_300 = tpu.memref_squeeze %dma_wait3A_299 : memref<1x256x128xf32, #tpu.memory_space<vmem>> -> memref<256x128xf32, #tpu.memory_space<vmem>>
    %dma_wait3A_301 = arith.constant 256 : i32
    %dma_wait3A_302 = arith.constant 0 : i32
    %dma_wait3A_303 = tpu.memref_slice %arg4[%select_n3A_81, %select_n3A_97, %dma_wait3A_301, %dma_wait3A_302] : memref<8x16x2048x128xf32, #tpu.memory_space<hbm>> -> memref<1x1x256x128xf32, #tpu.memory_space<hbm>>
    %dma_wait3A_304 = tpu.memref_squeeze %dma_wait3A_303 : memref<1x1x256x128xf32, #tpu.memory_space<hbm>> -> memref<256x128xf32, #tpu.memory_space<hbm>>
    tpu.wait_dma2 semaphore(%dma_wait3A_296 : memref<!tpu.dma_semaphore, #tpu.memory_space<semaphore_mem>>) src(%dma_wait3A_304 : memref<256x128xf32, #tpu.memory_space<hbm>>) dst(%dma_wait3A_300 : memref<256x128xf32, #tpu.memory_space<vmem>>)
    %mul3A_305 = arith.constant 4 : i32
    %mul3A_306 = arith.muli %add3A, %mul3A_305 : i32
    %add3A_307 = arith.constant 0 : i32
    %add3A_308 = arith.addi %mul3A_306, %add3A_307 : i32
    %jit3A_309 = arith.constant 16 : i32
    %div3A_310 = arith.divsi %add3A_308, %jit3A_309 : i32
    %sign3A_311 = arith.constant 0 : i32
    %sign3A_312 = arith.cmpi sgt, %add3A_308, %sign3A_311 : i32
    %sign3A_313 = arith.extui %sign3A_312 : i1 to i32
    %sign3A_314 = arith.constant 0 : i32
    %sign3A_315 = arith.cmpi slt, %add3A_308, %sign3A_314 : i32
    %sign3A_316 = arith.extui %sign3A_315 : i1 to i32
    %sign3A_317 = arith.subi %sign3A_313, %sign3A_316 : i32
    %sign3A_318 = arith.constant 0 : i32
    %sign3A_319 = arith.cmpi sgt, %jit3A_309, %sign3A_318 : i32
    %sign3A_320 = arith.extui %sign3A_319 : i1 to i32
    %sign3A_321 = arith.constant 0 : i32
    %sign3A_322 = arith.cmpi slt, %jit3A_309, %sign3A_321 : i32
    %sign3A_323 = arith.extui %sign3A_322 : i1 to i32
    %sign3A_324 = arith.subi %sign3A_320, %sign3A_323 : i32
    %ne3A_325 = arith.cmpi ne, %sign3A_317, %sign3A_324 : i32
    %rem3A_326 = arith.remsi %add3A_308, %jit3A_309 : i32
    %ne3A_327 = arith.constant 0 : i32
    %ne3A_328 = arith.cmpi ne, %rem3A_326, %ne3A_327 : i32
    %and3A_329 = arith.andi %ne3A_325, %ne3A_328 : i1
    %sub3A_330 = arith.constant 1 : i32
    %sub3A_331 = arith.subi %div3A_310, %sub3A_330 : i32
    %select_n3A_332 = arith.select %and3A_329, %sub3A_331, %div3A_310 : i32
    %jit3A_333 = arith.constant 16 : i32
    %eq3A_334 = arith.constant 0 : i32
    %eq3A_335 = arith.cmpi eq, %jit3A_333, %eq3A_334 : i32
    %jit3A_336 = arith.constant 1 : i32
    %select_n3A_337 = arith.select %eq3A_335, %jit3A_336, %jit3A_333 : i32
    %rem3A_338 = arith.remsi %add3A_308, %select_n3A_337 : i32
    %ne3A_339 = arith.constant 0 : i32
    %ne3A_340 = arith.cmpi ne, %rem3A_338, %ne3A_339 : i32
    %lt3A_341 = arith.constant 0 : i32
    %lt3A_342 = arith.cmpi slt, %rem3A_338, %lt3A_341 : i32
    %lt3A_343 = arith.constant 0 : i32
    %lt3A_344 = arith.cmpi slt, %select_n3A_337, %lt3A_343 : i32
    %ne3A_345 = arith.xori %lt3A_342, %lt3A_344 : i1
    %and3A_346 = arith.andi %ne3A_345, %ne3A_340 : i1
    %add3A_347 = arith.addi %rem3A_338, %select_n3A_337 : i32
    %select_n3A_348 = arith.select %and3A_346, %add3A_347, %rem3A_338 : i32
    %dma_start3A_349 = arith.constant 1 : i32
    %dma_start3A_350 = arith.constant 1 : i32
    %dma_start3A_351 = arith.constant 0 : i32
    %dma_start3A_352 = arith.constant 0 : i32
    %dma_start3A_353 = tpu.memref_slice %arg6[%dma_start3A_349, %dma_start3A_351, %dma_start3A_352] : memref<2x256x128xf32, #tpu.memory_space<vmem>> -> memref<1x256x128xf32, #tpu.memory_space<vmem>>
    %dma_start3A_354 = tpu.memref_squeeze %dma_start3A_353 : memref<1x256x128xf32, #tpu.memory_space<vmem>> -> memref<256x128xf32, #tpu.memory_space<vmem>>
    %dma_start3A_355 = arith.constant 256 : i32
    %dma_start3A_356 = arith.constant 0 : i32
    %dma_start3A_357 = tpu.memref_slice %arg5[%select_n3A_332, %select_n3A_348, %dma_start3A_355, %dma_start3A_356] : memref<8x16x2048x128xf32, #tpu.memory_space<hbm>> -> memref<1x1x256x128xf32, #tpu.memory_space<hbm>>
    %dma_start3A_358 = tpu.memref_squeeze %dma_start3A_357 : memref<1x1x256x128xf32, #tpu.memory_space<hbm>> -> memref<256x128xf32, #tpu.memory_space<hbm>>
    %dma_start3A_359 = tpu.memref_slice %arg10[%dma_start3A_350] : memref<2x!tpu.dma_semaphore, #tpu.memory_space<semaphore_mem>> -> memref<1x!tpu.dma_semaphore, #tpu.memory_space<semaphore_mem>>
    %dma_start3A_360 = tpu.memref_squeeze %dma_start3A_359 : memref<1x!tpu.dma_semaphore, #tpu.memory_space<semaphore_mem>> -> memref<!tpu.dma_semaphore, #tpu.memory_space<semaphore_mem>>
    %dma_start3A_361 = arith.constant 256 : i32
    %dma_start3A_362 = arith.constant 0 : i32
    %dma_start3A_363 = tpu.memref_slice %arg5[%select_n3A_332, %select_n3A_348, %dma_start3A_361, %dma_start3A_362] : memref<8x16x2048x128xf32, #tpu.memory_space<hbm>> -> memref<1x1x256x128xf32, #tpu.memory_space<hbm>>
    %dma_start3A_364 = tpu.memref_squeeze %dma_start3A_363 : memref<1x1x256x128xf32, #tpu.memory_space<hbm>> -> memref<256x128xf32, #tpu.memory_space<hbm>>
    %dma_start3A_365 = arith.constant 0 : i32
    %dma_start3A_366 = arith.constant 0 : i32
    %dma_start3A_367 = tpu.memref_slice %arg6[%dma_start3A_349, %dma_start3A_365, %dma_start3A_366] : memref<2x256x128xf32, #tpu.memory_space<vmem>> -> memref<1x256x128xf32, #tpu.memory_space<vmem>>
    %dma_start3A_368 = tpu.memref_squeeze %dma_start3A_367 : memref<1x256x128xf32, #tpu.memory_space<vmem>> -> memref<256x128xf32, #tpu.memory_space<vmem>>
    tpu.enqueue_dma source(%dma_start3A_368 : memref<256x128xf32, #tpu.memory_space<vmem>>) target(%dma_start3A_364 : memref<256x128xf32, #tpu.memory_space<hbm>>) target_semaphore(%dma_start3A_360 : memref<!tpu.dma_semaphore, #tpu.memory_space<semaphore_mem>>)
    %dma_wait3A_369 = arith.constant 1 : i32
    %dma_wait3A_370 = arith.constant 1 : i32
    %dma_wait3A_371 = arith.constant 0 : i32
    %dma_wait3A_372 = arith.constant 0 : i32
    %dma_wait3A_373 = tpu.memref_slice %arg6[%dma_wait3A_369, %dma_wait3A_371, %dma_wait3A_372] : memref<2x256x128xf32, #tpu.memory_space<vmem>> -> memref<1x256x128xf32, #tpu.memory_space<vmem>>
    %dma_wait3A_374 = tpu.memref_squeeze %dma_wait3A_373 : memref<1x256x128xf32, #tpu.memory_space<vmem>> -> memref<256x128xf32, #tpu.memory_space<vmem>>
    %dma_wait3A_375 = arith.constant 256 : i32
    %dma_wait3A_376 = arith.constant 0 : i32
    %dma_wait3A_377 = tpu.memref_slice %arg5[%select_n3A_332, %select_n3A_348, %dma_wait3A_375, %dma_wait3A_376] : memref<8x16x2048x128xf32, #tpu.memory_space<hbm>> -> memref<1x1x256x128xf32, #tpu.memory_space<hbm>>
    %dma_wait3A_378 = tpu.memref_squeeze %dma_wait3A_377 : memref<1x1x256x128xf32, #tpu.memory_space<hbm>> -> memref<256x128xf32, #tpu.memory_space<hbm>>
    %dma_wait3A_379 = tpu.memref_slice %arg10[%dma_wait3A_370] : memref<2x!tpu.dma_semaphore, #tpu.memory_space<semaphore_mem>> -> memref<1x!tpu.dma_semaphore, #tpu.memory_space<semaphore_mem>>
    %dma_wait3A_380 = tpu.memref_squeeze %dma_wait3A_379 : memref<1x!tpu.dma_semaphore, #tpu.memory_space<semaphore_mem>> -> memref<!tpu.dma_semaphore, #tpu.memory_space<semaphore_mem>>
    %dma_wait3A_381 = arith.constant 256 : i32
    %dma_wait3A_382 = arith.constant 0 : i32
    %dma_wait3A_383 = tpu.memref_slice %arg5[%select_n3A_332, %select_n3A_348, %dma_wait3A_381, %dma_wait3A_382] : memref<8x16x2048x128xf32, #tpu.memory_space<hbm>> -> memref<1x1x256x128xf32, #tpu.memory_space<hbm>>
    %dma_wait3A_384 = tpu.memref_squeeze %dma_wait3A_383 : memref<1x1x256x128xf32, #tpu.memory_space<hbm>> -> memref<256x128xf32, #tpu.memory_space<hbm>>
    %dma_wait3A_385 = arith.constant 0 : i32
    %dma_wait3A_386 = arith.constant 0 : i32
    %dma_wait3A_387 = tpu.memref_slice %arg6[%dma_wait3A_369, %dma_wait3A_385, %dma_wait3A_386] : memref<2x256x128xf32, #tpu.memory_space<vmem>> -> memref<1x256x128xf32, #tpu.memory_space<vmem>>
    %dma_wait3A_388 = tpu.memref_squeeze %dma_wait3A_387 : memref<1x256x128xf32, #tpu.memory_space<vmem>> -> memref<256x128xf32, #tpu.memory_space<vmem>>
    tpu.wait_dma2 semaphore(%dma_wait3A_380 : memref<!tpu.dma_semaphore, #tpu.memory_space<semaphore_mem>>) src(%dma_wait3A_388 : memref<256x128xf32, #tpu.memory_space<vmem>>) dst(%dma_wait3A_384 : memref<256x128xf32, #tpu.memory_space<hbm>>)
    %mul3A_389 = arith.constant 4 : i32
    %mul3A_390 = arith.muli %add3A, %mul3A_389 : i32
    %add3A_391 = arith.constant 1 : i32
    %add3A_392 = arith.addi %mul3A_390, %add3A_391 : i32
    %jit3A_393 = arith.constant 16 : i32
    %div3A_394 = arith.divsi %add3A_392, %jit3A_393 : i32
    %sign3A_395 = arith.constant 0 : i32
    %sign3A_396 = arith.cmpi sgt, %add3A_392, %sign3A_395 : i32
    %sign3A_397 = arith.extui %sign3A_396 : i1 to i32
    %sign3A_398 = arith.constant 0 : i32
    %sign3A_399 = arith.cmpi slt, %add3A_392, %sign3A_398 : i32
    %sign3A_400 = arith.extui %sign3A_399 : i1 to i32
    %sign3A_401 = arith.subi %sign3A_397, %sign3A_400 : i32
    %sign3A_402 = arith.constant 0 : i32
    %sign3A_403 = arith.cmpi sgt, %jit3A_393, %sign3A_402 : i32
    %sign3A_404 = arith.extui %sign3A_403 : i1 to i32
    %sign3A_405 = arith.constant 0 : i32
    %sign3A_406 = arith.cmpi slt, %jit3A_393, %sign3A_405 : i32
    %sign3A_407 = arith.extui %sign3A_406 : i1 to i32
    %sign3A_408 = arith.subi %sign3A_404, %sign3A_407 : i32
    %ne3A_409 = arith.cmpi ne, %sign3A_401, %sign3A_408 : i32
    %rem3A_410 = arith.remsi %add3A_392, %jit3A_393 : i32
    %ne3A_411 = arith.constant 0 : i32
    %ne3A_412 = arith.cmpi ne, %rem3A_410, %ne3A_411 : i32
    %and3A_413 = arith.andi %ne3A_409, %ne3A_412 : i1
    %sub3A_414 = arith.constant 1 : i32
    %sub3A_415 = arith.subi %div3A_394, %sub3A_414 : i32
    %select_n3A_416 = arith.select %and3A_413, %sub3A_415, %div3A_394 : i32
    %jit3A_417 = arith.constant 16 : i32
    %eq3A_418 = arith.constant 0 : i32
    %eq3A_419 = arith.cmpi eq, %jit3A_417, %eq3A_418 : i32
    %jit3A_420 = arith.constant 1 : i32
    %select_n3A_421 = arith.select %eq3A_419, %jit3A_420, %jit3A_417 : i32
    %rem3A_422 = arith.remsi %add3A_392, %select_n3A_421 : i32
    %ne3A_423 = arith.constant 0 : i32
    %ne3A_424 = arith.cmpi ne, %rem3A_422, %ne3A_423 : i32
    %lt3A_425 = arith.constant 0 : i32
    %lt3A_426 = arith.cmpi slt, %rem3A_422, %lt3A_425 : i32
    %lt3A_427 = arith.constant 0 : i32
    %lt3A_428 = arith.cmpi slt, %select_n3A_421, %lt3A_427 : i32
    %ne3A_429 = arith.xori %lt3A_426, %lt3A_428 : i1
    %and3A_430 = arith.andi %ne3A_429, %ne3A_424 : i1
    %add3A_431 = arith.addi %rem3A_422, %select_n3A_421 : i32
    %select_n3A_432 = arith.select %and3A_430, %add3A_431, %rem3A_422 : i32
    %dma_start3A_433 = arith.constant 1 : i32
    %dma_start3A_434 = arith.constant 1 : i32
    %dma_start3A_435 = arith.constant 0 : i32
    %dma_start3A_436 = arith.constant 0 : i32
    %dma_start3A_437 = tpu.memref_slice %arg6[%dma_start3A_433, %dma_start3A_435, %dma_start3A_436] : memref<2x256x128xf32, #tpu.memory_space<vmem>> -> memref<1x256x128xf32, #tpu.memory_space<vmem>>
    %dma_start3A_438 = tpu.memref_squeeze %dma_start3A_437 : memref<1x256x128xf32, #tpu.memory_space<vmem>> -> memref<256x128xf32, #tpu.memory_space<vmem>>
    %dma_start3A_439 = arith.constant 0 : i32
    %dma_start3A_440 = arith.constant 0 : i32
    %dma_start3A_441 = tpu.memref_slice %arg4[%select_n3A_416, %select_n3A_432, %dma_start3A_439, %dma_start3A_440] : memref<8x16x2048x128xf32, #tpu.memory_space<hbm>> -> memref<1x1x256x128xf32, #tpu.memory_space<hbm>>
    %dma_start3A_442 = tpu.memref_squeeze %dma_start3A_441 : memref<1x1x256x128xf32, #tpu.memory_space<hbm>> -> memref<256x128xf32, #tpu.memory_space<hbm>>
    %dma_start3A_443 = tpu.memref_slice %arg9[%dma_start3A_434] : memref<2x!tpu.dma_semaphore, #tpu.memory_space<semaphore_mem>> -> memref<1x!tpu.dma_semaphore, #tpu.memory_space<semaphore_mem>>
    %dma_start3A_444 = tpu.memref_squeeze %dma_start3A_443 : memref<1x!tpu.dma_semaphore, #tpu.memory_space<semaphore_mem>> -> memref<!tpu.dma_semaphore, #tpu.memory_space<semaphore_mem>>
    %dma_start3A_445 = arith.constant 0 : i32
    %dma_start3A_446 = arith.constant 0 : i32
    %dma_start3A_447 = tpu.memref_slice %arg6[%dma_start3A_433, %dma_start3A_445, %dma_start3A_446] : memref<2x256x128xf32, #tpu.memory_space<vmem>> -> memref<1x256x128xf32, #tpu.memory_space<vmem>>
    %dma_start3A_448 = tpu.memref_squeeze %dma_start3A_447 : memref<1x256x128xf32, #tpu.memory_space<vmem>> -> memref<256x128xf32, #tpu.memory_space<vmem>>
    %dma_start3A_449 = arith.constant 0 : i32
    %dma_start3A_450 = arith.constant 0 : i32
    %dma_start3A_451 = tpu.memref_slice %arg4[%select_n3A_416, %select_n3A_432, %dma_start3A_449, %dma_start3A_450] : memref<8x16x2048x128xf32, #tpu.memory_space<hbm>> -> memref<1x1x256x128xf32, #tpu.memory_space<hbm>>
    %dma_start3A_452 = tpu.memref_squeeze %dma_start3A_451 : memref<1x1x256x128xf32, #tpu.memory_space<hbm>> -> memref<256x128xf32, #tpu.memory_space<hbm>>
    tpu.enqueue_dma source(%dma_start3A_452 : memref<256x128xf32, #tpu.memory_space<hbm>>) target(%dma_start3A_448 : memref<256x128xf32, #tpu.memory_space<vmem>>) target_semaphore(%dma_start3A_444 : memref<!tpu.dma_semaphore, #tpu.memory_space<semaphore_mem>>)
    %dma_wait3A_453 = arith.constant 0 : i32
    %dma_wait3A_454 = arith.constant 0 : i32
    %dma_wait3A_455 = arith.constant 0 : i32
    %dma_wait3A_456 = arith.constant 0 : i32
    %dma_wait3A_457 = tpu.memref_slice %arg6[%dma_wait3A_453, %dma_wait3A_455, %dma_wait3A_456] : memref<2x256x128xf32, #tpu.memory_space<vmem>> -> memref<1x256x128xf32, #tpu.memory_space<vmem>>
    %dma_wait3A_458 = tpu.memref_squeeze %dma_wait3A_457 : memref<1x256x128xf32, #tpu.memory_space<vmem>> -> memref<256x128xf32, #tpu.memory_space<vmem>>
    %dma_wait3A_459 = arith.constant 512 : i32
    %dma_wait3A_460 = arith.constant 0 : i32
    %dma_wait3A_461 = tpu.memref_slice %arg4[%select_n3A_248, %select_n3A_264, %dma_wait3A_459, %dma_wait3A_460] : memref<8x16x2048x128xf32, #tpu.memory_space<hbm>> -> memref<1x1x256x128xf32, #tpu.memory_space<hbm>>
    %dma_wait3A_462 = tpu.memref_squeeze %dma_wait3A_461 : memref<1x1x256x128xf32, #tpu.memory_space<hbm>> -> memref<256x128xf32, #tpu.memory_space<hbm>>
    %dma_wait3A_463 = tpu.memref_slice %arg9[%dma_wait3A_454] : memref<2x!tpu.dma_semaphore, #tpu.memory_space<semaphore_mem>> -> memref<1x!tpu.dma_semaphore, #tpu.memory_space<semaphore_mem>>
    %dma_wait3A_464 = tpu.memref_squeeze %dma_wait3A_463 : memref<1x!tpu.dma_semaphore, #tpu.memory_space<semaphore_mem>> -> memref<!tpu.dma_semaphore, #tpu.memory_space<semaphore_mem>>
    %dma_wait3A_465 = arith.constant 0 : i32
    %dma_wait3A_466 = arith.constant 0 : i32
    %dma_wait3A_467 = tpu.memref_slice %arg6[%dma_wait3A_453, %dma_wait3A_465, %dma_wait3A_466] : memref<2x256x128xf32, #tpu.memory_space<vmem>> -> memref<1x256x128xf32, #tpu.memory_space<vmem>>
    %dma_wait3A_468 = tpu.memref_squeeze %dma_wait3A_467 : memref<1x256x128xf32, #tpu.memory_space<vmem>> -> memref<256x128xf32, #tpu.memory_space<vmem>>
    %dma_wait3A_469 = arith.constant 512 : i32
    %dma_wait3A_470 = arith.constant 0 : i32
    %dma_wait3A_471 = tpu.memref_slice %arg4[%select_n3A_248, %select_n3A_264, %dma_wait3A_469, %dma_wait3A_470] : memref<8x16x2048x128xf32, #tpu.memory_space<hbm>> -> memref<1x1x256x128xf32, #tpu.memory_space<hbm>>
    %dma_wait3A_472 = tpu.memref_squeeze %dma_wait3A_471 : memref<1x1x256x128xf32, #tpu.memory_space<hbm>> -> memref<256x128xf32, #tpu.memory_space<hbm>>
    tpu.wait_dma2 semaphore(%dma_wait3A_464 : memref<!tpu.dma_semaphore, #tpu.memory_space<semaphore_mem>>) src(%dma_wait3A_472 : memref<256x128xf32, #tpu.memory_space<hbm>>) dst(%dma_wait3A_468 : memref<256x128xf32, #tpu.memory_space<vmem>>)
    %mul3A_473 = arith.constant 4 : i32
    %mul3A_474 = arith.muli %add3A, %mul3A_473 : i32
    %add3A_475 = arith.constant 0 : i32
    %add3A_476 = arith.addi %mul3A_474, %add3A_475 : i32
    %jit3A_477 = arith.constant 16 : i32
    %div3A_478 = arith.divsi %add3A_476, %jit3A_477 : i32
    %sign3A_479 = arith.constant 0 : i32
    %sign3A_480 = arith.cmpi sgt, %add3A_476, %sign3A_479 : i32
    %sign3A_481 = arith.extui %sign3A_480 : i1 to i32
    %sign3A_482 = arith.constant 0 : i32
    %sign3A_483 = arith.cmpi slt, %add3A_476, %sign3A_482 : i32
    %sign3A_484 = arith.extui %sign3A_483 : i1 to i32
    %sign3A_485 = arith.subi %sign3A_481, %sign3A_484 : i32
    %sign3A_486 = arith.constant 0 : i32
    %sign3A_487 = arith.cmpi sgt, %jit3A_477, %sign3A_486 : i32
    %sign3A_488 = arith.extui %sign3A_487 : i1 to i32
    %sign3A_489 = arith.constant 0 : i32
    %sign3A_490 = arith.cmpi slt, %jit3A_477, %sign3A_489 : i32
    %sign3A_491 = arith.extui %sign3A_490 : i1 to i32
    %sign3A_492 = arith.subi %sign3A_488, %sign3A_491 : i32
    %ne3A_493 = arith.cmpi ne, %sign3A_485, %sign3A_492 : i32
    %rem3A_494 = arith.remsi %add3A_476, %jit3A_477 : i32
    %ne3A_495 = arith.constant 0 : i32
    %ne3A_496 = arith.cmpi ne, %rem3A_494, %ne3A_495 : i32
    %and3A_497 = arith.andi %ne3A_493, %ne3A_496 : i1
    %sub3A_498 = arith.constant 1 : i32
    %sub3A_499 = arith.subi %div3A_478, %sub3A_498 : i32
    %select_n3A_500 = arith.select %and3A_497, %sub3A_499, %div3A_478 : i32
    %jit3A_501 = arith.constant 16 : i32
    %eq3A_502 = arith.constant 0 : i32
    %eq3A_503 = arith.cmpi eq, %jit3A_501, %eq3A_502 : i32
    %jit3A_504 = arith.constant 1 : i32
    %select_n3A_505 = arith.select %eq3A_503, %jit3A_504, %jit3A_501 : i32
    %rem3A_506 = arith.remsi %add3A_476, %select_n3A_505 : i32
    %ne3A_507 = arith.constant 0 : i32
    %ne3A_508 = arith.cmpi ne, %rem3A_506, %ne3A_507 : i32
    %lt3A_509 = arith.constant 0 : i32
    %lt3A_510 = arith.cmpi slt, %rem3A_506, %lt3A_509 : i32
    %lt3A_511 = arith.constant 0 : i32
    %lt3A_512 = arith.cmpi slt, %select_n3A_505, %lt3A_511 : i32
    %ne3A_513 = arith.xori %lt3A_510, %lt3A_512 : i1
    %and3A_514 = arith.andi %ne3A_513, %ne3A_508 : i1
    %add3A_515 = arith.addi %rem3A_506, %select_n3A_505 : i32
    %select_n3A_516 = arith.select %and3A_514, %add3A_515, %rem3A_506 : i32
    %dma_start3A_517 = arith.constant 0 : i32
    %dma_start3A_518 = arith.constant 0 : i32
    %dma_start3A_519 = arith.constant 0 : i32
    %dma_start3A_520 = arith.constant 0 : i32
    %dma_start3A_521 = tpu.memref_slice %arg6[%dma_start3A_517, %dma_start3A_519, %dma_start3A_520] : memref<2x256x128xf32, #tpu.memory_space<vmem>> -> memref<1x256x128xf32, #tpu.memory_space<vmem>>
    %dma_start3A_522 = tpu.memref_squeeze %dma_start3A_521 : memref<1x256x128xf32, #tpu.memory_space<vmem>> -> memref<256x128xf32, #tpu.memory_space<vmem>>
    %dma_start3A_523 = arith.constant 512 : i32
    %dma_start3A_524 = arith.constant 0 : i32
    %dma_start3A_525 = tpu.memref_slice %arg5[%select_n3A_500, %select_n3A_516, %dma_start3A_523, %dma_start3A_524] : memref<8x16x2048x128xf32, #tpu.memory_space<hbm>> -> memref<1x1x256x128xf32, #tpu.memory_space<hbm>>
    %dma_start3A_526 = tpu.memref_squeeze %dma_start3A_525 : memref<1x1x256x128xf32, #tpu.memory_space<hbm>> -> memref<256x128xf32, #tpu.memory_space<hbm>>
    %dma_start3A_527 = tpu.memref_slice %arg10[%dma_start3A_518] : memref<2x!tpu.dma_semaphore, #tpu.memory_space<semaphore_mem>> -> memref<1x!tpu.dma_semaphore, #tpu.memory_space<semaphore_mem>>
    %dma_start3A_528 = tpu.memref_squeeze %dma_start3A_527 : memref<1x!tpu.dma_semaphore, #tpu.memory_space<semaphore_mem>> -> memref<!tpu.dma_semaphore, #tpu.memory_space<semaphore_mem>>
    %dma_start3A_529 = arith.constant 512 : i32
    %dma_start3A_530 = arith.constant 0 : i32
    %dma_start3A_531 = tpu.memref_slice %arg5[%select_n3A_500, %select_n3A_516, %dma_start3A_529, %dma_start3A_530] : memref<8x16x2048x128xf32, #tpu.memory_space<hbm>> -> memref<1x1x256x128xf32, #tpu.memory_space<hbm>>
    %dma_start3A_532 = tpu.memref_squeeze %dma_start3A_531 : memref<1x1x256x128xf32, #tpu.memory_space<hbm>> -> memref<256x128xf32, #tpu.memory_space<hbm>>
    %dma_start3A_533 = arith.constant 0 : i32
    %dma_start3A_534 = arith.constant 0 : i32
    %dma_start3A_535 = tpu.memref_slice %arg6[%dma_start3A_517, %dma_start3A_533, %dma_start3A_534] : memref<2x256x128xf32, #tpu.memory_space<vmem>> -> memref<1x256x128xf32, #tpu.memory_space<vmem>>
    %dma_start3A_536 = tpu.memref_squeeze %dma_start3A_535 : memref<1x256x128xf32, #tpu.memory_space<vmem>> -> memref<256x128xf32, #tpu.memory_space<vmem>>
    tpu.enqueue_dma source(%dma_start3A_536 : memref<256x128xf32, #tpu.memory_space<vmem>>) target(%dma_start3A_532 : memref<256x128xf32, #tpu.memory_space<hbm>>) target_semaphore(%dma_start3A_528 : memref<!tpu.dma_semaphore, #tpu.memory_space<semaphore_mem>>)
    %dma_wait3A_537 = arith.constant 0 : i32
    %dma_wait3A_538 = arith.constant 0 : i32
    %dma_wait3A_539 = arith.constant 0 : i32
    %dma_wait3A_540 = arith.constant 0 : i32
    %dma_wait3A_541 = tpu.memref_slice %arg6[%dma_wait3A_537, %dma_wait3A_539, %dma_wait3A_540] : memref<2x256x128xf32, #tpu.memory_space<vmem>> -> memref<1x256x128xf32, #tpu.memory_space<vmem>>
    %dma_wait3A_542 = tpu.memref_squeeze %dma_wait3A_541 : memref<1x256x128xf32, #tpu.memory_space<vmem>> -> memref<256x128xf32, #tpu.memory_space<vmem>>
    %dma_wait3A_543 = arith.constant 512 : i32
    %dma_wait3A_544 = arith.constant 0 : i32
    %dma_wait3A_545 = tpu.memref_slice %arg5[%select_n3A_500, %select_n3A_516, %dma_wait3A_543, %dma_wait3A_544] : memref<8x16x2048x128xf32, #tpu.memory_space<hbm>> -> memref<1x1x256x128xf32, #tpu.memory_space<hbm>>
    %dma_wait3A_546 = tpu.memref_squeeze %dma_wait3A_545 : memref<1x1x256x128xf32, #tpu.memory_space<hbm>> -> memref<256x128xf32, #tpu.memory_space<hbm>>
    %dma_wait3A_547 = tpu.memref_slice %arg10[%dma_wait3A_538] : memref<2x!tpu.dma_semaphore, #tpu.memory_space<semaphore_mem>> -> memref<1x!tpu.dma_semaphore, #tpu.memory_space<semaphore_mem>>
    %dma_wait3A_548 = tpu.memref_squeeze %dma_wait3A_547 : memref<1x!tpu.dma_semaphore, #tpu.memory_space<semaphore_mem>> -> memref<!tpu.dma_semaphore, #tpu.memory_space<semaphore_mem>>
    %dma_wait3A_549 = arith.constant 512 : i32
    %dma_wait3A_550 = arith.constant 0 : i32
    %dma_wait3A_551 = tpu.memref_slice %arg5[%select_n3A_500, %select_n3A_516, %dma_wait3A_549, %dma_wait3A_550] : memref<8x16x2048x128xf32, #tpu.memory_space<hbm>> -> memref<1x1x256x128xf32, #tpu.memory_space<hbm>>
    %dma_wait3A_552 = tpu.memref_squeeze %dma_wait3A_551 : memref<1x1x256x128xf32, #tpu.memory_space<hbm>> -> memref<256x128xf32, #tpu.memory_space<hbm>>
    %dma_wait3A_553 = arith.constant 0 : i32
    %dma_wait3A_554 = arith.constant 0 : i32
    %dma_wait3A_555 = tpu.memref_slice %arg6[%dma_wait3A_537, %dma_wait3A_553, %dma_wait3A_554] : memref<2x256x128xf32, #tpu.memory_space<vmem>> -> memref<1x256x128xf32, #tpu.memory_space<vmem>>
    %dma_wait3A_556 = tpu.memref_squeeze %dma_wait3A_555 : memref<1x256x128xf32, #tpu.memory_space<vmem>> -> memref<256x128xf32, #tpu.memory_space<vmem>>
    tpu.wait_dma2 semaphore(%dma_wait3A_548 : memref<!tpu.dma_semaphore, #tpu.memory_space<semaphore_mem>>) src(%dma_wait3A_556 : memref<256x128xf32, #tpu.memory_space<vmem>>) dst(%dma_wait3A_552 : memref<256x128xf32, #tpu.memory_space<hbm>>)
    %mul3A_557 = arith.constant 4 : i32
    %mul3A_558 = arith.muli %add3A, %mul3A_557 : i32
    %add3A_559 = arith.constant 1 : i32
    %add3A_560 = arith.addi %mul3A_558, %add3A_559 : i32
    %jit3A_561 = arith.constant 16 : i32
    %div3A_562 = arith.divsi %add3A_560, %jit3A_561 : i32
    %sign3A_563 = arith.constant 0 : i32
    %sign3A_564 = arith.cmpi sgt, %add3A_560, %sign3A_563 : i32
    %sign3A_565 = arith.extui %sign3A_564 : i1 to i32
    %sign3A_566 = arith.constant 0 : i32
    %sign3A_567 = arith.cmpi slt, %add3A_560, %sign3A_566 : i32
    %sign3A_568 = arith.extui %sign3A_567 : i1 to i32
    %sign3A_569 = arith.subi %sign3A_565, %sign3A_568 : i32
    %sign3A_570 = arith.constant 0 : i32
    %sign3A_571 = arith.cmpi sgt, %jit3A_561, %sign3A_570 : i32
    %sign3A_572 = arith.extui %sign3A_571 : i1 to i32
    %sign3A_573 = arith.constant 0 : i32
    %sign3A_574 = arith.cmpi slt, %jit3A_561, %sign3A_573 : i32
    %sign3A_575 = arith.extui %sign3A_574 : i1 to i32
    %sign3A_576 = arith.subi %sign3A_572, %sign3A_575 : i32
    %ne3A_577 = arith.cmpi ne, %sign3A_569, %sign3A_576 : i32
    %rem3A_578 = arith.remsi %add3A_560, %jit3A_561 : i32
    %ne3A_579 = arith.constant 0 : i32
    %ne3A_580 = arith.cmpi ne, %rem3A_578, %ne3A_579 : i32
    %and3A_581 = arith.andi %ne3A_577, %ne3A_580 : i1
    %sub3A_582 = arith.constant 1 : i32
    %sub3A_583 = arith.subi %div3A_562, %sub3A_582 : i32
    %select_n3A_584 = arith.select %and3A_581, %sub3A_583, %div3A_562 : i32
    %jit3A_585 = arith.constant 16 : i32
    %eq3A_586 = arith.constant 0 : i32
    %eq3A_587 = arith.cmpi eq, %jit3A_585, %eq3A_586 : i32
    %jit3A_588 = arith.constant 1 : i32
    %select_n3A_589 = arith.select %eq3A_587, %jit3A_588, %jit3A_585 : i32
    %rem3A_590 = arith.remsi %add3A_560, %select_n3A_589 : i32
    %ne3A_591 = arith.constant 0 : i32
    %ne3A_592 = arith.cmpi ne, %rem3A_590, %ne3A_591 : i32
    %lt3A_593 = arith.constant 0 : i32
    %lt3A_594 = arith.cmpi slt, %rem3A_590, %lt3A_593 : i32
    %lt3A_595 = arith.constant 0 : i32
    %lt3A_596 = arith.cmpi slt, %select_n3A_589, %lt3A_595 : i32
    %ne3A_597 = arith.xori %lt3A_594, %lt3A_596 : i1
    %and3A_598 = arith.andi %ne3A_597, %ne3A_592 : i1
    %add3A_599 = arith.addi %rem3A_590, %select_n3A_589 : i32
    %select_n3A_600 = arith.select %and3A_598, %add3A_599, %rem3A_590 : i32
    %dma_start3A_601 = arith.constant 0 : i32
    %dma_start3A_602 = arith.constant 0 : i32
    %dma_start3A_603 = arith.constant 0 : i32
    %dma_start3A_604 = arith.constant 0 : i32
    %dma_start3A_605 = tpu.memref_slice %arg6[%dma_start3A_601, %dma_start3A_603, %dma_start3A_604] : memref<2x256x128xf32, #tpu.memory_space<vmem>> -> memref<1x256x128xf32, #tpu.memory_space<vmem>>
    %dma_start3A_606 = tpu.memref_squeeze %dma_start3A_605 : memref<1x256x128xf32, #tpu.memory_space<vmem>> -> memref<256x128xf32, #tpu.memory_space<vmem>>
    %dma_start3A_607 = arith.constant 256 : i32
    %dma_start3A_608 = arith.constant 0 : i32
    %dma_start3A_609 = tpu.memref_slice %arg4[%select_n3A_584, %select_n3A_600, %dma_start3A_607, %dma_start3A_608] : memref<8x16x2048x128xf32, #tpu.memory_space<hbm>> -> memref<1x1x256x128xf32, #tpu.memory_space<hbm>>
    %dma_start3A_610 = tpu.memref_squeeze %dma_start3A_609 : memref<1x1x256x128xf32, #tpu.memory_space<hbm>> -> memref<256x128xf32, #tpu.memory_space<hbm>>
    %dma_start3A_611 = tpu.memref_slice %arg9[%dma_start3A_602] : memref<2x!tpu.dma_semaphore, #tpu.memory_space<semaphore_mem>> -> memref<1x!tpu.dma_semaphore, #tpu.memory_space<semaphore_mem>>
    %dma_start3A_612 = tpu.memref_squeeze %dma_start3A_611 : memref<1x!tpu.dma_semaphore, #tpu.memory_space<semaphore_mem>> -> memref<!tpu.dma_semaphore, #tpu.memory_space<semaphore_mem>>
    %dma_start3A_613 = arith.constant 0 : i32
    %dma_start3A_614 = arith.constant 0 : i32
    %dma_start3A_615 = tpu.memref_slice %arg6[%dma_start3A_601, %dma_start3A_613, %dma_start3A_614] : memref<2x256x128xf32, #tpu.memory_space<vmem>> -> memref<1x256x128xf32, #tpu.memory_space<vmem>>
    %dma_start3A_616 = tpu.memref_squeeze %dma_start3A_615 : memref<1x256x128xf32, #tpu.memory_space<vmem>> -> memref<256x128xf32, #tpu.memory_space<vmem>>
    %dma_start3A_617 = arith.constant 256 : i32
    %dma_start3A_618 = arith.constant 0 : i32
    %dma_start3A_619 = tpu.memref_slice %arg4[%select_n3A_584, %select_n3A_600, %dma_start3A_617, %dma_start3A_618] : memref<8x16x2048x128xf32, #tpu.memory_space<hbm>> -> memref<1x1x256x128xf32, #tpu.memory_space<hbm>>
    %dma_start3A_620 = tpu.memref_squeeze %dma_start3A_619 : memref<1x1x256x128xf32, #tpu.memory_space<hbm>> -> memref<256x128xf32, #tpu.memory_space<hbm>>
    tpu.enqueue_dma source(%dma_start3A_620 : memref<256x128xf32, #tpu.memory_space<hbm>>) target(%dma_start3A_616 : memref<256x128xf32, #tpu.memory_space<vmem>>) target_semaphore(%dma_start3A_612 : memref<!tpu.dma_semaphore, #tpu.memory_space<semaphore_mem>>)
    %dma_wait3A_621 = arith.constant 1 : i32
    %dma_wait3A_622 = arith.constant 1 : i32
    %dma_wait3A_623 = arith.constant 0 : i32
    %dma_wait3A_624 = arith.constant 0 : i32
    %dma_wait3A_625 = tpu.memref_slice %arg6[%dma_wait3A_621, %dma_wait3A_623, %dma_wait3A_624] : memref<2x256x128xf32, #tpu.memory_space<vmem>> -> memref<1x256x128xf32, #tpu.memory_space<vmem>>
    %dma_wait3A_626 = tpu.memref_squeeze %dma_wait3A_625 : memref<1x256x128xf32, #tpu.memory_space<vmem>> -> memref<256x128xf32, #tpu.memory_space<vmem>>
    %dma_wait3A_627 = arith.constant 0 : i32
    %dma_wait3A_628 = arith.constant 0 : i32
    %dma_wait3A_629 = tpu.memref_slice %arg4[%select_n3A_416, %select_n3A_432, %dma_wait3A_627, %dma_wait3A_628] : memref<8x16x2048x128xf32, #tpu.memory_space<hbm>> -> memref<1x1x256x128xf32, #tpu.memory_space<hbm>>
    %dma_wait3A_630 = tpu.memref_squeeze %dma_wait3A_629 : memref<1x1x256x128xf32, #tpu.memory_space<hbm>> -> memref<256x128xf32, #tpu.memory_space<hbm>>
    %dma_wait3A_631 = tpu.memref_slice %arg9[%dma_wait3A_622] : memref<2x!tpu.dma_semaphore, #tpu.memory_space<semaphore_mem>> -> memref<1x!tpu.dma_semaphore, #tpu.memory_space<semaphore_mem>>
    %dma_wait3A_632 = tpu.memref_squeeze %dma_wait3A_631 : memref<1x!tpu.dma_semaphore, #tpu.memory_space<semaphore_mem>> -> memref<!tpu.dma_semaphore, #tpu.memory_space<semaphore_mem>>
    %dma_wait3A_633 = arith.constant 0 : i32
    %dma_wait3A_634 = arith.constant 0 : i32
    %dma_wait3A_635 = tpu.memref_slice %arg6[%dma_wait3A_621, %dma_wait3A_633, %dma_wait3A_634] : memref<2x256x128xf32, #tpu.memory_space<vmem>> -> memref<1x256x128xf32, #tpu.memory_space<vmem>>
    %dma_wait3A_636 = tpu.memref_squeeze %dma_wait3A_635 : memref<1x256x128xf32, #tpu.memory_space<vmem>> -> memref<256x128xf32, #tpu.memory_space<vmem>>
    %dma_wait3A_637 = arith.constant 0 : i32
    %dma_wait3A_638 = arith.constant 0 : i32
    %dma_wait3A_639 = tpu.memref_slice %arg4[%select_n3A_416, %select_n3A_432, %dma_wait3A_637, %dma_wait3A_638] : memref<8x16x2048x128xf32, #tpu.memory_space<hbm>> -> memref<1x1x256x128xf32, #tpu.memory_space<hbm>>
    %dma_wait3A_640 = tpu.memref_squeeze %dma_wait3A_639 : memref<1x1x256x128xf32, #tpu.memory_space<hbm>> -> memref<256x128xf32, #tpu.memory_space<hbm>>
    tpu.wait_dma2 semaphore(%dma_wait3A_632 : memref<!tpu.dma_semaphore, #tpu.memory_space<semaphore_mem>>) src(%dma_wait3A_640 : memref<256x128xf32, #tpu.memory_space<hbm>>) dst(%dma_wait3A_636 : memref<256x128xf32, #tpu.memory_space<vmem>>)
    %mul3A_641 = arith.constant 4 : i32
    %mul3A_642 = arith.muli %add3A, %mul3A_641 : i32
    %add3A_643 = arith.constant 1 : i32
    %add3A_644 = arith.addi %mul3A_642, %add3A_643 : i32
    %jit3A_645 = arith.constant 16 : i32
    %div3A_646 = arith.divsi %add3A_644, %jit3A_645 : i32
    %sign3A_647 = arith.constant 0 : i32
    %sign3A_648 = arith.cmpi sgt, %add3A_644, %sign3A_647 : i32
    %sign3A_649 = arith.extui %sign3A_648 : i1 to i32
    %sign3A_650 = arith.constant 0 : i32
    %sign3A_651 = arith.cmpi slt, %add3A_644, %sign3A_650 : i32
    %sign3A_652 = arith.extui %sign3A_651 : i1 to i32
    %sign3A_653 = arith.subi %sign3A_649, %sign3A_652 : i32
    %sign3A_654 = arith.constant 0 : i32
    %sign3A_655 = arith.cmpi sgt, %jit3A_645, %sign3A_654 : i32
    %sign3A_656 = arith.extui %sign3A_655 : i1 to i32
    %sign3A_657 = arith.constant 0 : i32
    %sign3A_658 = arith.cmpi slt, %jit3A_645, %sign3A_657 : i32
    %sign3A_659 = arith.extui %sign3A_658 : i1 to i32
    %sign3A_660 = arith.subi %sign3A_656, %sign3A_659 : i32
    %ne3A_661 = arith.cmpi ne, %sign3A_653, %sign3A_660 : i32
    %rem3A_662 = arith.remsi %add3A_644, %jit3A_645 : i32
    %ne3A_663 = arith.constant 0 : i32
    %ne3A_664 = arith.cmpi ne, %rem3A_662, %ne3A_663 : i32
    %and3A_665 = arith.andi %ne3A_661, %ne3A_664 : i1
    %sub3A_666 = arith.constant 1 : i32
    %sub3A_667 = arith.subi %div3A_646, %sub3A_666 : i32
    %select_n3A_668 = arith.select %and3A_665, %sub3A_667, %div3A_646 : i32
    %jit3A_669 = arith.constant 16 : i32
    %eq3A_670 = arith.constant 0 : i32
    %eq3A_671 = arith.cmpi eq, %jit3A_669, %eq3A_670 : i32
    %jit3A_672 = arith.constant 1 : i32
    %select_n3A_673 = arith.select %eq3A_671, %jit3A_672, %jit3A_669 : i32
    %rem3A_674 = arith.remsi %add3A_644, %select_n3A_673 : i32
    %ne3A_675 = arith.constant 0 : i32
    %ne3A_676 = arith.cmpi ne, %rem3A_674, %ne3A_675 : i32
    %lt3A_677 = arith.constant 0 : i32
    %lt3A_678 = arith.cmpi slt, %rem3A_674, %lt3A_677 : i32
    %lt3A_679 = arith.constant 0 : i32
    %lt3A_680 = arith.cmpi slt, %select_n3A_673, %lt3A_679 : i32
    %ne3A_681 = arith.xori %lt3A_678, %lt3A_680 : i1
    %and3A_682 = arith.andi %ne3A_681, %ne3A_676 : i1
    %add3A_683 = arith.addi %rem3A_674, %select_n3A_673 : i32
    %select_n3A_684 = arith.select %and3A_682, %add3A_683, %rem3A_674 : i32
    %dma_start3A_685 = arith.constant 1 : i32
    %dma_start3A_686 = arith.constant 1 : i32
    %dma_start3A_687 = arith.constant 0 : i32
    %dma_start3A_688 = arith.constant 0 : i32
    %dma_start3A_689 = tpu.memref_slice %arg6[%dma_start3A_685, %dma_start3A_687, %dma_start3A_688] : memref<2x256x128xf32, #tpu.memory_space<vmem>> -> memref<1x256x128xf32, #tpu.memory_space<vmem>>
    %dma_start3A_690 = tpu.memref_squeeze %dma_start3A_689 : memref<1x256x128xf32, #tpu.memory_space<vmem>> -> memref<256x128xf32, #tpu.memory_space<vmem>>
    %dma_start3A_691 = arith.constant 0 : i32
    %dma_start3A_692 = arith.constant 0 : i32
    %dma_start3A_693 = tpu.memref_slice %arg5[%select_n3A_668, %select_n3A_684, %dma_start3A_691, %dma_start3A_692] : memref<8x16x2048x128xf32, #tpu.memory_space<hbm>> -> memref<1x1x256x128xf32, #tpu.memory_space<hbm>>
    %dma_start3A_694 = tpu.memref_squeeze %dma_start3A_693 : memref<1x1x256x128xf32, #tpu.memory_space<hbm>> -> memref<256x128xf32, #tpu.memory_space<hbm>>
    %dma_start3A_695 = tpu.memref_slice %arg10[%dma_start3A_686] : memref<2x!tpu.dma_semaphore, #tpu.memory_space<semaphore_mem>> -> memref<1x!tpu.dma_semaphore, #tpu.memory_space<semaphore_mem>>
    %dma_start3A_696 = tpu.memref_squeeze %dma_start3A_695 : memref<1x!tpu.dma_semaphore, #tpu.memory_space<semaphore_mem>> -> memref<!tpu.dma_semaphore, #tpu.memory_space<semaphore_mem>>
    %dma_start3A_697 = arith.constant 0 : i32
    %dma_start3A_698 = arith.constant 0 : i32
    %dma_start3A_699 = tpu.memref_slice %arg5[%select_n3A_668, %select_n3A_684, %dma_start3A_697, %dma_start3A_698] : memref<8x16x2048x128xf32, #tpu.memory_space<hbm>> -> memref<1x1x256x128xf32, #tpu.memory_space<hbm>>
    %dma_start3A_700 = tpu.memref_squeeze %dma_start3A_699 : memref<1x1x256x128xf32, #tpu.memory_space<hbm>> -> memref<256x128xf32, #tpu.memory_space<hbm>>
    %dma_start3A_701 = arith.constant 0 : i32
    %dma_start3A_702 = arith.constant 0 : i32
    %dma_start3A_703 = tpu.memref_slice %arg6[%dma_start3A_685, %dma_start3A_701, %dma_start3A_702] : memref<2x256x128xf32, #tpu.memory_space<vmem>> -> memref<1x256x128xf32, #tpu.memory_space<vmem>>
    %dma_start3A_704 = tpu.memref_squeeze %dma_start3A_703 : memref<1x256x128xf32, #tpu.memory_space<vmem>> -> memref<256x128xf32, #tpu.memory_space<vmem>>
    tpu.enqueue_dma source(%dma_start3A_704 : memref<256x128xf32, #tpu.memory_space<vmem>>) target(%dma_start3A_700 : memref<256x128xf32, #tpu.memory_space<hbm>>) target_semaphore(%dma_start3A_696 : memref<!tpu.dma_semaphore, #tpu.memory_space<semaphore_mem>>)
    %dma_wait3A_705 = arith.constant 1 : i32
    %dma_wait3A_706 = arith.constant 1 : i32
    %dma_wait3A_707 = arith.constant 0 : i32
    %dma_wait3A_708 = arith.constant 0 : i32
    %dma_wait3A_709 = tpu.memref_slice %arg6[%dma_wait3A_705, %dma_wait3A_707, %dma_wait3A_708] : memref<2x256x128xf32, #tpu.memory_space<vmem>> -> memref<1x256x128xf32, #tpu.memory_space<vmem>>
    %dma_wait3A_710 = tpu.memref_squeeze %dma_wait3A_709 : memref<1x256x128xf32, #tpu.memory_space<vmem>> -> memref<256x128xf32, #tpu.memory_space<vmem>>
    %dma_wait3A_711 = arith.constant 0 : i32
    %dma_wait3A_712 = arith.constant 0 : i32
    %dma_wait3A_713 = tpu.memref_slice %arg5[%select_n3A_668, %select_n3A_684, %dma_wait3A_711, %dma_wait3A_712] : memref<8x16x2048x128xf32, #tpu.memory_space<hbm>> -> memref<1x1x256x128xf32, #tpu.memory_space<hbm>>
    %dma_wait3A_714 = tpu.memref_squeeze %dma_wait3A_713 : memref<1x1x256x128xf32, #tpu.memory_space<hbm>> -> memref<256x128xf32, #tpu.memory_space<hbm>>
    %dma_wait3A_715 = tpu.memref_slice %arg10[%dma_wait3A_706] : memref<2x!tpu.dma_semaphore, #tpu.memory_space<semaphore_mem>> -> memref<1x!tpu.dma_semaphore, #tpu.memory_space<semaphore_mem>>
    %dma_wait3A_716 = tpu.memref_squeeze %dma_wait3A_715 : memref<1x!tpu.dma_semaphore, #tpu.memory_space<semaphore_mem>> -> memref<!tpu.dma_semaphore, #tpu.memory_space<semaphore_mem>>
    %dma_wait3A_717 = arith.constant 0 : i32
    %dma_wait3A_718 = arith.constant 0 : i32
    %dma_wait3A_719 = tpu.memref_slice %arg5[%select_n3A_668, %select_n3A_684, %dma_wait3A_717, %dma_wait3A_718] : memref<8x16x2048x128xf32, #tpu.memory_space<hbm>> -> memref<1x1x256x128xf32, #tpu.memory_space<hbm>>
    %dma_wait3A_720 = tpu.memref_squeeze %dma_wait3A_719 : memref<1x1x256x128xf32, #tpu.memory_space<hbm>> -> memref<256x128xf32, #tpu.memory_space<hbm>>
    %dma_wait3A_721 = arith.constant 0 : i32
    %dma_wait3A_722 = arith.constant 0 : i32
    %dma_wait3A_723 = tpu.memref_slice %arg6[%dma_wait3A_705, %dma_wait3A_721, %dma_wait3A_722] : memref<2x256x128xf32, #tpu.memory_space<vmem>> -> memref<1x256x128xf32, #tpu.memory_space<vmem>>
    %dma_wait3A_724 = tpu.memref_squeeze %dma_wait3A_723 : memref<1x256x128xf32, #tpu.memory_space<vmem>> -> memref<256x128xf32, #tpu.memory_space<vmem>>
    tpu.wait_dma2 semaphore(%dma_wait3A_716 : memref<!tpu.dma_semaphore, #tpu.memory_space<semaphore_mem>>) src(%dma_wait3A_724 : memref<256x128xf32, #tpu.memory_space<vmem>>) dst(%dma_wait3A_720 : memref<256x128xf32, #tpu.memory_space<hbm>>)
    %mul3A_725 = arith.constant 4 : i32
    %mul3A_726 = arith.muli %add3A, %mul3A_725 : i32
    %add3A_727 = arith.constant 1 : i32
    %add3A_728 = arith.addi %mul3A_726, %add3A_727 : i32
    %jit3A_729 = arith.constant 16 : i32
    %div3A_730 = arith.divsi %add3A_728, %jit3A_729 : i32
    %sign3A_731 = arith.constant 0 : i32
    %sign3A_732 = arith.cmpi sgt, %add3A_728, %sign3A_731 : i32
    %sign3A_733 = arith.extui %sign3A_732 : i1 to i32
    %sign3A_734 = arith.constant 0 : i32
    %sign3A_735 = arith.cmpi slt, %add3A_728, %sign3A_734 : i32
    %sign3A_736 = arith.extui %sign3A_735 : i1 to i32
    %sign3A_737 = arith.subi %sign3A_733, %sign3A_736 : i32
    %sign3A_738 = arith.constant 0 : i32
    %sign3A_739 = arith.cmpi sgt, %jit3A_729, %sign3A_738 : i32
    %sign3A_740 = arith.extui %sign3A_739 : i1 to i32
    %sign3A_741 = arith.constant 0 : i32
    %sign3A_742 = arith.cmpi slt, %jit3A_729, %sign3A_741 : i32
    %sign3A_743 = arith.extui %sign3A_742 : i1 to i32
    %sign3A_744 = arith.subi %sign3A_740, %sign3A_743 : i32
    %ne3A_745 = arith.cmpi ne, %sign3A_737, %sign3A_744 : i32
    %rem3A_746 = arith.remsi %add3A_728, %jit3A_729 : i32
    %ne3A_747 = arith.constant 0 : i32
    %ne3A_748 = arith.cmpi ne, %rem3A_746, %ne3A_747 : i32
    %and3A_749 = arith.andi %ne3A_745, %ne3A_748 : i1
    %sub3A_750 = arith.constant 1 : i32
    %sub3A_751 = arith.subi %div3A_730, %sub3A_750 : i32
    %select_n3A_752 = arith.select %and3A_749, %sub3A_751, %div3A_730 : i32
    %jit3A_753 = arith.constant 16 : i32
    %eq3A_754 = arith.constant 0 : i32
    %eq3A_755 = arith.cmpi eq, %jit3A_753, %eq3A_754 : i32
    %jit3A_756 = arith.constant 1 : i32
    %select_n3A_757 = arith.select %eq3A_755, %jit3A_756, %jit3A_753 : i32
    %rem3A_758 = arith.remsi %add3A_728, %select_n3A_757 : i32
    %ne3A_759 = arith.constant 0 : i32
    %ne3A_760 = arith.cmpi ne, %rem3A_758, %ne3A_759 : i32
    %lt3A_761 = arith.constant 0 : i32
    %lt3A_762 = arith.cmpi slt, %rem3A_758, %lt3A_761 : i32
    %lt3A_763 = arith.constant 0 : i32
    %lt3A_764 = arith.cmpi slt, %select_n3A_757, %lt3A_763 : i32
    %ne3A_765 = arith.xori %lt3A_762, %lt3A_764 : i1
    %and3A_766 = arith.andi %ne3A_765, %ne3A_760 : i1
    %add3A_767 = arith.addi %rem3A_758, %select_n3A_757 : i32
    %select_n3A_768 = arith.select %and3A_766, %add3A_767, %rem3A_758 : i32
    %dma_start3A_769 = arith.constant 1 : i32
    %dma_start3A_770 = arith.constant 1 : i32
    %dma_start3A_771 = arith.constant 0 : i32
    %dma_start3A_772 = arith.constant 0 : i32
    %dma_start3A_773 = tpu.memref_slice %arg6[%dma_start3A_769, %dma_start3A_771, %dma_start3A_772] : memref<2x256x128xf32, #tpu.memory_space<vmem>> -> memref<1x256x128xf32, #tpu.memory_space<vmem>>
    %dma_start3A_774 = tpu.memref_squeeze %dma_start3A_773 : memref<1x256x128xf32, #tpu.memory_space<vmem>> -> memref<256x128xf32, #tpu.memory_space<vmem>>
    %dma_start3A_775 = arith.constant 512 : i32
    %dma_start3A_776 = arith.constant 0 : i32
    %dma_start3A_777 = tpu.memref_slice %arg4[%select_n3A_752, %select_n3A_768, %dma_start3A_775, %dma_start3A_776] : memref<8x16x2048x128xf32, #tpu.memory_space<hbm>> -> memref<1x1x256x128xf32, #tpu.memory_space<hbm>>
    %dma_start3A_778 = tpu.memref_squeeze %dma_start3A_777 : memref<1x1x256x128xf32, #tpu.memory_space<hbm>> -> memref<256x128xf32, #tpu.memory_space<hbm>>
    %dma_start3A_779 = tpu.memref_slice %arg9[%dma_start3A_770] : memref<2x!tpu.dma_semaphore, #tpu.memory_space<semaphore_mem>> -> memref<1x!tpu.dma_semaphore, #tpu.memory_space<semaphore_mem>>
    %dma_start3A_780 = tpu.memref_squeeze %dma_start3A_779 : memref<1x!tpu.dma_semaphore, #tpu.memory_space<semaphore_mem>> -> memref<!tpu.dma_semaphore, #tpu.memory_space<semaphore_mem>>
    %dma_start3A_781 = arith.constant 0 : i32
    %dma_start3A_782 = arith.constant 0 : i32
    %dma_start3A_783 = tpu.memref_slice %arg6[%dma_start3A_769, %dma_start3A_781, %dma_start3A_782] : memref<2x256x128xf32, #tpu.memory_space<vmem>> -> memref<1x256x128xf32, #tpu.memory_space<vmem>>
    %dma_start3A_784 = tpu.memref_squeeze %dma_start3A_783 : memref<1x256x128xf32, #tpu.memory_space<vmem>> -> memref<256x128xf32, #tpu.memory_space<vmem>>
    %dma_start3A_785 = arith.constant 512 : i32
    %dma_start3A_786 = arith.constant 0 : i32
    %dma_start3A_787 = tpu.memref_slice %arg4[%select_n3A_752, %select_n3A_768, %dma_start3A_785, %dma_start3A_786] : memref<8x16x2048x128xf32, #tpu.memory_space<hbm>> -> memref<1x1x256x128xf32, #tpu.memory_space<hbm>>
    %dma_start3A_788 = tpu.memref_squeeze %dma_start3A_787 : memref<1x1x256x128xf32, #tpu.memory_space<hbm>> -> memref<256x128xf32, #tpu.memory_space<hbm>>
    tpu.enqueue_dma source(%dma_start3A_788 : memref<256x128xf32, #tpu.memory_space<hbm>>) target(%dma_start3A_784 : memref<256x128xf32, #tpu.memory_space<vmem>>) target_semaphore(%dma_start3A_780 : memref<!tpu.dma_semaphore, #tpu.memory_space<semaphore_mem>>)
    %dma_wait3A_789 = arith.constant 0 : i32
    %dma_wait3A_790 = arith.constant 0 : i32
    %dma_wait3A_791 = arith.constant 0 : i32
    %dma_wait3A_792 = arith.constant 0 : i32
    %dma_wait3A_793 = tpu.memref_slice %arg6[%dma_wait3A_789, %dma_wait3A_791, %dma_wait3A_792] : memref<2x256x128xf32, #tpu.memory_space<vmem>> -> memref<1x256x128xf32, #tpu.memory_space<vmem>>
    %dma_wait3A_794 = tpu.memref_squeeze %dma_wait3A_793 : memref<1x256x128xf32, #tpu.memory_space<vmem>> -> memref<256x128xf32, #tpu.memory_space<vmem>>
    %dma_wait3A_795 = arith.constant 256 : i32
    %dma_wait3A_796 = arith.constant 0 : i32
    %dma_wait3A_797 = tpu.memref_slice %arg4[%select_n3A_584, %select_n3A_600, %dma_wait3A_795, %dma_wait3A_796] : memref<8x16x2048x128xf32, #tpu.memory_space<hbm>> -> memref<1x1x256x128xf32, #tpu.memory_space<hbm>>
    %dma_wait3A_798 = tpu.memref_squeeze %dma_wait3A_797 : memref<1x1x256x128xf32, #tpu.memory_space<hbm>> -> memref<256x128xf32, #tpu.memory_space<hbm>>
    %dma_wait3A_799 = tpu.memref_slice %arg9[%dma_wait3A_790] : memref<2x!tpu.dma_semaphore, #tpu.memory_space<semaphore_mem>> -> memref<1x!tpu.dma_semaphore, #tpu.memory_space<semaphore_mem>>
    %dma_wait3A_800 = tpu.memref_squeeze %dma_wait3A_799 : memref<1x!tpu.dma_semaphore, #tpu.memory_space<semaphore_mem>> -> memref<!tpu.dma_semaphore, #tpu.memory_space<semaphore_mem>>
    %dma_wait3A_801 = arith.constant 0 : i32
    %dma_wait3A_802 = arith.constant 0 : i32
    %dma_wait3A_803 = tpu.memref_slice %arg6[%dma_wait3A_789, %dma_wait3A_801, %dma_wait3A_802] : memref<2x256x128xf32, #tpu.memory_space<vmem>> -> memref<1x256x128xf32, #tpu.memory_space<vmem>>
    %dma_wait3A_804 = tpu.memref_squeeze %dma_wait3A_803 : memref<1x256x128xf32, #tpu.memory_space<vmem>> -> memref<256x128xf32, #tpu.memory_space<vmem>>
    %dma_wait3A_805 = arith.constant 256 : i32
    %dma_wait3A_806 = arith.constant 0 : i32
    %dma_wait3A_807 = tpu.memref_slice %arg4[%select_n3A_584, %select_n3A_600, %dma_wait3A_805, %dma_wait3A_806] : memref<8x16x2048x128xf32, #tpu.memory_space<hbm>> -> memref<1x1x256x128xf32, #tpu.memory_space<hbm>>
    %dma_wait3A_808 = tpu.memref_squeeze %dma_wait3A_807 : memref<1x1x256x128xf32, #tpu.memory_space<hbm>> -> memref<256x128xf32, #tpu.memory_space<hbm>>
    tpu.wait_dma2 semaphore(%dma_wait3A_800 : memref<!tpu.dma_semaphore, #tpu.memory_space<semaphore_mem>>) src(%dma_wait3A_808 : memref<256x128xf32, #tpu.memory_space<hbm>>) dst(%dma_wait3A_804 : memref<256x128xf32, #tpu.memory_space<vmem>>)
    %mul3A_809 = arith.constant 4 : i32
    %mul3A_810 = arith.muli %add3A, %mul3A_809 : i32
    %add3A_811 = arith.constant 1 : i32
    %add3A_812 = arith.addi %mul3A_810, %add3A_811 : i32
    %jit3A_813 = arith.constant 16 : i32
    %div3A_814 = arith.divsi %add3A_812, %jit3A_813 : i32
    %sign3A_815 = arith.constant 0 : i32
    %sign3A_816 = arith.cmpi sgt, %add3A_812, %sign3A_815 : i32
    %sign3A_817 = arith.extui %sign3A_816 : i1 to i32
    %sign3A_818 = arith.constant 0 : i32
    %sign3A_819 = arith.cmpi slt, %add3A_812, %sign3A_818 : i32
    %sign3A_820 = arith.extui %sign3A_819 : i1 to i32
    %sign3A_821 = arith.subi %sign3A_817, %sign3A_820 : i32
    %sign3A_822 = arith.constant 0 : i32
    %sign3A_823 = arith.cmpi sgt, %jit3A_813, %sign3A_822 : i32
    %sign3A_824 = arith.extui %sign3A_823 : i1 to i32
    %sign3A_825 = arith.constant 0 : i32
    %sign3A_826 = arith.cmpi slt, %jit3A_813, %sign3A_825 : i32
    %sign3A_827 = arith.extui %sign3A_826 : i1 to i32
    %sign3A_828 = arith.subi %sign3A_824, %sign3A_827 : i32
    %ne3A_829 = arith.cmpi ne, %sign3A_821, %sign3A_828 : i32
    %rem3A_830 = arith.remsi %add3A_812, %jit3A_813 : i32
    %ne3A_831 = arith.constant 0 : i32
    %ne3A_832 = arith.cmpi ne, %rem3A_830, %ne3A_831 : i32
    %and3A_833 = arith.andi %ne3A_829, %ne3A_832 : i1
    %sub3A_834 = arith.constant 1 : i32
    %sub3A_835 = arith.subi %div3A_814, %sub3A_834 : i32
    %select_n3A_836 = arith.select %and3A_833, %sub3A_835, %div3A_814 : i32
    %jit3A_837 = arith.constant 16 : i32
    %eq3A_838 = arith.constant 0 : i32
    %eq3A_839 = arith.cmpi eq, %jit3A_837, %eq3A_838 : i32
    %jit3A_840 = arith.constant 1 : i32
    %select_n3A_841 = arith.select %eq3A_839, %jit3A_840, %jit3A_837 : i32
    %rem3A_842 = arith.remsi %add3A_812, %select_n3A_841 : i32
    %ne3A_843 = arith.constant 0 : i32
    %ne3A_844 = arith.cmpi ne, %rem3A_842, %ne3A_843 : i32
    %lt3A_845 = arith.constant 0 : i32
    %lt3A_846 = arith.cmpi slt, %rem3A_842, %lt3A_845 : i32
    %lt3A_847 = arith.constant 0 : i32
    %lt3A_848 = arith.cmpi slt, %select_n3A_841, %lt3A_847 : i32
    %ne3A_849 = arith.xori %lt3A_846, %lt3A_848 : i1
    %and3A_850 = arith.andi %ne3A_849, %ne3A_844 : i1
    %add3A_851 = arith.addi %rem3A_842, %select_n3A_841 : i32
    %select_n3A_852 = arith.select %and3A_850, %add3A_851, %rem3A_842 : i32
    %dma_start3A_853 = arith.constant 0 : i32
    %dma_start3A_854 = arith.constant 0 : i32
    %dma_start3A_855 = arith.constant 0 : i32
    %dma_start3A_856 = arith.constant 0 : i32
    %dma_start3A_857 = tpu.memref_slice %arg6[%dma_start3A_853, %dma_start3A_855, %dma_start3A_856] : memref<2x256x128xf32, #tpu.memory_space<vmem>> -> memref<1x256x128xf32, #tpu.memory_space<vmem>>
    %dma_start3A_858 = tpu.memref_squeeze %dma_start3A_857 : memref<1x256x128xf32, #tpu.memory_space<vmem>> -> memref<256x128xf32, #tpu.memory_space<vmem>>
    %dma_start3A_859 = arith.constant 256 : i32
    %dma_start3A_860 = arith.constant 0 : i32
    %dma_start3A_861 = tpu.memref_slice %arg5[%select_n3A_836, %select_n3A_852, %dma_start3A_859, %dma_start3A_860] : memref<8x16x2048x128xf32, #tpu.memory_space<hbm>> -> memref<1x1x256x128xf32, #tpu.memory_space<hbm>>
    %dma_start3A_862 = tpu.memref_squeeze %dma_start3A_861 : memref<1x1x256x128xf32, #tpu.memory_space<hbm>> -> memref<256x128xf32, #tpu.memory_space<hbm>>
    %dma_start3A_863 = tpu.memref_slice %arg10[%dma_start3A_854] : memref<2x!tpu.dma_semaphore, #tpu.memory_space<semaphore_mem>> -> memref<1x!tpu.dma_semaphore, #tpu.memory_space<semaphore_mem>>
    %dma_start3A_864 = tpu.memref_squeeze %dma_start3A_863 : memref<1x!tpu.dma_semaphore, #tpu.memory_space<semaphore_mem>> -> memref<!tpu.dma_semaphore, #tpu.memory_space<semaphore_mem>>
    %dma_start3A_865 = arith.constant 256 : i32
    %dma_start3A_866 = arith.constant 0 : i32
    %dma_start3A_867 = tpu.memref_slice %arg5[%select_n3A_836, %select_n3A_852, %dma_start3A_865, %dma_start3A_866] : memref<8x16x2048x128xf32, #tpu.memory_space<hbm>> -> memref<1x1x256x128xf32, #tpu.memory_space<hbm>>
    %dma_start3A_868 = tpu.memref_squeeze %dma_start3A_867 : memref<1x1x256x128xf32, #tpu.memory_space<hbm>> -> memref<256x128xf32, #tpu.memory_space<hbm>>
    %dma_start3A_869 = arith.constant 0 : i32
    %dma_start3A_870 = arith.constant 0 : i32
    %dma_start3A_871 = tpu.memref_slice %arg6[%dma_start3A_853, %dma_start3A_869, %dma_start3A_870] : memref<2x256x128xf32, #tpu.memory_space<vmem>> -> memref<1x256x128xf32, #tpu.memory_space<vmem>>
    %dma_start3A_872 = tpu.memref_squeeze %dma_start3A_871 : memref<1x256x128xf32, #tpu.memory_space<vmem>> -> memref<256x128xf32, #tpu.memory_space<vmem>>
    tpu.enqueue_dma source(%dma_start3A_872 : memref<256x128xf32, #tpu.memory_space<vmem>>) target(%dma_start3A_868 : memref<256x128xf32, #tpu.memory_space<hbm>>) target_semaphore(%dma_start3A_864 : memref<!tpu.dma_semaphore, #tpu.memory_space<semaphore_mem>>)
    %dma_wait3A_873 = arith.constant 0 : i32
    %dma_wait3A_874 = arith.constant 0 : i32
    %dma_wait3A_875 = arith.constant 0 : i32
    %dma_wait3A_876 = arith.constant 0 : i32
    %dma_wait3A_877 = tpu.memref_slice %arg6[%dma_wait3A_873, %dma_wait3A_875, %dma_wait3A_876] : memref<2x256x128xf32, #tpu.memory_space<vmem>> -> memref<1x256x128xf32, #tpu.memory_space<vmem>>
    %dma_wait3A_878 = tpu.memref_squeeze %dma_wait3A_877 : memref<1x256x128xf32, #tpu.memory_space<vmem>> -> memref<256x128xf32, #tpu.memory_space<vmem>>
    %dma_wait3A_879 = arith.constant 256 : i32
    %dma_wait3A_880 = arith.constant 0 : i32
    %dma_wait3A_881 = tpu.memref_slice %arg5[%select_n3A_836, %select_n3A_852, %dma_wait3A_879, %dma_wait3A_880] : memref<8x16x2048x128xf32, #tpu.memory_space<hbm>> -> memref<1x1x256x128xf32, #tpu.memory_space<hbm>>
    %dma_wait3A_882 = tpu.memref_squeeze %dma_wait3A_881 : memref<1x1x256x128xf32, #tpu.memory_space<hbm>> -> memref<256x128xf32, #tpu.memory_space<hbm>>
    %dma_wait3A_883 = tpu.memref_slice %arg10[%dma_wait3A_874] : memref<2x!tpu.dma_semaphore, #tpu.memory_space<semaphore_mem>> -> memref<1x!tpu.dma_semaphore, #tpu.memory_space<semaphore_mem>>
    %dma_wait3A_884 = tpu.memref_squeeze %dma_wait3A_883 : memref<1x!tpu.dma_semaphore, #tpu.memory_space<semaphore_mem>> -> memref<!tpu.dma_semaphore, #tpu.memory_space<semaphore_mem>>
    %dma_wait3A_885 = arith.constant 256 : i32
    %dma_wait3A_886 = arith.constant 0 : i32
    %dma_wait3A_887 = tpu.memref_slice %arg5[%select_n3A_836, %select_n3A_852, %dma_wait3A_885, %dma_wait3A_886] : memref<8x16x2048x128xf32, #tpu.memory_space<hbm>> -> memref<1x1x256x128xf32, #tpu.memory_space<hbm>>
    %dma_wait3A_888 = tpu.memref_squeeze %dma_wait3A_887 : memref<1x1x256x128xf32, #tpu.memory_space<hbm>> -> memref<256x128xf32, #tpu.memory_space<hbm>>
    %dma_wait3A_889 = arith.constant 0 : i32
    %dma_wait3A_890 = arith.constant 0 : i32
    %dma_wait3A_891 = tpu.memref_slice %arg6[%dma_wait3A_873, %dma_wait3A_889, %dma_wait3A_890] : memref<2x256x128xf32, #tpu.memory_space<vmem>> -> memref<1x256x128xf32, #tpu.memory_space<vmem>>
    %dma_wait3A_892 = tpu.memref_squeeze %dma_wait3A_891 : memref<1x256x128xf32, #tpu.memory_space<vmem>> -> memref<256x128xf32, #tpu.memory_space<vmem>>
    tpu.wait_dma2 semaphore(%dma_wait3A_884 : memref<!tpu.dma_semaphore, #tpu.memory_space<semaphore_mem>>) src(%dma_wait3A_892 : memref<256x128xf32, #tpu.memory_space<vmem>>) dst(%dma_wait3A_888 : memref<256x128xf32, #tpu.memory_space<hbm>>)
    %mul3A_893 = arith.constant 4 : i32
    %mul3A_894 = arith.muli %add3A, %mul3A_893 : i32
    %add3A_895 = arith.constant 2 : i32
    %add3A_896 = arith.addi %mul3A_894, %add3A_895 : i32
    %jit3A_897 = arith.constant 16 : i32
    %div3A_898 = arith.divsi %add3A_896, %jit3A_897 : i32
    %sign3A_899 = arith.constant 0 : i32
    %sign3A_900 = arith.cmpi sgt, %add3A_896, %sign3A_899 : i32
    %sign3A_901 = arith.extui %sign3A_900 : i1 to i32
    %sign3A_902 = arith.constant 0 : i32
    %sign3A_903 = arith.cmpi slt, %add3A_896, %sign3A_902 : i32
    %sign3A_904 = arith.extui %sign3A_903 : i1 to i32
    %sign3A_905 = arith.subi %sign3A_901, %sign3A_904 : i32
    %sign3A_906 = arith.constant 0 : i32
    %sign3A_907 = arith.cmpi sgt, %jit3A_897, %sign3A_906 : i32
    %sign3A_908 = arith.extui %sign3A_907 : i1 to i32
    %sign3A_909 = arith.constant 0 : i32
    %sign3A_910 = arith.cmpi slt, %jit3A_897, %sign3A_909 : i32
    %sign3A_911 = arith.extui %sign3A_910 : i1 to i32
    %sign3A_912 = arith.subi %sign3A_908, %sign3A_911 : i32
    %ne3A_913 = arith.cmpi ne, %sign3A_905, %sign3A_912 : i32
    %rem3A_914 = arith.remsi %add3A_896, %jit3A_897 : i32
    %ne3A_915 = arith.constant 0 : i32
    %ne3A_916 = arith.cmpi ne, %rem3A_914, %ne3A_915 : i32
    %and3A_917 = arith.andi %ne3A_913, %ne3A_916 : i1
    %sub3A_918 = arith.constant 1 : i32
    %sub3A_919 = arith.subi %div3A_898, %sub3A_918 : i32
    %select_n3A_920 = arith.select %and3A_917, %sub3A_919, %div3A_898 : i32
    %jit3A_921 = arith.constant 16 : i32
    %eq3A_922 = arith.constant 0 : i32
    %eq3A_923 = arith.cmpi eq, %jit3A_921, %eq3A_922 : i32
    %jit3A_924 = arith.constant 1 : i32
    %select_n3A_925 = arith.select %eq3A_923, %jit3A_924, %jit3A_921 : i32
    %rem3A_926 = arith.remsi %add3A_896, %select_n3A_925 : i32
    %ne3A_927 = arith.constant 0 : i32
    %ne3A_928 = arith.cmpi ne, %rem3A_926, %ne3A_927 : i32
    %lt3A_929 = arith.constant 0 : i32
    %lt3A_930 = arith.cmpi slt, %rem3A_926, %lt3A_929 : i32
    %lt3A_931 = arith.constant 0 : i32
    %lt3A_932 = arith.cmpi slt, %select_n3A_925, %lt3A_931 : i32
    %ne3A_933 = arith.xori %lt3A_930, %lt3A_932 : i1
    %and3A_934 = arith.andi %ne3A_933, %ne3A_928 : i1
    %add3A_935 = arith.addi %rem3A_926, %select_n3A_925 : i32
    %select_n3A_936 = arith.select %and3A_934, %add3A_935, %rem3A_926 : i32
    %dma_start3A_937 = arith.constant 0 : i32
    %dma_start3A_938 = arith.constant 0 : i32
    %dma_start3A_939 = arith.constant 0 : i32
    %dma_start3A_940 = arith.constant 0 : i32
    %dma_start3A_941 = tpu.memref_slice %arg6[%dma_start3A_937, %dma_start3A_939, %dma_start3A_940] : memref<2x256x128xf32, #tpu.memory_space<vmem>> -> memref<1x256x128xf32, #tpu.memory_space<vmem>>
    %dma_start3A_942 = tpu.memref_squeeze %dma_start3A_941 : memref<1x256x128xf32, #tpu.memory_space<vmem>> -> memref<256x128xf32, #tpu.memory_space<vmem>>
    %dma_start3A_943 = arith.constant 0 : i32
    %dma_start3A_944 = arith.constant 0 : i32
    %dma_start3A_945 = tpu.memref_slice %arg4[%select_n3A_920, %select_n3A_936, %dma_start3A_943, %dma_start3A_944] : memref<8x16x2048x128xf32, #tpu.memory_space<hbm>> -> memref<1x1x256x128xf32, #tpu.memory_space<hbm>>
    %dma_start3A_946 = tpu.memref_squeeze %dma_start3A_945 : memref<1x1x256x128xf32, #tpu.memory_space<hbm>> -> memref<256x128xf32, #tpu.memory_space<hbm>>
    %dma_start3A_947 = tpu.memref_slice %arg9[%dma_start3A_938] : memref<2x!tpu.dma_semaphore, #tpu.memory_space<semaphore_mem>> -> memref<1x!tpu.dma_semaphore, #tpu.memory_space<semaphore_mem>>
    %dma_start3A_948 = tpu.memref_squeeze %dma_start3A_947 : memref<1x!tpu.dma_semaphore, #tpu.memory_space<semaphore_mem>> -> memref<!tpu.dma_semaphore, #tpu.memory_space<semaphore_mem>>
    %dma_start3A_949 = arith.constant 0 : i32
    %dma_start3A_950 = arith.constant 0 : i32
    %dma_start3A_951 = tpu.memref_slice %arg6[%dma_start3A_937, %dma_start3A_949, %dma_start3A_950] : memref<2x256x128xf32, #tpu.memory_space<vmem>> -> memref<1x256x128xf32, #tpu.memory_space<vmem>>
    %dma_start3A_952 = tpu.memref_squeeze %dma_start3A_951 : memref<1x256x128xf32, #tpu.memory_space<vmem>> -> memref<256x128xf32, #tpu.memory_space<vmem>>
    %dma_start3A_953 = arith.constant 0 : i32
    %dma_start3A_954 = arith.constant 0 : i32
    %dma_start3A_955 = tpu.memref_slice %arg4[%select_n3A_920, %select_n3A_936, %dma_start3A_953, %dma_start3A_954] : memref<8x16x2048x128xf32, #tpu.memory_space<hbm>> -> memref<1x1x256x128xf32, #tpu.memory_space<hbm>>
    %dma_start3A_956 = tpu.memref_squeeze %dma_start3A_955 : memref<1x1x256x128xf32, #tpu.memory_space<hbm>> -> memref<256x128xf32, #tpu.memory_space<hbm>>
    tpu.enqueue_dma source(%dma_start3A_956 : memref<256x128xf32, #tpu.memory_space<hbm>>) target(%dma_start3A_952 : memref<256x128xf32, #tpu.memory_space<vmem>>) target_semaphore(%dma_start3A_948 : memref<!tpu.dma_semaphore, #tpu.memory_space<semaphore_mem>>)
    %dma_wait3A_957 = arith.constant 1 : i32
    %dma_wait3A_958 = arith.constant 1 : i32
    %dma_wait3A_959 = arith.constant 0 : i32
    %dma_wait3A_960 = arith.constant 0 : i32
    %dma_wait3A_961 = tpu.memref_slice %arg6[%dma_wait3A_957, %dma_wait3A_959, %dma_wait3A_960] : memref<2x256x128xf32, #tpu.memory_space<vmem>> -> memref<1x256x128xf32, #tpu.memory_space<vmem>>
    %dma_wait3A_962 = tpu.memref_squeeze %dma_wait3A_961 : memref<1x256x128xf32, #tpu.memory_space<vmem>> -> memref<256x128xf32, #tpu.memory_space<vmem>>
    %dma_wait3A_963 = arith.constant 512 : i32
    %dma_wait3A_964 = arith.constant 0 : i32
    %dma_wait3A_965 = tpu.memref_slice %arg4[%select_n3A_752, %select_n3A_768, %dma_wait3A_963, %dma_wait3A_964] : memref<8x16x2048x128xf32, #tpu.memory_space<hbm>> -> memref<1x1x256x128xf32, #tpu.memory_space<hbm>>
    %dma_wait3A_966 = tpu.memref_squeeze %dma_wait3A_965 : memref<1x1x256x128xf32, #tpu.memory_space<hbm>> -> memref<256x128xf32, #tpu.memory_space<hbm>>
    %dma_wait3A_967 = tpu.memref_slice %arg9[%dma_wait3A_958] : memref<2x!tpu.dma_semaphore, #tpu.memory_space<semaphore_mem>> -> memref<1x!tpu.dma_semaphore, #tpu.memory_space<semaphore_mem>>
    %dma_wait3A_968 = tpu.memref_squeeze %dma_wait3A_967 : memref<1x!tpu.dma_semaphore, #tpu.memory_space<semaphore_mem>> -> memref<!tpu.dma_semaphore, #tpu.memory_space<semaphore_mem>>
    %dma_wait3A_969 = arith.constant 0 : i32
    %dma_wait3A_970 = arith.constant 0 : i32
    %dma_wait3A_971 = tpu.memref_slice %arg6[%dma_wait3A_957, %dma_wait3A_969, %dma_wait3A_970] : memref<2x256x128xf32, #tpu.memory_space<vmem>> -> memref<1x256x128xf32, #tpu.memory_space<vmem>>
    %dma_wait3A_972 = tpu.memref_squeeze %dma_wait3A_971 : memref<1x256x128xf32, #tpu.memory_space<vmem>> -> memref<256x128xf32, #tpu.memory_space<vmem>>
    %dma_wait3A_973 = arith.constant 512 : i32
    %dma_wait3A_974 = arith.constant 0 : i32
    %dma_wait3A_975 = tpu.memref_slice %arg4[%select_n3A_752, %select_n3A_768, %dma_wait3A_973, %dma_wait3A_974] : memref<8x16x2048x128xf32, #tpu.memory_space<hbm>> -> memref<1x1x256x128xf32, #tpu.memory_space<hbm>>
    %dma_wait3A_976 = tpu.memref_squeeze %dma_wait3A_975 : memref<1x1x256x128xf32, #tpu.memory_space<hbm>> -> memref<256x128xf32, #tpu.memory_space<hbm>>
    tpu.wait_dma2 semaphore(%dma_wait3A_968 : memref<!tpu.dma_semaphore, #tpu.memory_space<semaphore_mem>>) src(%dma_wait3A_976 : memref<256x128xf32, #tpu.memory_space<hbm>>) dst(%dma_wait3A_972 : memref<256x128xf32, #tpu.memory_space<vmem>>)
    %mul3A_977 = arith.constant 4 : i32
    %mul3A_978 = arith.muli %add3A, %mul3A_977 : i32
    %add3A_979 = arith.constant 1 : i32
    %add3A_980 = arith.addi %mul3A_978, %add3A_979 : i32
    %jit3A_981 = arith.constant 16 : i32
    %div3A_982 = arith.divsi %add3A_980, %jit3A_981 : i32
    %sign3A_983 = arith.constant 0 : i32
    %sign3A_984 = arith.cmpi sgt, %add3A_980, %sign3A_983 : i32
    %sign3A_985 = arith.extui %sign3A_984 : i1 to i32
    %sign3A_986 = arith.constant 0 : i32
    %sign3A_987 = arith.cmpi slt, %add3A_980, %sign3A_986 : i32
    %sign3A_988 = arith.extui %sign3A_987 : i1 to i32
    %sign3A_989 = arith.subi %sign3A_985, %sign3A_988 : i32
    %sign3A_990 = arith.constant 0 : i32
    %sign3A_991 = arith.cmpi sgt, %jit3A_981, %sign3A_990 : i32
    %sign3A_992 = arith.extui %sign3A_991 : i1 to i32
    %sign3A_993 = arith.constant 0 : i32
    %sign3A_994 = arith.cmpi slt, %jit3A_981, %sign3A_993 : i32
    %sign3A_995 = arith.extui %sign3A_994 : i1 to i32
    %sign3A_996 = arith.subi %sign3A_992, %sign3A_995 : i32
    %ne3A_997 = arith.cmpi ne, %sign3A_989, %sign3A_996 : i32
    %rem3A_998 = arith.remsi %add3A_980, %jit3A_981 : i32
    %ne3A_999 = arith.constant 0 : i32
    %ne3A_1000 = arith.cmpi ne, %rem3A_998, %ne3A_999 : i32
    %and3A_1001 = arith.andi %ne3A_997, %ne3A_1000 : i1
    %sub3A_1002 = arith.constant 1 : i32
    %sub3A_1003 = arith.subi %div3A_982, %sub3A_1002 : i32
    %select_n3A_1004 = arith.select %and3A_1001, %sub3A_1003, %div3A_982 : i32
    %jit3A_1005 = arith.constant 16 : i32
    %eq3A_1006 = arith.constant 0 : i32
    %eq3A_1007 = arith.cmpi eq, %jit3A_1005, %eq3A_1006 : i32
    %jit3A_1008 = arith.constant 1 : i32
    %select_n3A_1009 = arith.select %eq3A_1007, %jit3A_1008, %jit3A_1005 : i32
    %rem3A_1010 = arith.remsi %add3A_980, %select_n3A_1009 : i32
    %ne3A_1011 = arith.constant 0 : i32
    %ne3A_1012 = arith.cmpi ne, %rem3A_1010, %ne3A_1011 : i32
    %lt3A_1013 = arith.constant 0 : i32
    %lt3A_1014 = arith.cmpi slt, %rem3A_1010, %lt3A_1013 : i32
    %lt3A_1015 = arith.constant 0 : i32
    %lt3A_1016 = arith.cmpi slt, %select_n3A_1009, %lt3A_1015 : i32
    %ne3A_1017 = arith.xori %lt3A_1014, %lt3A_1016 : i1
    %and3A_1018 = arith.andi %ne3A_1017, %ne3A_1012 : i1
    %add3A_1019 = arith.addi %rem3A_1010, %select_n3A_1009 : i32
    %select_n3A_1020 = arith.select %and3A_1018, %add3A_1019, %rem3A_1010 : i32
    %dma_start3A_1021 = arith.constant 1 : i32
    %dma_start3A_1022 = arith.constant 1 : i32
    %dma_start3A_1023 = arith.constant 0 : i32
    %dma_start3A_1024 = arith.constant 0 : i32
    %dma_start3A_1025 = tpu.memref_slice %arg6[%dma_start3A_1021, %dma_start3A_1023, %dma_start3A_1024] : memref<2x256x128xf32, #tpu.memory_space<vmem>> -> memref<1x256x128xf32, #tpu.memory_space<vmem>>
    %dma_start3A_1026 = tpu.memref_squeeze %dma_start3A_1025 : memref<1x256x128xf32, #tpu.memory_space<vmem>> -> memref<256x128xf32, #tpu.memory_space<vmem>>
    %dma_start3A_1027 = arith.constant 512 : i32
    %dma_start3A_1028 = arith.constant 0 : i32
    %dma_start3A_1029 = tpu.memref_slice %arg5[%select_n3A_1004, %select_n3A_1020, %dma_start3A_1027, %dma_start3A_1028] : memref<8x16x2048x128xf32, #tpu.memory_space<hbm>> -> memref<1x1x256x128xf32, #tpu.memory_space<hbm>>
    %dma_start3A_1030 = tpu.memref_squeeze %dma_start3A_1029 : memref<1x1x256x128xf32, #tpu.memory_space<hbm>> -> memref<256x128xf32, #tpu.memory_space<hbm>>
    %dma_start3A_1031 = tpu.memref_slice %arg10[%dma_start3A_1022] : memref<2x!tpu.dma_semaphore, #tpu.memory_space<semaphore_mem>> -> memref<1x!tpu.dma_semaphore, #tpu.memory_space<semaphore_mem>>
    %dma_start3A_1032 = tpu.memref_squeeze %dma_start3A_1031 : memref<1x!tpu.dma_semaphore, #tpu.memory_space<semaphore_mem>> -> memref<!tpu.dma_semaphore, #tpu.memory_space<semaphore_mem>>
    %dma_start3A_1033 = arith.constant 512 : i32
    %dma_start3A_1034 = arith.constant 0 : i32
    %dma_start3A_1035 = tpu.memref_slice %arg5[%select_n3A_1004, %select_n3A_1020, %dma_start3A_1033, %dma_start3A_1034] : memref<8x16x2048x128xf32, #tpu.memory_space<hbm>> -> memref<1x1x256x128xf32, #tpu.memory_space<hbm>>
    %dma_start3A_1036 = tpu.memref_squeeze %dma_start3A_1035 : memref<1x1x256x128xf32, #tpu.memory_space<hbm>> -> memref<256x128xf32, #tpu.memory_space<hbm>>
    %dma_start3A_1037 = arith.constant 0 : i32
    %dma_start3A_1038 = arith.constant 0 : i32
    %dma_start3A_1039 = tpu.memref_slice %arg6[%dma_start3A_1021, %dma_start3A_1037, %dma_start3A_1038] : memref<2x256x128xf32, #tpu.memory_space<vmem>> -> memref<1x256x128xf32, #tpu.memory_space<vmem>>
    %dma_start3A_1040 = tpu.memref_squeeze %dma_start3A_1039 : memref<1x256x128xf32, #tpu.memory_space<vmem>> -> memref<256x128xf32, #tpu.memory_space<vmem>>
    tpu.enqueue_dma source(%dma_start3A_1040 : memref<256x128xf32, #tpu.memory_space<vmem>>) target(%dma_start3A_1036 : memref<256x128xf32, #tpu.memory_space<hbm>>) target_semaphore(%dma_start3A_1032 : memref<!tpu.dma_semaphore, #tpu.memory_space<semaphore_mem>>)
    %dma_wait3A_1041 = arith.constant 1 : i32
    %dma_wait3A_1042 = arith.constant 1 : i32
    %dma_wait3A_1043 = arith.constant 0 : i32
    %dma_wait3A_1044 = arith.constant 0 : i32
    %dma_wait3A_1045 = tpu.memref_slice %arg6[%dma_wait3A_1041, %dma_wait3A_1043, %dma_wait3A_1044] : memref<2x256x128xf32, #tpu.memory_space<vmem>> -> memref<1x256x128xf32, #tpu.memory_space<vmem>>
    %dma_wait3A_1046 = tpu.memref_squeeze %dma_wait3A_1045 : memref<1x256x128xf32, #tpu.memory_space<vmem>> -> memref<256x128xf32, #tpu.memory_space<vmem>>
    %dma_wait3A_1047 = arith.constant 512 : i32
    %dma_wait3A_1048 = arith.constant 0 : i32
    %dma_wait3A_1049 = tpu.memref_slice %arg5[%select_n3A_1004, %select_n3A_1020, %dma_wait3A_1047, %dma_wait3A_1048] : memref<8x16x2048x128xf32, #tpu.memory_space<hbm>> -> memref<1x1x256x128xf32, #tpu.memory_space<hbm>>
    %dma_wait3A_1050 = tpu.memref_squeeze %dma_wait3A_1049 : memref<1x1x256x128xf32, #tpu.memory_space<hbm>> -> memref<256x128xf32, #tpu.memory_space<hbm>>
    %dma_wait3A_1051 = tpu.memref_slice %arg10[%dma_wait3A_1042] : memref<2x!tpu.dma_semaphore, #tpu.memory_space<semaphore_mem>> -> memref<1x!tpu.dma_semaphore, #tpu.memory_space<semaphore_mem>>
    %dma_wait3A_1052 = tpu.memref_squeeze %dma_wait3A_1051 : memref<1x!tpu.dma_semaphore, #tpu.memory_space<semaphore_mem>> -> memref<!tpu.dma_semaphore, #tpu.memory_space<semaphore_mem>>
    %dma_wait3A_1053 = arith.constant 512 : i32
    %dma_wait3A_1054 = arith.constant 0 : i32
    %dma_wait3A_1055 = tpu.memref_slice %arg5[%select_n3A_1004, %select_n3A_1020, %dma_wait3A_1053, %dma_wait3A_1054] : memref<8x16x2048x128xf32, #tpu.memory_space<hbm>> -> memref<1x1x256x128xf32, #tpu.memory_space<hbm>>
    %dma_wait3A_1056 = tpu.memref_squeeze %dma_wait3A_1055 : memref<1x1x256x128xf32, #tpu.memory_space<hbm>> -> memref<256x128xf32, #tpu.memory_space<hbm>>
    %dma_wait3A_1057 = arith.constant 0 : i32
    %dma_wait3A_1058 = arith.constant 0 : i32
    %dma_wait3A_1059 = tpu.memref_slice %arg6[%dma_wait3A_1041, %dma_wait3A_1057, %dma_wait3A_1058] : memref<2x256x128xf32, #tpu.memory_space<vmem>> -> memref<1x256x128xf32, #tpu.memory_space<vmem>>
    %dma_wait3A_1060 = tpu.memref_squeeze %dma_wait3A_1059 : memref<1x256x128xf32, #tpu.memory_space<vmem>> -> memref<256x128xf32, #tpu.memory_space<vmem>>
    tpu.wait_dma2 semaphore(%dma_wait3A_1052 : memref<!tpu.dma_semaphore, #tpu.memory_space<semaphore_mem>>) src(%dma_wait3A_1060 : memref<256x128xf32, #tpu.memory_space<vmem>>) dst(%dma_wait3A_1056 : memref<256x128xf32, #tpu.memory_space<hbm>>)
    %mul3A_1061 = arith.constant 4 : i32
    %mul3A_1062 = arith.muli %add3A, %mul3A_1061 : i32
    %add3A_1063 = arith.constant 2 : i32
    %add3A_1064 = arith.addi %mul3A_1062, %add3A_1063 : i32
    %jit3A_1065 = arith.constant 16 : i32
    %div3A_1066 = arith.divsi %add3A_1064, %jit3A_1065 : i32
    %sign3A_1067 = arith.constant 0 : i32
    %sign3A_1068 = arith.cmpi sgt, %add3A_1064, %sign3A_1067 : i32
    %sign3A_1069 = arith.extui %sign3A_1068 : i1 to i32
    %sign3A_1070 = arith.constant 0 : i32
    %sign3A_1071 = arith.cmpi slt, %add3A_1064, %sign3A_1070 : i32
    %sign3A_1072 = arith.extui %sign3A_1071 : i1 to i32
    %sign3A_1073 = arith.subi %sign3A_1069, %sign3A_1072 : i32
    %sign3A_1074 = arith.constant 0 : i32
    %sign3A_1075 = arith.cmpi sgt, %jit3A_1065, %sign3A_1074 : i32
    %sign3A_1076 = arith.extui %sign3A_1075 : i1 to i32
    %sign3A_1077 = arith.constant 0 : i32
    %sign3A_1078 = arith.cmpi slt, %jit3A_1065, %sign3A_1077 : i32
    %sign3A_1079 = arith.extui %sign3A_1078 : i1 to i32
    %sign3A_1080 = arith.subi %sign3A_1076, %sign3A_1079 : i32
    %ne3A_1081 = arith.cmpi ne, %sign3A_1073, %sign3A_1080 : i32
    %rem3A_1082 = arith.remsi %add3A_1064, %jit3A_1065 : i32
    %ne3A_1083 = arith.constant 0 : i32
    %ne3A_1084 = arith.cmpi ne, %rem3A_1082, %ne3A_1083 : i32
    %and3A_1085 = arith.andi %ne3A_1081, %ne3A_1084 : i1
    %sub3A_1086 = arith.constant 1 : i32
    %sub3A_1087 = arith.subi %div3A_1066, %sub3A_1086 : i32
    %select_n3A_1088 = arith.select %and3A_1085, %sub3A_1087, %div3A_1066 : i32
    %jit3A_1089 = arith.constant 16 : i32
    %eq3A_1090 = arith.constant 0 : i32
    %eq3A_1091 = arith.cmpi eq, %jit3A_1089, %eq3A_1090 : i32
    %jit3A_1092 = arith.constant 1 : i32
    %select_n3A_1093 = arith.select %eq3A_1091, %jit3A_1092, %jit3A_1089 : i32
    %rem3A_1094 = arith.remsi %add3A_1064, %select_n3A_1093 : i32
    %ne3A_1095 = arith.constant 0 : i32
    %ne3A_1096 = arith.cmpi ne, %rem3A_1094, %ne3A_1095 : i32
    %lt3A_1097 = arith.constant 0 : i32
    %lt3A_1098 = arith.cmpi slt, %rem3A_1094, %lt3A_1097 : i32
    %lt3A_1099 = arith.constant 0 : i32
    %lt3A_1100 = arith.cmpi slt, %select_n3A_1093, %lt3A_1099 : i32
    %ne3A_1101 = arith.xori %lt3A_1098, %lt3A_1100 : i1
    %and3A_1102 = arith.andi %ne3A_1101, %ne3A_1096 : i1
    %add3A_1103 = arith.addi %rem3A_1094, %select_n3A_1093 : i32
    %select_n3A_1104 = arith.select %and3A_1102, %add3A_1103, %rem3A_1094 : i32
    %dma_start3A_1105 = arith.constant 1 : i32
    %dma_start3A_1106 = arith.constant 1 : i32
    %dma_start3A_1107 = arith.constant 0 : i32
    %dma_start3A_1108 = arith.constant 0 : i32
    %dma_start3A_1109 = tpu.memref_slice %arg6[%dma_start3A_1105, %dma_start3A_1107, %dma_start3A_1108] : memref<2x256x128xf32, #tpu.memory_space<vmem>> -> memref<1x256x128xf32, #tpu.memory_space<vmem>>
    %dma_start3A_1110 = tpu.memref_squeeze %dma_start3A_1109 : memref<1x256x128xf32, #tpu.memory_space<vmem>> -> memref<256x128xf32, #tpu.memory_space<vmem>>
    %dma_start3A_1111 = arith.constant 256 : i32
    %dma_start3A_1112 = arith.constant 0 : i32
    %dma_start3A_1113 = tpu.memref_slice %arg4[%select_n3A_1088, %select_n3A_1104, %dma_start3A_1111, %dma_start3A_1112] : memref<8x16x2048x128xf32, #tpu.memory_space<hbm>> -> memref<1x1x256x128xf32, #tpu.memory_space<hbm>>
    %dma_start3A_1114 = tpu.memref_squeeze %dma_start3A_1113 : memref<1x1x256x128xf32, #tpu.memory_space<hbm>> -> memref<256x128xf32, #tpu.memory_space<hbm>>
    %dma_start3A_1115 = tpu.memref_slice %arg9[%dma_start3A_1106] : memref<2x!tpu.dma_semaphore, #tpu.memory_space<semaphore_mem>> -> memref<1x!tpu.dma_semaphore, #tpu.memory_space<semaphore_mem>>
    %dma_start3A_1116 = tpu.memref_squeeze %dma_start3A_1115 : memref<1x!tpu.dma_semaphore, #tpu.memory_space<semaphore_mem>> -> memref<!tpu.dma_semaphore, #tpu.memory_space<semaphore_mem>>
    %dma_start3A_1117 = arith.constant 0 : i32
    %dma_start3A_1118 = arith.constant 0 : i32
    %dma_start3A_1119 = tpu.memref_slice %arg6[%dma_start3A_1105, %dma_start3A_1117, %dma_start3A_1118] : memref<2x256x128xf32, #tpu.memory_space<vmem>> -> memref<1x256x128xf32, #tpu.memory_space<vmem>>
    %dma_start3A_1120 = tpu.memref_squeeze %dma_start3A_1119 : memref<1x256x128xf32, #tpu.memory_space<vmem>> -> memref<256x128xf32, #tpu.memory_space<vmem>>
    %dma_start3A_1121 = arith.constant 256 : i32
    %dma_start3A_1122 = arith.constant 0 : i32
    %dma_start3A_1123 = tpu.memref_slice %arg4[%select_n3A_1088, %select_n3A_1104, %dma_start3A_1121, %dma_start3A_1122] : memref<8x16x2048x128xf32, #tpu.memory_space<hbm>> -> memref<1x1x256x128xf32, #tpu.memory_space<hbm>>
    %dma_start3A_1124 = tpu.memref_squeeze %dma_start3A_1123 : memref<1x1x256x128xf32, #tpu.memory_space<hbm>> -> memref<256x128xf32, #tpu.memory_space<hbm>>
    tpu.enqueue_dma source(%dma_start3A_1124 : memref<256x128xf32, #tpu.memory_space<hbm>>) target(%dma_start3A_1120 : memref<256x128xf32, #tpu.memory_space<vmem>>) target_semaphore(%dma_start3A_1116 : memref<!tpu.dma_semaphore, #tpu.memory_space<semaphore_mem>>)
    %dma_wait3A_1125 = arith.constant 0 : i32
    %dma_wait3A_1126 = arith.constant 0 : i32
    %dma_wait3A_1127 = arith.constant 0 : i32
    %dma_wait3A_1128 = arith.constant 0 : i32
    %dma_wait3A_1129 = tpu.memref_slice %arg6[%dma_wait3A_1125, %dma_wait3A_1127, %dma_wait3A_1128] : memref<2x256x128xf32, #tpu.memory_space<vmem>> -> memref<1x256x128xf32, #tpu.memory_space<vmem>>
    %dma_wait3A_1130 = tpu.memref_squeeze %dma_wait3A_1129 : memref<1x256x128xf32, #tpu.memory_space<vmem>> -> memref<256x128xf32, #tpu.memory_space<vmem>>
    %dma_wait3A_1131 = arith.constant 0 : i32
    %dma_wait3A_1132 = arith.constant 0 : i32
    %dma_wait3A_1133 = tpu.memref_slice %arg4[%select_n3A_920, %select_n3A_936, %dma_wait3A_1131, %dma_wait3A_1132] : memref<8x16x2048x128xf32, #tpu.memory_space<hbm>> -> memref<1x1x256x128xf32, #tpu.memory_space<hbm>>
    %dma_wait3A_1134 = tpu.memref_squeeze %dma_wait3A_1133 : memref<1x1x256x128xf32, #tpu.memory_space<hbm>> -> memref<256x128xf32, #tpu.memory_space<hbm>>
    %dma_wait3A_1135 = tpu.memref_slice %arg9[%dma_wait3A_1126] : memref<2x!tpu.dma_semaphore, #tpu.memory_space<semaphore_mem>> -> memref<1x!tpu.dma_semaphore, #tpu.memory_space<semaphore_mem>>
    %dma_wait3A_1136 = tpu.memref_squeeze %dma_wait3A_1135 : memref<1x!tpu.dma_semaphore, #tpu.memory_space<semaphore_mem>> -> memref<!tpu.dma_semaphore, #tpu.memory_space<semaphore_mem>>
    %dma_wait3A_1137 = arith.constant 0 : i32
    %dma_wait3A_1138 = arith.constant 0 : i32
    %dma_wait3A_1139 = tpu.memref_slice %arg6[%dma_wait3A_1125, %dma_wait3A_1137, %dma_wait3A_1138] : memref<2x256x128xf32, #tpu.memory_space<vmem>> -> memref<1x256x128xf32, #tpu.memory_space<vmem>>
    %dma_wait3A_1140 = tpu.memref_squeeze %dma_wait3A_1139 : memref<1x256x128xf32, #tpu.memory_space<vmem>> -> memref<256x128xf32, #tpu.memory_space<vmem>>
    %dma_wait3A_1141 = arith.constant 0 : i32
    %dma_wait3A_1142 = arith.constant 0 : i32
    %dma_wait3A_1143 = tpu.memref_slice %arg4[%select_n3A_920, %select_n3A_936, %dma_wait3A_1141, %dma_wait3A_1142] : memref<8x16x2048x128xf32, #tpu.memory_space<hbm>> -> memref<1x1x256x128xf32, #tpu.memory_space<hbm>>
    %dma_wait3A_1144 = tpu.memref_squeeze %dma_wait3A_1143 : memref<1x1x256x128xf32, #tpu.memory_space<hbm>> -> memref<256x128xf32, #tpu.memory_space<hbm>>
    tpu.wait_dma2 semaphore(%dma_wait3A_1136 : memref<!tpu.dma_semaphore, #tpu.memory_space<semaphore_mem>>) src(%dma_wait3A_1144 : memref<256x128xf32, #tpu.memory_space<hbm>>) dst(%dma_wait3A_1140 : memref<256x128xf32, #tpu.memory_space<vmem>>)
    %mul3A_1145 = arith.constant 4 : i32
    %mul3A_1146 = arith.muli %add3A, %mul3A_1145 : i32
    %add3A_1147 = arith.constant 2 : i32
    %add3A_1148 = arith.addi %mul3A_1146, %add3A_1147 : i32
    %jit3A_1149 = arith.constant 16 : i32
    %div3A_1150 = arith.divsi %add3A_1148, %jit3A_1149 : i32
    %sign3A_1151 = arith.constant 0 : i32
    %sign3A_1152 = arith.cmpi sgt, %add3A_1148, %sign3A_1151 : i32
    %sign3A_1153 = arith.extui %sign3A_1152 : i1 to i32
    %sign3A_1154 = arith.constant 0 : i32
    %sign3A_1155 = arith.cmpi slt, %add3A_1148, %sign3A_1154 : i32
    %sign3A_1156 = arith.extui %sign3A_1155 : i1 to i32
    %sign3A_1157 = arith.subi %sign3A_1153, %sign3A_1156 : i32
    %sign3A_1158 = arith.constant 0 : i32
    %sign3A_1159 = arith.cmpi sgt, %jit3A_1149, %sign3A_1158 : i32
    %sign3A_1160 = arith.extui %sign3A_1159 : i1 to i32
    %sign3A_1161 = arith.constant 0 : i32
    %sign3A_1162 = arith.cmpi slt, %jit3A_1149, %sign3A_1161 : i32
    %sign3A_1163 = arith.extui %sign3A_1162 : i1 to i32
    %sign3A_1164 = arith.subi %sign3A_1160, %sign3A_1163 : i32
    %ne3A_1165 = arith.cmpi ne, %sign3A_1157, %sign3A_1164 : i32
    %rem3A_1166 = arith.remsi %add3A_1148, %jit3A_1149 : i32
    %ne3A_1167 = arith.constant 0 : i32
    %ne3A_1168 = arith.cmpi ne, %rem3A_1166, %ne3A_1167 : i32
    %and3A_1169 = arith.andi %ne3A_1165, %ne3A_1168 : i1
    %sub3A_1170 = arith.constant 1 : i32
    %sub3A_1171 = arith.subi %div3A_1150, %sub3A_1170 : i32
    %select_n3A_1172 = arith.select %and3A_1169, %sub3A_1171, %div3A_1150 : i32
    %jit3A_1173 = arith.constant 16 : i32
    %eq3A_1174 = arith.constant 0 : i32
    %eq3A_1175 = arith.cmpi eq, %jit3A_1173, %eq3A_1174 : i32
    %jit3A_1176 = arith.constant 1 : i32
    %select_n3A_1177 = arith.select %eq3A_1175, %jit3A_1176, %jit3A_1173 : i32
    %rem3A_1178 = arith.remsi %add3A_1148, %select_n3A_1177 : i32
    %ne3A_1179 = arith.constant 0 : i32
    %ne3A_1180 = arith.cmpi ne, %rem3A_1178, %ne3A_1179 : i32
    %lt3A_1181 = arith.constant 0 : i32
    %lt3A_1182 = arith.cmpi slt, %rem3A_1178, %lt3A_1181 : i32
    %lt3A_1183 = arith.constant 0 : i32
    %lt3A_1184 = arith.cmpi slt, %select_n3A_1177, %lt3A_1183 : i32
    %ne3A_1185 = arith.xori %lt3A_1182, %lt3A_1184 : i1
    %and3A_1186 = arith.andi %ne3A_1185, %ne3A_1180 : i1
    %add3A_1187 = arith.addi %rem3A_1178, %select_n3A_1177 : i32
    %select_n3A_1188 = arith.select %and3A_1186, %add3A_1187, %rem3A_1178 : i32
    %dma_start3A_1189 = arith.constant 0 : i32
    %dma_start3A_1190 = arith.constant 0 : i32
    %dma_start3A_1191 = arith.constant 0 : i32
    %dma_start3A_1192 = arith.constant 0 : i32
    %dma_start3A_1193 = tpu.memref_slice %arg6[%dma_start3A_1189, %dma_start3A_1191, %dma_start3A_1192] : memref<2x256x128xf32, #tpu.memory_space<vmem>> -> memref<1x256x128xf32, #tpu.memory_space<vmem>>
    %dma_start3A_1194 = tpu.memref_squeeze %dma_start3A_1193 : memref<1x256x128xf32, #tpu.memory_space<vmem>> -> memref<256x128xf32, #tpu.memory_space<vmem>>
    %dma_start3A_1195 = arith.constant 0 : i32
    %dma_start3A_1196 = arith.constant 0 : i32
    %dma_start3A_1197 = tpu.memref_slice %arg5[%select_n3A_1172, %select_n3A_1188, %dma_start3A_1195, %dma_start3A_1196] : memref<8x16x2048x128xf32, #tpu.memory_space<hbm>> -> memref<1x1x256x128xf32, #tpu.memory_space<hbm>>
    %dma_start3A_1198 = tpu.memref_squeeze %dma_start3A_1197 : memref<1x1x256x128xf32, #tpu.memory_space<hbm>> -> memref<256x128xf32, #tpu.memory_space<hbm>>
    %dma_start3A_1199 = tpu.memref_slice %arg10[%dma_start3A_1190] : memref<2x!tpu.dma_semaphore, #tpu.memory_space<semaphore_mem>> -> memref<1x!tpu.dma_semaphore, #tpu.memory_space<semaphore_mem>>
    %dma_start3A_1200 = tpu.memref_squeeze %dma_start3A_1199 : memref<1x!tpu.dma_semaphore, #tpu.memory_space<semaphore_mem>> -> memref<!tpu.dma_semaphore, #tpu.memory_space<semaphore_mem>>
    %dma_start3A_1201 = arith.constant 0 : i32
    %dma_start3A_1202 = arith.constant 0 : i32
    %dma_start3A_1203 = tpu.memref_slice %arg5[%select_n3A_1172, %select_n3A_1188, %dma_start3A_1201, %dma_start3A_1202] : memref<8x16x2048x128xf32, #tpu.memory_space<hbm>> -> memref<1x1x256x128xf32, #tpu.memory_space<hbm>>
    %dma_start3A_1204 = tpu.memref_squeeze %dma_start3A_1203 : memref<1x1x256x128xf32, #tpu.memory_space<hbm>> -> memref<256x128xf32, #tpu.memory_space<hbm>>
    %dma_start3A_1205 = arith.constant 0 : i32
    %dma_start3A_1206 = arith.constant 0 : i32
    %dma_start3A_1207 = tpu.memref_slice %arg6[%dma_start3A_1189, %dma_start3A_1205, %dma_start3A_1206] : memref<2x256x128xf32, #tpu.memory_space<vmem>> -> memref<1x256x128xf32, #tpu.memory_space<vmem>>
    %dma_start3A_1208 = tpu.memref_squeeze %dma_start3A_1207 : memref<1x256x128xf32, #tpu.memory_space<vmem>> -> memref<256x128xf32, #tpu.memory_space<vmem>>
    tpu.enqueue_dma source(%dma_start3A_1208 : memref<256x128xf32, #tpu.memory_space<vmem>>) target(%dma_start3A_1204 : memref<256x128xf32, #tpu.memory_space<hbm>>) target_semaphore(%dma_start3A_1200 : memref<!tpu.dma_semaphore, #tpu.memory_space<semaphore_mem>>)
    %dma_wait3A_1209 = arith.constant 0 : i32
    %dma_wait3A_1210 = arith.constant 0 : i32
    %dma_wait3A_1211 = arith.constant 0 : i32
    %dma_wait3A_1212 = arith.constant 0 : i32
    %dma_wait3A_1213 = tpu.memref_slice %arg6[%dma_wait3A_1209, %dma_wait3A_1211, %dma_wait3A_1212] : memref<2x256x128xf32, #tpu.memory_space<vmem>> -> memref<1x256x128xf32, #tpu.memory_space<vmem>>
    %dma_wait3A_1214 = tpu.memref_squeeze %dma_wait3A_1213 : memref<1x256x128xf32, #tpu.memory_space<vmem>> -> memref<256x128xf32, #tpu.memory_space<vmem>>
    %dma_wait3A_1215 = arith.constant 0 : i32
    %dma_wait3A_1216 = arith.constant 0 : i32
    %dma_wait3A_1217 = tpu.memref_slice %arg5[%select_n3A_1172, %select_n3A_1188, %dma_wait3A_1215, %dma_wait3A_1216] : memref<8x16x2048x128xf32, #tpu.memory_space<hbm>> -> memref<1x1x256x128xf32, #tpu.memory_space<hbm>>
    %dma_wait3A_1218 = tpu.memref_squeeze %dma_wait3A_1217 : memref<1x1x256x128xf32, #tpu.memory_space<hbm>> -> memref<256x128xf32, #tpu.memory_space<hbm>>
    %dma_wait3A_1219 = tpu.memref_slice %arg10[%dma_wait3A_1210] : memref<2x!tpu.dma_semaphore, #tpu.memory_space<semaphore_mem>> -> memref<1x!tpu.dma_semaphore, #tpu.memory_space<semaphore_mem>>
    %dma_wait3A_1220 = tpu.memref_squeeze %dma_wait3A_1219 : memref<1x!tpu.dma_semaphore, #tpu.memory_space<semaphore_mem>> -> memref<!tpu.dma_semaphore, #tpu.memory_space<semaphore_mem>>
    %dma_wait3A_1221 = arith.constant 0 : i32
    %dma_wait3A_1222 = arith.constant 0 : i32
    %dma_wait3A_1223 = tpu.memref_slice %arg5[%select_n3A_1172, %select_n3A_1188, %dma_wait3A_1221, %dma_wait3A_1222] : memref<8x16x2048x128xf32, #tpu.memory_space<hbm>> -> memref<1x1x256x128xf32, #tpu.memory_space<hbm>>
    %dma_wait3A_1224 = tpu.memref_squeeze %dma_wait3A_1223 : memref<1x1x256x128xf32, #tpu.memory_space<hbm>> -> memref<256x128xf32, #tpu.memory_space<hbm>>
    %dma_wait3A_1225 = arith.constant 0 : i32
    %dma_wait3A_1226 = arith.constant 0 : i32
    %dma_wait3A_1227 = tpu.memref_slice %arg6[%dma_wait3A_1209, %dma_wait3A_1225, %dma_wait3A_1226] : memref<2x256x128xf32, #tpu.memory_space<vmem>> -> memref<1x256x128xf32, #tpu.memory_space<vmem>>
    %dma_wait3A_1228 = tpu.memref_squeeze %dma_wait3A_1227 : memref<1x256x128xf32, #tpu.memory_space<vmem>> -> memref<256x128xf32, #tpu.memory_space<vmem>>
    tpu.wait_dma2 semaphore(%dma_wait3A_1220 : memref<!tpu.dma_semaphore, #tpu.memory_space<semaphore_mem>>) src(%dma_wait3A_1228 : memref<256x128xf32, #tpu.memory_space<vmem>>) dst(%dma_wait3A_1224 : memref<256x128xf32, #tpu.memory_space<hbm>>)
    %mul3A_1229 = arith.constant 4 : i32
    %mul3A_1230 = arith.muli %add3A, %mul3A_1229 : i32
    %add3A_1231 = arith.constant 2 : i32
    %add3A_1232 = arith.addi %mul3A_1230, %add3A_1231 : i32
    %jit3A_1233 = arith.constant 16 : i32
    %div3A_1234 = arith.divsi %add3A_1232, %jit3A_1233 : i32
    %sign3A_1235 = arith.constant 0 : i32
    %sign3A_1236 = arith.cmpi sgt, %add3A_1232, %sign3A_1235 : i32
    %sign3A_1237 = arith.extui %sign3A_1236 : i1 to i32
    %sign3A_1238 = arith.constant 0 : i32
    %sign3A_1239 = arith.cmpi slt, %add3A_1232, %sign3A_1238 : i32
    %sign3A_1240 = arith.extui %sign3A_1239 : i1 to i32
    %sign3A_1241 = arith.subi %sign3A_1237, %sign3A_1240 : i32
    %sign3A_1242 = arith.constant 0 : i32
    %sign3A_1243 = arith.cmpi sgt, %jit3A_1233, %sign3A_1242 : i32
    %sign3A_1244 = arith.extui %sign3A_1243 : i1 to i32
    %sign3A_1245 = arith.constant 0 : i32
    %sign3A_1246 = arith.cmpi slt, %jit3A_1233, %sign3A_1245 : i32
    %sign3A_1247 = arith.extui %sign3A_1246 : i1 to i32
    %sign3A_1248 = arith.subi %sign3A_1244, %sign3A_1247 : i32
    %ne3A_1249 = arith.cmpi ne, %sign3A_1241, %sign3A_1248 : i32
    %rem3A_1250 = arith.remsi %add3A_1232, %jit3A_1233 : i32
    %ne3A_1251 = arith.constant 0 : i32
    %ne3A_1252 = arith.cmpi ne, %rem3A_1250, %ne3A_1251 : i32
    %and3A_1253 = arith.andi %ne3A_1249, %ne3A_1252 : i1
    %sub3A_1254 = arith.constant 1 : i32
    %sub3A_1255 = arith.subi %div3A_1234, %sub3A_1254 : i32
    %select_n3A_1256 = arith.select %and3A_1253, %sub3A_1255, %div3A_1234 : i32
    %jit3A_1257 = arith.constant 16 : i32
    %eq3A_1258 = arith.constant 0 : i32
    %eq3A_1259 = arith.cmpi eq, %jit3A_1257, %eq3A_1258 : i32
    %jit3A_1260 = arith.constant 1 : i32
    %select_n3A_1261 = arith.select %eq3A_1259, %jit3A_1260, %jit3A_1257 : i32
    %rem3A_1262 = arith.remsi %add3A_1232, %select_n3A_1261 : i32
    %ne3A_1263 = arith.constant 0 : i32
    %ne3A_1264 = arith.cmpi ne, %rem3A_1262, %ne3A_1263 : i32
    %lt3A_1265 = arith.constant 0 : i32
    %lt3A_1266 = arith.cmpi slt, %rem3A_1262, %lt3A_1265 : i32
    %lt3A_1267 = arith.constant 0 : i32
    %lt3A_1268 = arith.cmpi slt, %select_n3A_1261, %lt3A_1267 : i32
    %ne3A_1269 = arith.xori %lt3A_1266, %lt3A_1268 : i1
    %and3A_1270 = arith.andi %ne3A_1269, %ne3A_1264 : i1
    %add3A_1271 = arith.addi %rem3A_1262, %select_n3A_1261 : i32
    %select_n3A_1272 = arith.select %and3A_1270, %add3A_1271, %rem3A_1262 : i32
    %dma_start3A_1273 = arith.constant 0 : i32
    %dma_start3A_1274 = arith.constant 0 : i32
    %dma_start3A_1275 = arith.constant 0 : i32
    %dma_start3A_1276 = arith.constant 0 : i32
    %dma_start3A_1277 = tpu.memref_slice %arg6[%dma_start3A_1273, %dma_start3A_1275, %dma_start3A_1276] : memref<2x256x128xf32, #tpu.memory_space<vmem>> -> memref<1x256x128xf32, #tpu.memory_space<vmem>>
    %dma_start3A_1278 = tpu.memref_squeeze %dma_start3A_1277 : memref<1x256x128xf32, #tpu.memory_space<vmem>> -> memref<256x128xf32, #tpu.memory_space<vmem>>
    %dma_start3A_1279 = arith.constant 512 : i32
    %dma_start3A_1280 = arith.constant 0 : i32
    %dma_start3A_1281 = tpu.memref_slice %arg4[%select_n3A_1256, %select_n3A_1272, %dma_start3A_1279, %dma_start3A_1280] : memref<8x16x2048x128xf32, #tpu.memory_space<hbm>> -> memref<1x1x256x128xf32, #tpu.memory_space<hbm>>
    %dma_start3A_1282 = tpu.memref_squeeze %dma_start3A_1281 : memref<1x1x256x128xf32, #tpu.memory_space<hbm>> -> memref<256x128xf32, #tpu.memory_space<hbm>>
    %dma_start3A_1283 = tpu.memref_slice %arg9[%dma_start3A_1274] : memref<2x!tpu.dma_semaphore, #tpu.memory_space<semaphore_mem>> -> memref<1x!tpu.dma_semaphore, #tpu.memory_space<semaphore_mem>>
    %dma_start3A_1284 = tpu.memref_squeeze %dma_start3A_1283 : memref<1x!tpu.dma_semaphore, #tpu.memory_space<semaphore_mem>> -> memref<!tpu.dma_semaphore, #tpu.memory_space<semaphore_mem>>
    %dma_start3A_1285 = arith.constant 0 : i32
    %dma_start3A_1286 = arith.constant 0 : i32
    %dma_start3A_1287 = tpu.memref_slice %arg6[%dma_start3A_1273, %dma_start3A_1285, %dma_start3A_1286] : memref<2x256x128xf32, #tpu.memory_space<vmem>> -> memref<1x256x128xf32, #tpu.memory_space<vmem>>
    %dma_start3A_1288 = tpu.memref_squeeze %dma_start3A_1287 : memref<1x256x128xf32, #tpu.memory_space<vmem>> -> memref<256x128xf32, #tpu.memory_space<vmem>>
    %dma_start3A_1289 = arith.constant 512 : i32
    %dma_start3A_1290 = arith.constant 0 : i32
    %dma_start3A_1291 = tpu.memref_slice %arg4[%select_n3A_1256, %select_n3A_1272, %dma_start3A_1289, %dma_start3A_1290] : memref<8x16x2048x128xf32, #tpu.memory_space<hbm>> -> memref<1x1x256x128xf32, #tpu.memory_space<hbm>>
    %dma_start3A_1292 = tpu.memref_squeeze %dma_start3A_1291 : memref<1x1x256x128xf32, #tpu.memory_space<hbm>> -> memref<256x128xf32, #tpu.memory_space<hbm>>
    tpu.enqueue_dma source(%dma_start3A_1292 : memref<256x128xf32, #tpu.memory_space<hbm>>) target(%dma_start3A_1288 : memref<256x128xf32, #tpu.memory_space<vmem>>) target_semaphore(%dma_start3A_1284 : memref<!tpu.dma_semaphore, #tpu.memory_space<semaphore_mem>>)
    %dma_wait3A_1293 = arith.constant 1 : i32
    %dma_wait3A_1294 = arith.constant 1 : i32
    %dma_wait3A_1295 = arith.constant 0 : i32
    %dma_wait3A_1296 = arith.constant 0 : i32
    %dma_wait3A_1297 = tpu.memref_slice %arg6[%dma_wait3A_1293, %dma_wait3A_1295, %dma_wait3A_1296] : memref<2x256x128xf32, #tpu.memory_space<vmem>> -> memref<1x256x128xf32, #tpu.memory_space<vmem>>
    %dma_wait3A_1298 = tpu.memref_squeeze %dma_wait3A_1297 : memref<1x256x128xf32, #tpu.memory_space<vmem>> -> memref<256x128xf32, #tpu.memory_space<vmem>>
    %dma_wait3A_1299 = arith.constant 256 : i32
    %dma_wait3A_1300 = arith.constant 0 : i32
    %dma_wait3A_1301 = tpu.memref_slice %arg4[%select_n3A_1088, %select_n3A_1104, %dma_wait3A_1299, %dma_wait3A_1300] : memref<8x16x2048x128xf32, #tpu.memory_space<hbm>> -> memref<1x1x256x128xf32, #tpu.memory_space<hbm>>
    %dma_wait3A_1302 = tpu.memref_squeeze %dma_wait3A_1301 : memref<1x1x256x128xf32, #tpu.memory_space<hbm>> -> memref<256x128xf32, #tpu.memory_space<hbm>>
    %dma_wait3A_1303 = tpu.memref_slice %arg9[%dma_wait3A_1294] : memref<2x!tpu.dma_semaphore, #tpu.memory_space<semaphore_mem>> -> memref<1x!tpu.dma_semaphore, #tpu.memory_space<semaphore_mem>>
    %dma_wait3A_1304 = tpu.memref_squeeze %dma_wait3A_1303 : memref<1x!tpu.dma_semaphore, #tpu.memory_space<semaphore_mem>> -> memref<!tpu.dma_semaphore, #tpu.memory_space<semaphore_mem>>
    %dma_wait3A_1305 = arith.constant 0 : i32
    %dma_wait3A_1306 = arith.constant 0 : i32
    %dma_wait3A_1307 = tpu.memref_slice %arg6[%dma_wait3A_1293, %dma_wait3A_1305, %dma_wait3A_1306] : memref<2x256x128xf32, #tpu.memory_space<vmem>> -> memref<1x256x128xf32, #tpu.memory_space<vmem>>
    %dma_wait3A_1308 = tpu.memref_squeeze %dma_wait3A_1307 : memref<1x256x128xf32, #tpu.memory_space<vmem>> -> memref<256x128xf32, #tpu.memory_space<vmem>>
    %dma_wait3A_1309 = arith.constant 256 : i32
    %dma_wait3A_1310 = arith.constant 0 : i32
    %dma_wait3A_1311 = tpu.memref_slice %arg4[%select_n3A_1088, %select_n3A_1104, %dma_wait3A_1309, %dma_wait3A_1310] : memref<8x16x2048x128xf32, #tpu.memory_space<hbm>> -> memref<1x1x256x128xf32, #tpu.memory_space<hbm>>
    %dma_wait3A_1312 = tpu.memref_squeeze %dma_wait3A_1311 : memref<1x1x256x128xf32, #tpu.memory_space<hbm>> -> memref<256x128xf32, #tpu.memory_space<hbm>>
    tpu.wait_dma2 semaphore(%dma_wait3A_1304 : memref<!tpu.dma_semaphore, #tpu.memory_space<semaphore_mem>>) src(%dma_wait3A_1312 : memref<256x128xf32, #tpu.memory_space<hbm>>) dst(%dma_wait3A_1308 : memref<256x128xf32, #tpu.memory_space<vmem>>)
    %mul3A_1313 = arith.constant 4 : i32
    %mul3A_1314 = arith.muli %add3A, %mul3A_1313 : i32
    %add3A_1315 = arith.constant 2 : i32
    %add3A_1316 = arith.addi %mul3A_1314, %add3A_1315 : i32
    %jit3A_1317 = arith.constant 16 : i32
    %div3A_1318 = arith.divsi %add3A_1316, %jit3A_1317 : i32
    %sign3A_1319 = arith.constant 0 : i32
    %sign3A_1320 = arith.cmpi sgt, %add3A_1316, %sign3A_1319 : i32
    %sign3A_1321 = arith.extui %sign3A_1320 : i1 to i32
    %sign3A_1322 = arith.constant 0 : i32
    %sign3A_1323 = arith.cmpi slt, %add3A_1316, %sign3A_1322 : i32
    %sign3A_1324 = arith.extui %sign3A_1323 : i1 to i32
    %sign3A_1325 = arith.subi %sign3A_1321, %sign3A_1324 : i32
    %sign3A_1326 = arith.constant 0 : i32
    %sign3A_1327 = arith.cmpi sgt, %jit3A_1317, %sign3A_1326 : i32
    %sign3A_1328 = arith.extui %sign3A_1327 : i1 to i32
    %sign3A_1329 = arith.constant 0 : i32
    %sign3A_1330 = arith.cmpi slt, %jit3A_1317, %sign3A_1329 : i32
    %sign3A_1331 = arith.extui %sign3A_1330 : i1 to i32
    %sign3A_1332 = arith.subi %sign3A_1328, %sign3A_1331 : i32
    %ne3A_1333 = arith.cmpi ne, %sign3A_1325, %sign3A_1332 : i32
    %rem3A_1334 = arith.remsi %add3A_1316, %jit3A_1317 : i32
    %ne3A_1335 = arith.constant 0 : i32
    %ne3A_1336 = arith.cmpi ne, %rem3A_1334, %ne3A_1335 : i32
    %and3A_1337 = arith.andi %ne3A_1333, %ne3A_1336 : i1
    %sub3A_1338 = arith.constant 1 : i32
    %sub3A_1339 = arith.subi %div3A_1318, %sub3A_1338 : i32
    %select_n3A_1340 = arith.select %and3A_1337, %sub3A_1339, %div3A_1318 : i32
    %jit3A_1341 = arith.constant 16 : i32
    %eq3A_1342 = arith.constant 0 : i32
    %eq3A_1343 = arith.cmpi eq, %jit3A_1341, %eq3A_1342 : i32
    %jit3A_1344 = arith.constant 1 : i32
    %select_n3A_1345 = arith.select %eq3A_1343, %jit3A_1344, %jit3A_1341 : i32
    %rem3A_1346 = arith.remsi %add3A_1316, %select_n3A_1345 : i32
    %ne3A_1347 = arith.constant 0 : i32
    %ne3A_1348 = arith.cmpi ne, %rem3A_1346, %ne3A_1347 : i32
    %lt3A_1349 = arith.constant 0 : i32
    %lt3A_1350 = arith.cmpi slt, %rem3A_1346, %lt3A_1349 : i32
    %lt3A_1351 = arith.constant 0 : i32
    %lt3A_1352 = arith.cmpi slt, %select_n3A_1345, %lt3A_1351 : i32
    %ne3A_1353 = arith.xori %lt3A_1350, %lt3A_1352 : i1
    %and3A_1354 = arith.andi %ne3A_1353, %ne3A_1348 : i1
    %add3A_1355 = arith.addi %rem3A_1346, %select_n3A_1345 : i32
    %select_n3A_1356 = arith.select %and3A_1354, %add3A_1355, %rem3A_1346 : i32
    %dma_start3A_1357 = arith.constant 1 : i32
    %dma_start3A_1358 = arith.constant 1 : i32
    %dma_start3A_1359 = arith.constant 0 : i32
    %dma_start3A_1360 = arith.constant 0 : i32
    %dma_start3A_1361 = tpu.memref_slice %arg6[%dma_start3A_1357, %dma_start3A_1359, %dma_start3A_1360] : memref<2x256x128xf32, #tpu.memory_space<vmem>> -> memref<1x256x128xf32, #tpu.memory_space<vmem>>
    %dma_start3A_1362 = tpu.memref_squeeze %dma_start3A_1361 : memref<1x256x128xf32, #tpu.memory_space<vmem>> -> memref<256x128xf32, #tpu.memory_space<vmem>>
    %dma_start3A_1363 = arith.constant 256 : i32
    %dma_start3A_1364 = arith.constant 0 : i32
    %dma_start3A_1365 = tpu.memref_slice %arg5[%select_n3A_1340, %select_n3A_1356, %dma_start3A_1363, %dma_start3A_1364] : memref<8x16x2048x128xf32, #tpu.memory_space<hbm>> -> memref<1x1x256x128xf32, #tpu.memory_space<hbm>>
    %dma_start3A_1366 = tpu.memref_squeeze %dma_start3A_1365 : memref<1x1x256x128xf32, #tpu.memory_space<hbm>> -> memref<256x128xf32, #tpu.memory_space<hbm>>
    %dma_start3A_1367 = tpu.memref_slice %arg10[%dma_start3A_1358] : memref<2x!tpu.dma_semaphore, #tpu.memory_space<semaphore_mem>> -> memref<1x!tpu.dma_semaphore, #tpu.memory_space<semaphore_mem>>
    %dma_start3A_1368 = tpu.memref_squeeze %dma_start3A_1367 : memref<1x!tpu.dma_semaphore, #tpu.memory_space<semaphore_mem>> -> memref<!tpu.dma_semaphore, #tpu.memory_space<semaphore_mem>>
    %dma_start3A_1369 = arith.constant 256 : i32
    %dma_start3A_1370 = arith.constant 0 : i32
    %dma_start3A_1371 = tpu.memref_slice %arg5[%select_n3A_1340, %select_n3A_1356, %dma_start3A_1369, %dma_start3A_1370] : memref<8x16x2048x128xf32, #tpu.memory_space<hbm>> -> memref<1x1x256x128xf32, #tpu.memory_space<hbm>>
    %dma_start3A_1372 = tpu.memref_squeeze %dma_start3A_1371 : memref<1x1x256x128xf32, #tpu.memory_space<hbm>> -> memref<256x128xf32, #tpu.memory_space<hbm>>
    %dma_start3A_1373 = arith.constant 0 : i32
    %dma_start3A_1374 = arith.constant 0 : i32
    %dma_start3A_1375 = tpu.memref_slice %arg6[%dma_start3A_1357, %dma_start3A_1373, %dma_start3A_1374] : memref<2x256x128xf32, #tpu.memory_space<vmem>> -> memref<1x256x128xf32, #tpu.memory_space<vmem>>
    %dma_start3A_1376 = tpu.memref_squeeze %dma_start3A_1375 : memref<1x256x128xf32, #tpu.memory_space<vmem>> -> memref<256x128xf32, #tpu.memory_space<vmem>>
    tpu.enqueue_dma source(%dma_start3A_1376 : memref<256x128xf32, #tpu.memory_space<vmem>>) target(%dma_start3A_1372 : memref<256x128xf32, #tpu.memory_space<hbm>>) target_semaphore(%dma_start3A_1368 : memref<!tpu.dma_semaphore, #tpu.memory_space<semaphore_mem>>)
    %dma_wait3A_1377 = arith.constant 1 : i32
    %dma_wait3A_1378 = arith.constant 1 : i32
    %dma_wait3A_1379 = arith.constant 0 : i32
    %dma_wait3A_1380 = arith.constant 0 : i32
    %dma_wait3A_1381 = tpu.memref_slice %arg6[%dma_wait3A_1377, %dma_wait3A_1379, %dma_wait3A_1380] : memref<2x256x128xf32, #tpu.memory_space<vmem>> -> memref<1x256x128xf32, #tpu.memory_space<vmem>>
    %dma_wait3A_1382 = tpu.memref_squeeze %dma_wait3A_1381 : memref<1x256x128xf32, #tpu.memory_space<vmem>> -> memref<256x128xf32, #tpu.memory_space<vmem>>
    %dma_wait3A_1383 = arith.constant 256 : i32
    %dma_wait3A_1384 = arith.constant 0 : i32
    %dma_wait3A_1385 = tpu.memref_slice %arg5[%select_n3A_1340, %select_n3A_1356, %dma_wait3A_1383, %dma_wait3A_1384] : memref<8x16x2048x128xf32, #tpu.memory_space<hbm>> -> memref<1x1x256x128xf32, #tpu.memory_space<hbm>>
    %dma_wait3A_1386 = tpu.memref_squeeze %dma_wait3A_1385 : memref<1x1x256x128xf32, #tpu.memory_space<hbm>> -> memref<256x128xf32, #tpu.memory_space<hbm>>
    %dma_wait3A_1387 = tpu.memref_slice %arg10[%dma_wait3A_1378] : memref<2x!tpu.dma_semaphore, #tpu.memory_space<semaphore_mem>> -> memref<1x!tpu.dma_semaphore, #tpu.memory_space<semaphore_mem>>
    %dma_wait3A_1388 = tpu.memref_squeeze %dma_wait3A_1387 : memref<1x!tpu.dma_semaphore, #tpu.memory_space<semaphore_mem>> -> memref<!tpu.dma_semaphore, #tpu.memory_space<semaphore_mem>>
    %dma_wait3A_1389 = arith.constant 256 : i32
    %dma_wait3A_1390 = arith.constant 0 : i32
    %dma_wait3A_1391 = tpu.memref_slice %arg5[%select_n3A_1340, %select_n3A_1356, %dma_wait3A_1389, %dma_wait3A_1390] : memref<8x16x2048x128xf32, #tpu.memory_space<hbm>> -> memref<1x1x256x128xf32, #tpu.memory_space<hbm>>
    %dma_wait3A_1392 = tpu.memref_squeeze %dma_wait3A_1391 : memref<1x1x256x128xf32, #tpu.memory_space<hbm>> -> memref<256x128xf32, #tpu.memory_space<hbm>>
    %dma_wait3A_1393 = arith.constant 0 : i32
    %dma_wait3A_1394 = arith.constant 0 : i32
    %dma_wait3A_1395 = tpu.memref_slice %arg6[%dma_wait3A_1377, %dma_wait3A_1393, %dma_wait3A_1394] : memref<2x256x128xf32, #tpu.memory_space<vmem>> -> memref<1x256x128xf32, #tpu.memory_space<vmem>>
    %dma_wait3A_1396 = tpu.memref_squeeze %dma_wait3A_1395 : memref<1x256x128xf32, #tpu.memory_space<vmem>> -> memref<256x128xf32, #tpu.memory_space<vmem>>
    tpu.wait_dma2 semaphore(%dma_wait3A_1388 : memref<!tpu.dma_semaphore, #tpu.memory_space<semaphore_mem>>) src(%dma_wait3A_1396 : memref<256x128xf32, #tpu.memory_space<vmem>>) dst(%dma_wait3A_1392 : memref<256x128xf32, #tpu.memory_space<hbm>>)
    %mul3A_1397 = arith.constant 4 : i32
    %mul3A_1398 = arith.muli %add3A, %mul3A_1397 : i32
    %add3A_1399 = arith.constant 3 : i32
    %add3A_1400 = arith.addi %mul3A_1398, %add3A_1399 : i32
    %jit3A_1401 = arith.constant 16 : i32
    %div3A_1402 = arith.divsi %add3A_1400, %jit3A_1401 : i32
    %sign3A_1403 = arith.constant 0 : i32
    %sign3A_1404 = arith.cmpi sgt, %add3A_1400, %sign3A_1403 : i32
    %sign3A_1405 = arith.extui %sign3A_1404 : i1 to i32
    %sign3A_1406 = arith.constant 0 : i32
    %sign3A_1407 = arith.cmpi slt, %add3A_1400, %sign3A_1406 : i32
    %sign3A_1408 = arith.extui %sign3A_1407 : i1 to i32
    %sign3A_1409 = arith.subi %sign3A_1405, %sign3A_1408 : i32
    %sign3A_1410 = arith.constant 0 : i32
    %sign3A_1411 = arith.cmpi sgt, %jit3A_1401, %sign3A_1410 : i32
    %sign3A_1412 = arith.extui %sign3A_1411 : i1 to i32
    %sign3A_1413 = arith.constant 0 : i32
    %sign3A_1414 = arith.cmpi slt, %jit3A_1401, %sign3A_1413 : i32
    %sign3A_1415 = arith.extui %sign3A_1414 : i1 to i32
    %sign3A_1416 = arith.subi %sign3A_1412, %sign3A_1415 : i32
    %ne3A_1417 = arith.cmpi ne, %sign3A_1409, %sign3A_1416 : i32
    %rem3A_1418 = arith.remsi %add3A_1400, %jit3A_1401 : i32
    %ne3A_1419 = arith.constant 0 : i32
    %ne3A_1420 = arith.cmpi ne, %rem3A_1418, %ne3A_1419 : i32
    %and3A_1421 = arith.andi %ne3A_1417, %ne3A_1420 : i1
    %sub3A_1422 = arith.constant 1 : i32
    %sub3A_1423 = arith.subi %div3A_1402, %sub3A_1422 : i32
    %select_n3A_1424 = arith.select %and3A_1421, %sub3A_1423, %div3A_1402 : i32
    %jit3A_1425 = arith.constant 16 : i32
    %eq3A_1426 = arith.constant 0 : i32
    %eq3A_1427 = arith.cmpi eq, %jit3A_1425, %eq3A_1426 : i32
    %jit3A_1428 = arith.constant 1 : i32
    %select_n3A_1429 = arith.select %eq3A_1427, %jit3A_1428, %jit3A_1425 : i32
    %rem3A_1430 = arith.remsi %add3A_1400, %select_n3A_1429 : i32
    %ne3A_1431 = arith.constant 0 : i32
    %ne3A_1432 = arith.cmpi ne, %rem3A_1430, %ne3A_1431 : i32
    %lt3A_1433 = arith.constant 0 : i32
    %lt3A_1434 = arith.cmpi slt, %rem3A_1430, %lt3A_1433 : i32
    %lt3A_1435 = arith.constant 0 : i32
    %lt3A_1436 = arith.cmpi slt, %select_n3A_1429, %lt3A_1435 : i32
    %ne3A_1437 = arith.xori %lt3A_1434, %lt3A_1436 : i1
    %and3A_1438 = arith.andi %ne3A_1437, %ne3A_1432 : i1
    %add3A_1439 = arith.addi %rem3A_1430, %select_n3A_1429 : i32
    %select_n3A_1440 = arith.select %and3A_1438, %add3A_1439, %rem3A_1430 : i32
    %dma_start3A_1441 = arith.constant 1 : i32
    %dma_start3A_1442 = arith.constant 1 : i32
    %dma_start3A_1443 = arith.constant 0 : i32
    %dma_start3A_1444 = arith.constant 0 : i32
    %dma_start3A_1445 = tpu.memref_slice %arg6[%dma_start3A_1441, %dma_start3A_1443, %dma_start3A_1444] : memref<2x256x128xf32, #tpu.memory_space<vmem>> -> memref<1x256x128xf32, #tpu.memory_space<vmem>>
    %dma_start3A_1446 = tpu.memref_squeeze %dma_start3A_1445 : memref<1x256x128xf32, #tpu.memory_space<vmem>> -> memref<256x128xf32, #tpu.memory_space<vmem>>
    %dma_start3A_1447 = arith.constant 0 : i32
    %dma_start3A_1448 = arith.constant 0 : i32
    %dma_start3A_1449 = tpu.memref_slice %arg4[%select_n3A_1424, %select_n3A_1440, %dma_start3A_1447, %dma_start3A_1448] : memref<8x16x2048x128xf32, #tpu.memory_space<hbm>> -> memref<1x1x256x128xf32, #tpu.memory_space<hbm>>
    %dma_start3A_1450 = tpu.memref_squeeze %dma_start3A_1449 : memref<1x1x256x128xf32, #tpu.memory_space<hbm>> -> memref<256x128xf32, #tpu.memory_space<hbm>>
    %dma_start3A_1451 = tpu.memref_slice %arg9[%dma_start3A_1442] : memref<2x!tpu.dma_semaphore, #tpu.memory_space<semaphore_mem>> -> memref<1x!tpu.dma_semaphore, #tpu.memory_space<semaphore_mem>>
    %dma_start3A_1452 = tpu.memref_squeeze %dma_start3A_1451 : memref<1x!tpu.dma_semaphore, #tpu.memory_space<semaphore_mem>> -> memref<!tpu.dma_semaphore, #tpu.memory_space<semaphore_mem>>
    %dma_start3A_1453 = arith.constant 0 : i32
    %dma_start3A_1454 = arith.constant 0 : i32
    %dma_start3A_1455 = tpu.memref_slice %arg6[%dma_start3A_1441, %dma_start3A_1453, %dma_start3A_1454] : memref<2x256x128xf32, #tpu.memory_space<vmem>> -> memref<1x256x128xf32, #tpu.memory_space<vmem>>
    %dma_start3A_1456 = tpu.memref_squeeze %dma_start3A_1455 : memref<1x256x128xf32, #tpu.memory_space<vmem>> -> memref<256x128xf32, #tpu.memory_space<vmem>>
    %dma_start3A_1457 = arith.constant 0 : i32
    %dma_start3A_1458 = arith.constant 0 : i32
    %dma_start3A_1459 = tpu.memref_slice %arg4[%select_n3A_1424, %select_n3A_1440, %dma_start3A_1457, %dma_start3A_1458] : memref<8x16x2048x128xf32, #tpu.memory_space<hbm>> -> memref<1x1x256x128xf32, #tpu.memory_space<hbm>>
    %dma_start3A_1460 = tpu.memref_squeeze %dma_start3A_1459 : memref<1x1x256x128xf32, #tpu.memory_space<hbm>> -> memref<256x128xf32, #tpu.memory_space<hbm>>
    tpu.enqueue_dma source(%dma_start3A_1460 : memref<256x128xf32, #tpu.memory_space<hbm>>) target(%dma_start3A_1456 : memref<256x128xf32, #tpu.memory_space<vmem>>) target_semaphore(%dma_start3A_1452 : memref<!tpu.dma_semaphore, #tpu.memory_space<semaphore_mem>>)
    %dma_wait3A_1461 = arith.constant 0 : i32
    %dma_wait3A_1462 = arith.constant 0 : i32
    %dma_wait3A_1463 = arith.constant 0 : i32
    %dma_wait3A_1464 = arith.constant 0 : i32
    %dma_wait3A_1465 = tpu.memref_slice %arg6[%dma_wait3A_1461, %dma_wait3A_1463, %dma_wait3A_1464] : memref<2x256x128xf32, #tpu.memory_space<vmem>> -> memref<1x256x128xf32, #tpu.memory_space<vmem>>
    %dma_wait3A_1466 = tpu.memref_squeeze %dma_wait3A_1465 : memref<1x256x128xf32, #tpu.memory_space<vmem>> -> memref<256x128xf32, #tpu.memory_space<vmem>>
    %dma_wait3A_1467 = arith.constant 512 : i32
    %dma_wait3A_1468 = arith.constant 0 : i32
    %dma_wait3A_1469 = tpu.memref_slice %arg4[%select_n3A_1256, %select_n3A_1272, %dma_wait3A_1467, %dma_wait3A_1468] : memref<8x16x2048x128xf32, #tpu.memory_space<hbm>> -> memref<1x1x256x128xf32, #tpu.memory_space<hbm>>
    %dma_wait3A_1470 = tpu.memref_squeeze %dma_wait3A_1469 : memref<1x1x256x128xf32, #tpu.memory_space<hbm>> -> memref<256x128xf32, #tpu.memory_space<hbm>>
    %dma_wait3A_1471 = tpu.memref_slice %arg9[%dma_wait3A_1462] : memref<2x!tpu.dma_semaphore, #tpu.memory_space<semaphore_mem>> -> memref<1x!tpu.dma_semaphore, #tpu.memory_space<semaphore_mem>>
    %dma_wait3A_1472 = tpu.memref_squeeze %dma_wait3A_1471 : memref<1x!tpu.dma_semaphore, #tpu.memory_space<semaphore_mem>> -> memref<!tpu.dma_semaphore, #tpu.memory_space<semaphore_mem>>
    %dma_wait3A_1473 = arith.constant 0 : i32
    %dma_wait3A_1474 = arith.constant 0 : i32
    %dma_wait3A_1475 = tpu.memref_slice %arg6[%dma_wait3A_1461, %dma_wait3A_1473, %dma_wait3A_1474] : memref<2x256x128xf32, #tpu.memory_space<vmem>> -> memref<1x256x128xf32, #tpu.memory_space<vmem>>
    %dma_wait3A_1476 = tpu.memref_squeeze %dma_wait3A_1475 : memref<1x256x128xf32, #tpu.memory_space<vmem>> -> memref<256x128xf32, #tpu.memory_space<vmem>>
    %dma_wait3A_1477 = arith.constant 512 : i32
    %dma_wait3A_1478 = arith.constant 0 : i32
    %dma_wait3A_1479 = tpu.memref_slice %arg4[%select_n3A_1256, %select_n3A_1272, %dma_wait3A_1477, %dma_wait3A_1478] : memref<8x16x2048x128xf32, #tpu.memory_space<hbm>> -> memref<1x1x256x128xf32, #tpu.memory_space<hbm>>
    %dma_wait3A_1480 = tpu.memref_squeeze %dma_wait3A_1479 : memref<1x1x256x128xf32, #tpu.memory_space<hbm>> -> memref<256x128xf32, #tpu.memory_space<hbm>>
    tpu.wait_dma2 semaphore(%dma_wait3A_1472 : memref<!tpu.dma_semaphore, #tpu.memory_space<semaphore_mem>>) src(%dma_wait3A_1480 : memref<256x128xf32, #tpu.memory_space<hbm>>) dst(%dma_wait3A_1476 : memref<256x128xf32, #tpu.memory_space<vmem>>)
    %mul3A_1481 = arith.constant 4 : i32
    %mul3A_1482 = arith.muli %add3A, %mul3A_1481 : i32
    %add3A_1483 = arith.constant 2 : i32
    %add3A_1484 = arith.addi %mul3A_1482, %add3A_1483 : i32
    %jit3A_1485 = arith.constant 16 : i32
    %div3A_1486 = arith.divsi %add3A_1484, %jit3A_1485 : i32
    %sign3A_1487 = arith.constant 0 : i32
    %sign3A_1488 = arith.cmpi sgt, %add3A_1484, %sign3A_1487 : i32
    %sign3A_1489 = arith.extui %sign3A_1488 : i1 to i32
    %sign3A_1490 = arith.constant 0 : i32
    %sign3A_1491 = arith.cmpi slt, %add3A_1484, %sign3A_1490 : i32
    %sign3A_1492 = arith.extui %sign3A_1491 : i1 to i32
    %sign3A_1493 = arith.subi %sign3A_1489, %sign3A_1492 : i32
    %sign3A_1494 = arith.constant 0 : i32
    %sign3A_1495 = arith.cmpi sgt, %jit3A_1485, %sign3A_1494 : i32
    %sign3A_1496 = arith.extui %sign3A_1495 : i1 to i32
    %sign3A_1497 = arith.constant 0 : i32
    %sign3A_1498 = arith.cmpi slt, %jit3A_1485, %sign3A_1497 : i32
    %sign3A_1499 = arith.extui %sign3A_1498 : i1 to i32
    %sign3A_1500 = arith.subi %sign3A_1496, %sign3A_1499 : i32
    %ne3A_1501 = arith.cmpi ne, %sign3A_1493, %sign3A_1500 : i32
    %rem3A_1502 = arith.remsi %add3A_1484, %jit3A_1485 : i32
    %ne3A_1503 = arith.constant 0 : i32
    %ne3A_1504 = arith.cmpi ne, %rem3A_1502, %ne3A_1503 : i32
    %and3A_1505 = arith.andi %ne3A_1501, %ne3A_1504 : i1
    %sub3A_1506 = arith.constant 1 : i32
    %sub3A_1507 = arith.subi %div3A_1486, %sub3A_1506 : i32
    %select_n3A_1508 = arith.select %and3A_1505, %sub3A_1507, %div3A_1486 : i32
    %jit3A_1509 = arith.constant 16 : i32
    %eq3A_1510 = arith.constant 0 : i32
    %eq3A_1511 = arith.cmpi eq, %jit3A_1509, %eq3A_1510 : i32
    %jit3A_1512 = arith.constant 1 : i32
    %select_n3A_1513 = arith.select %eq3A_1511, %jit3A_1512, %jit3A_1509 : i32
    %rem3A_1514 = arith.remsi %add3A_1484, %select_n3A_1513 : i32
    %ne3A_1515 = arith.constant 0 : i32
    %ne3A_1516 = arith.cmpi ne, %rem3A_1514, %ne3A_1515 : i32
    %lt3A_1517 = arith.constant 0 : i32
    %lt3A_1518 = arith.cmpi slt, %rem3A_1514, %lt3A_1517 : i32
    %lt3A_1519 = arith.constant 0 : i32
    %lt3A_1520 = arith.cmpi slt, %select_n3A_1513, %lt3A_1519 : i32
    %ne3A_1521 = arith.xori %lt3A_1518, %lt3A_1520 : i1
    %and3A_1522 = arith.andi %ne3A_1521, %ne3A_1516 : i1
    %add3A_1523 = arith.addi %rem3A_1514, %select_n3A_1513 : i32
    %select_n3A_1524 = arith.select %and3A_1522, %add3A_1523, %rem3A_1514 : i32
    %dma_start3A_1525 = arith.constant 0 : i32
    %dma_start3A_1526 = arith.constant 0 : i32
    %dma_start3A_1527 = arith.constant 0 : i32
    %dma_start3A_1528 = arith.constant 0 : i32
    %dma_start3A_1529 = tpu.memref_slice %arg6[%dma_start3A_1525, %dma_start3A_1527, %dma_start3A_1528] : memref<2x256x128xf32, #tpu.memory_space<vmem>> -> memref<1x256x128xf32, #tpu.memory_space<vmem>>
    %dma_start3A_1530 = tpu.memref_squeeze %dma_start3A_1529 : memref<1x256x128xf32, #tpu.memory_space<vmem>> -> memref<256x128xf32, #tpu.memory_space<vmem>>
    %dma_start3A_1531 = arith.constant 512 : i32
    %dma_start3A_1532 = arith.constant 0 : i32
    %dma_start3A_1533 = tpu.memref_slice %arg5[%select_n3A_1508, %select_n3A_1524, %dma_start3A_1531, %dma_start3A_1532] : memref<8x16x2048x128xf32, #tpu.memory_space<hbm>> -> memref<1x1x256x128xf32, #tpu.memory_space<hbm>>
    %dma_start3A_1534 = tpu.memref_squeeze %dma_start3A_1533 : memref<1x1x256x128xf32, #tpu.memory_space<hbm>> -> memref<256x128xf32, #tpu.memory_space<hbm>>
    %dma_start3A_1535 = tpu.memref_slice %arg10[%dma_start3A_1526] : memref<2x!tpu.dma_semaphore, #tpu.memory_space<semaphore_mem>> -> memref<1x!tpu.dma_semaphore, #tpu.memory_space<semaphore_mem>>
    %dma_start3A_1536 = tpu.memref_squeeze %dma_start3A_1535 : memref<1x!tpu.dma_semaphore, #tpu.memory_space<semaphore_mem>> -> memref<!tpu.dma_semaphore, #tpu.memory_space<semaphore_mem>>
    %dma_start3A_1537 = arith.constant 512 : i32
    %dma_start3A_1538 = arith.constant 0 : i32
    %dma_start3A_1539 = tpu.memref_slice %arg5[%select_n3A_1508, %select_n3A_1524, %dma_start3A_1537, %dma_start3A_1538] : memref<8x16x2048x128xf32, #tpu.memory_space<hbm>> -> memref<1x1x256x128xf32, #tpu.memory_space<hbm>>
    %dma_start3A_1540 = tpu.memref_squeeze %dma_start3A_1539 : memref<1x1x256x128xf32, #tpu.memory_space<hbm>> -> memref<256x128xf32, #tpu.memory_space<hbm>>
    %dma_start3A_1541 = arith.constant 0 : i32
    %dma_start3A_1542 = arith.constant 0 : i32
    %dma_start3A_1543 = tpu.memref_slice %arg6[%dma_start3A_1525, %dma_start3A_1541, %dma_start3A_1542] : memref<2x256x128xf32, #tpu.memory_space<vmem>> -> memref<1x256x128xf32, #tpu.memory_space<vmem>>
    %dma_start3A_1544 = tpu.memref_squeeze %dma_start3A_1543 : memref<1x256x128xf32, #tpu.memory_space<vmem>> -> memref<256x128xf32, #tpu.memory_space<vmem>>
    tpu.enqueue_dma source(%dma_start3A_1544 : memref<256x128xf32, #tpu.memory_space<vmem>>) target(%dma_start3A_1540 : memref<256x128xf32, #tpu.memory_space<hbm>>) target_semaphore(%dma_start3A_1536 : memref<!tpu.dma_semaphore, #tpu.memory_space<semaphore_mem>>)
    %dma_wait3A_1545 = arith.constant 0 : i32
    %dma_wait3A_1546 = arith.constant 0 : i32
    %dma_wait3A_1547 = arith.constant 0 : i32
    %dma_wait3A_1548 = arith.constant 0 : i32
    %dma_wait3A_1549 = tpu.memref_slice %arg6[%dma_wait3A_1545, %dma_wait3A_1547, %dma_wait3A_1548] : memref<2x256x128xf32, #tpu.memory_space<vmem>> -> memref<1x256x128xf32, #tpu.memory_space<vmem>>
    %dma_wait3A_1550 = tpu.memref_squeeze %dma_wait3A_1549 : memref<1x256x128xf32, #tpu.memory_space<vmem>> -> memref<256x128xf32, #tpu.memory_space<vmem>>
    %dma_wait3A_1551 = arith.constant 512 : i32
    %dma_wait3A_1552 = arith.constant 0 : i32
    %dma_wait3A_1553 = tpu.memref_slice %arg5[%select_n3A_1508, %select_n3A_1524, %dma_wait3A_1551, %dma_wait3A_1552] : memref<8x16x2048x128xf32, #tpu.memory_space<hbm>> -> memref<1x1x256x128xf32, #tpu.memory_space<hbm>>
    %dma_wait3A_1554 = tpu.memref_squeeze %dma_wait3A_1553 : memref<1x1x256x128xf32, #tpu.memory_space<hbm>> -> memref<256x128xf32, #tpu.memory_space<hbm>>
    %dma_wait3A_1555 = tpu.memref_slice %arg10[%dma_wait3A_1546] : memref<2x!tpu.dma_semaphore, #tpu.memory_space<semaphore_mem>> -> memref<1x!tpu.dma_semaphore, #tpu.memory_space<semaphore_mem>>
    %dma_wait3A_1556 = tpu.memref_squeeze %dma_wait3A_1555 : memref<1x!tpu.dma_semaphore, #tpu.memory_space<semaphore_mem>> -> memref<!tpu.dma_semaphore, #tpu.memory_space<semaphore_mem>>
    %dma_wait3A_1557 = arith.constant 512 : i32
    %dma_wait3A_1558 = arith.constant 0 : i32
    %dma_wait3A_1559 = tpu.memref_slice %arg5[%select_n3A_1508, %select_n3A_1524, %dma_wait3A_1557, %dma_wait3A_1558] : memref<8x16x2048x128xf32, #tpu.memory_space<hbm>> -> memref<1x1x256x128xf32, #tpu.memory_space<hbm>>
    %dma_wait3A_1560 = tpu.memref_squeeze %dma_wait3A_1559 : memref<1x1x256x128xf32, #tpu.memory_space<hbm>> -> memref<256x128xf32, #tpu.memory_space<hbm>>
    %dma_wait3A_1561 = arith.constant 0 : i32
    %dma_wait3A_1562 = arith.constant 0 : i32
    %dma_wait3A_1563 = tpu.memref_slice %arg6[%dma_wait3A_1545, %dma_wait3A_1561, %dma_wait3A_1562] : memref<2x256x128xf32, #tpu.memory_space<vmem>> -> memref<1x256x128xf32, #tpu.memory_space<vmem>>
    %dma_wait3A_1564 = tpu.memref_squeeze %dma_wait3A_1563 : memref<1x256x128xf32, #tpu.memory_space<vmem>> -> memref<256x128xf32, #tpu.memory_space<vmem>>
    tpu.wait_dma2 semaphore(%dma_wait3A_1556 : memref<!tpu.dma_semaphore, #tpu.memory_space<semaphore_mem>>) src(%dma_wait3A_1564 : memref<256x128xf32, #tpu.memory_space<vmem>>) dst(%dma_wait3A_1560 : memref<256x128xf32, #tpu.memory_space<hbm>>)
    %mul3A_1565 = arith.constant 4 : i32
    %mul3A_1566 = arith.muli %add3A, %mul3A_1565 : i32
    %add3A_1567 = arith.constant 3 : i32
    %add3A_1568 = arith.addi %mul3A_1566, %add3A_1567 : i32
    %jit3A_1569 = arith.constant 16 : i32
    %div3A_1570 = arith.divsi %add3A_1568, %jit3A_1569 : i32
    %sign3A_1571 = arith.constant 0 : i32
    %sign3A_1572 = arith.cmpi sgt, %add3A_1568, %sign3A_1571 : i32
    %sign3A_1573 = arith.extui %sign3A_1572 : i1 to i32
    %sign3A_1574 = arith.constant 0 : i32
    %sign3A_1575 = arith.cmpi slt, %add3A_1568, %sign3A_1574 : i32
    %sign3A_1576 = arith.extui %sign3A_1575 : i1 to i32
    %sign3A_1577 = arith.subi %sign3A_1573, %sign3A_1576 : i32
    %sign3A_1578 = arith.constant 0 : i32
    %sign3A_1579 = arith.cmpi sgt, %jit3A_1569, %sign3A_1578 : i32
    %sign3A_1580 = arith.extui %sign3A_1579 : i1 to i32
    %sign3A_1581 = arith.constant 0 : i32
    %sign3A_1582 = arith.cmpi slt, %jit3A_1569, %sign3A_1581 : i32
    %sign3A_1583 = arith.extui %sign3A_1582 : i1 to i32
    %sign3A_1584 = arith.subi %sign3A_1580, %sign3A_1583 : i32
    %ne3A_1585 = arith.cmpi ne, %sign3A_1577, %sign3A_1584 : i32
    %rem3A_1586 = arith.remsi %add3A_1568, %jit3A_1569 : i32
    %ne3A_1587 = arith.constant 0 : i32
    %ne3A_1588 = arith.cmpi ne, %rem3A_1586, %ne3A_1587 : i32
    %and3A_1589 = arith.andi %ne3A_1585, %ne3A_1588 : i1
    %sub3A_1590 = arith.constant 1 : i32
    %sub3A_1591 = arith.subi %div3A_1570, %sub3A_1590 : i32
    %select_n3A_1592 = arith.select %and3A_1589, %sub3A_1591, %div3A_1570 : i32
    %jit3A_1593 = arith.constant 16 : i32
    %eq3A_1594 = arith.constant 0 : i32
    %eq3A_1595 = arith.cmpi eq, %jit3A_1593, %eq3A_1594 : i32
    %jit3A_1596 = arith.constant 1 : i32
    %select_n3A_1597 = arith.select %eq3A_1595, %jit3A_1596, %jit3A_1593 : i32
    %rem3A_1598 = arith.remsi %add3A_1568, %select_n3A_1597 : i32
    %ne3A_1599 = arith.constant 0 : i32
    %ne3A_1600 = arith.cmpi ne, %rem3A_1598, %ne3A_1599 : i32
    %lt3A_1601 = arith.constant 0 : i32
    %lt3A_1602 = arith.cmpi slt, %rem3A_1598, %lt3A_1601 : i32
    %lt3A_1603 = arith.constant 0 : i32
    %lt3A_1604 = arith.cmpi slt, %select_n3A_1597, %lt3A_1603 : i32
    %ne3A_1605 = arith.xori %lt3A_1602, %lt3A_1604 : i1
    %and3A_1606 = arith.andi %ne3A_1605, %ne3A_1600 : i1
    %add3A_1607 = arith.addi %rem3A_1598, %select_n3A_1597 : i32
    %select_n3A_1608 = arith.select %and3A_1606, %add3A_1607, %rem3A_1598 : i32
    %dma_start3A_1609 = arith.constant 0 : i32
    %dma_start3A_1610 = arith.constant 0 : i32
    %dma_start3A_1611 = arith.constant 0 : i32
    %dma_start3A_1612 = arith.constant 0 : i32
    %dma_start3A_1613 = tpu.memref_slice %arg6[%dma_start3A_1609, %dma_start3A_1611, %dma_start3A_1612] : memref<2x256x128xf32, #tpu.memory_space<vmem>> -> memref<1x256x128xf32, #tpu.memory_space<vmem>>
    %dma_start3A_1614 = tpu.memref_squeeze %dma_start3A_1613 : memref<1x256x128xf32, #tpu.memory_space<vmem>> -> memref<256x128xf32, #tpu.memory_space<vmem>>
    %dma_start3A_1615 = arith.constant 256 : i32
    %dma_start3A_1616 = arith.constant 0 : i32
    %dma_start3A_1617 = tpu.memref_slice %arg4[%select_n3A_1592, %select_n3A_1608, %dma_start3A_1615, %dma_start3A_1616] : memref<8x16x2048x128xf32, #tpu.memory_space<hbm>> -> memref<1x1x256x128xf32, #tpu.memory_space<hbm>>
    %dma_start3A_1618 = tpu.memref_squeeze %dma_start3A_1617 : memref<1x1x256x128xf32, #tpu.memory_space<hbm>> -> memref<256x128xf32, #tpu.memory_space<hbm>>
    %dma_start3A_1619 = tpu.memref_slice %arg9[%dma_start3A_1610] : memref<2x!tpu.dma_semaphore, #tpu.memory_space<semaphore_mem>> -> memref<1x!tpu.dma_semaphore, #tpu.memory_space<semaphore_mem>>
    %dma_start3A_1620 = tpu.memref_squeeze %dma_start3A_1619 : memref<1x!tpu.dma_semaphore, #tpu.memory_space<semaphore_mem>> -> memref<!tpu.dma_semaphore, #tpu.memory_space<semaphore_mem>>
    %dma_start3A_1621 = arith.constant 0 : i32
    %dma_start3A_1622 = arith.constant 0 : i32
    %dma_start3A_1623 = tpu.memref_slice %arg6[%dma_start3A_1609, %dma_start3A_1621, %dma_start3A_1622] : memref<2x256x128xf32, #tpu.memory_space<vmem>> -> memref<1x256x128xf32, #tpu.memory_space<vmem>>
    %dma_start3A_1624 = tpu.memref_squeeze %dma_start3A_1623 : memref<1x256x128xf32, #tpu.memory_space<vmem>> -> memref<256x128xf32, #tpu.memory_space<vmem>>
    %dma_start3A_1625 = arith.constant 256 : i32
    %dma_start3A_1626 = arith.constant 0 : i32
    %dma_start3A_1627 = tpu.memref_slice %arg4[%select_n3A_1592, %select_n3A_1608, %dma_start3A_1625, %dma_start3A_1626] : memref<8x16x2048x128xf32, #tpu.memory_space<hbm>> -> memref<1x1x256x128xf32, #tpu.memory_space<hbm>>
    %dma_start3A_1628 = tpu.memref_squeeze %dma_start3A_1627 : memref<1x1x256x128xf32, #tpu.memory_space<hbm>> -> memref<256x128xf32, #tpu.memory_space<hbm>>
    tpu.enqueue_dma source(%dma_start3A_1628 : memref<256x128xf32, #tpu.memory_space<hbm>>) target(%dma_start3A_1624 : memref<256x128xf32, #tpu.memory_space<vmem>>) target_semaphore(%dma_start3A_1620 : memref<!tpu.dma_semaphore, #tpu.memory_space<semaphore_mem>>)
    %dma_wait3A_1629 = arith.constant 1 : i32
    %dma_wait3A_1630 = arith.constant 1 : i32
    %dma_wait3A_1631 = arith.constant 0 : i32
    %dma_wait3A_1632 = arith.constant 0 : i32
    %dma_wait3A_1633 = tpu.memref_slice %arg6[%dma_wait3A_1629, %dma_wait3A_1631, %dma_wait3A_1632] : memref<2x256x128xf32, #tpu.memory_space<vmem>> -> memref<1x256x128xf32, #tpu.memory_space<vmem>>
    %dma_wait3A_1634 = tpu.memref_squeeze %dma_wait3A_1633 : memref<1x256x128xf32, #tpu.memory_space<vmem>> -> memref<256x128xf32, #tpu.memory_space<vmem>>
    %dma_wait3A_1635 = arith.constant 0 : i32
    %dma_wait3A_1636 = arith.constant 0 : i32
    %dma_wait3A_1637 = tpu.memref_slice %arg4[%select_n3A_1424, %select_n3A_1440, %dma_wait3A_1635, %dma_wait3A_1636] : memref<8x16x2048x128xf32, #tpu.memory_space<hbm>> -> memref<1x1x256x128xf32, #tpu.memory_space<hbm>>
    %dma_wait3A_1638 = tpu.memref_squeeze %dma_wait3A_1637 : memref<1x1x256x128xf32, #tpu.memory_space<hbm>> -> memref<256x128xf32, #tpu.memory_space<hbm>>
    %dma_wait3A_1639 = tpu.memref_slice %arg9[%dma_wait3A_1630] : memref<2x!tpu.dma_semaphore, #tpu.memory_space<semaphore_mem>> -> memref<1x!tpu.dma_semaphore, #tpu.memory_space<semaphore_mem>>
    %dma_wait3A_1640 = tpu.memref_squeeze %dma_wait3A_1639 : memref<1x!tpu.dma_semaphore, #tpu.memory_space<semaphore_mem>> -> memref<!tpu.dma_semaphore, #tpu.memory_space<semaphore_mem>>
    %dma_wait3A_1641 = arith.constant 0 : i32
    %dma_wait3A_1642 = arith.constant 0 : i32
    %dma_wait3A_1643 = tpu.memref_slice %arg6[%dma_wait3A_1629, %dma_wait3A_1641, %dma_wait3A_1642] : memref<2x256x128xf32, #tpu.memory_space<vmem>> -> memref<1x256x128xf32, #tpu.memory_space<vmem>>
    %dma_wait3A_1644 = tpu.memref_squeeze %dma_wait3A_1643 : memref<1x256x128xf32, #tpu.memory_space<vmem>> -> memref<256x128xf32, #tpu.memory_space<vmem>>
    %dma_wait3A_1645 = arith.constant 0 : i32
    %dma_wait3A_1646 = arith.constant 0 : i32
    %dma_wait3A_1647 = tpu.memref_slice %arg4[%select_n3A_1424, %select_n3A_1440, %dma_wait3A_1645, %dma_wait3A_1646] : memref<8x16x2048x128xf32, #tpu.memory_space<hbm>> -> memref<1x1x256x128xf32, #tpu.memory_space<hbm>>
    %dma_wait3A_1648 = tpu.memref_squeeze %dma_wait3A_1647 : memref<1x1x256x128xf32, #tpu.memory_space<hbm>> -> memref<256x128xf32, #tpu.memory_space<hbm>>
    tpu.wait_dma2 semaphore(%dma_wait3A_1640 : memref<!tpu.dma_semaphore, #tpu.memory_space<semaphore_mem>>) src(%dma_wait3A_1648 : memref<256x128xf32, #tpu.memory_space<hbm>>) dst(%dma_wait3A_1644 : memref<256x128xf32, #tpu.memory_space<vmem>>)
    %mul3A_1649 = arith.constant 4 : i32
    %mul3A_1650 = arith.muli %add3A, %mul3A_1649 : i32
    %add3A_1651 = arith.constant 3 : i32
    %add3A_1652 = arith.addi %mul3A_1650, %add3A_1651 : i32
    %jit3A_1653 = arith.constant 16 : i32
    %div3A_1654 = arith.divsi %add3A_1652, %jit3A_1653 : i32
    %sign3A_1655 = arith.constant 0 : i32
    %sign3A_1656 = arith.cmpi sgt, %add3A_1652, %sign3A_1655 : i32
    %sign3A_1657 = arith.extui %sign3A_1656 : i1 to i32
    %sign3A_1658 = arith.constant 0 : i32
    %sign3A_1659 = arith.cmpi slt, %add3A_1652, %sign3A_1658 : i32
    %sign3A_1660 = arith.extui %sign3A_1659 : i1 to i32
    %sign3A_1661 = arith.subi %sign3A_1657, %sign3A_1660 : i32
    %sign3A_1662 = arith.constant 0 : i32
    %sign3A_1663 = arith.cmpi sgt, %jit3A_1653, %sign3A_1662 : i32
    %sign3A_1664 = arith.extui %sign3A_1663 : i1 to i32
    %sign3A_1665 = arith.constant 0 : i32
    %sign3A_1666 = arith.cmpi slt, %jit3A_1653, %sign3A_1665 : i32
    %sign3A_1667 = arith.extui %sign3A_1666 : i1 to i32
    %sign3A_1668 = arith.subi %sign3A_1664, %sign3A_1667 : i32
    %ne3A_1669 = arith.cmpi ne, %sign3A_1661, %sign3A_1668 : i32
    %rem3A_1670 = arith.remsi %add3A_1652, %jit3A_1653 : i32
    %ne3A_1671 = arith.constant 0 : i32
    %ne3A_1672 = arith.cmpi ne, %rem3A_1670, %ne3A_1671 : i32
    %and3A_1673 = arith.andi %ne3A_1669, %ne3A_1672 : i1
    %sub3A_1674 = arith.constant 1 : i32
    %sub3A_1675 = arith.subi %div3A_1654, %sub3A_1674 : i32
    %select_n3A_1676 = arith.select %and3A_1673, %sub3A_1675, %div3A_1654 : i32
    %jit3A_1677 = arith.constant 16 : i32
    %eq3A_1678 = arith.constant 0 : i32
    %eq3A_1679 = arith.cmpi eq, %jit3A_1677, %eq3A_1678 : i32
    %jit3A_1680 = arith.constant 1 : i32
    %select_n3A_1681 = arith.select %eq3A_1679, %jit3A_1680, %jit3A_1677 : i32
    %rem3A_1682 = arith.remsi %add3A_1652, %select_n3A_1681 : i32
    %ne3A_1683 = arith.constant 0 : i32
    %ne3A_1684 = arith.cmpi ne, %rem3A_1682, %ne3A_1683 : i32
    %lt3A_1685 = arith.constant 0 : i32
    %lt3A_1686 = arith.cmpi slt, %rem3A_1682, %lt3A_1685 : i32
    %lt3A_1687 = arith.constant 0 : i32
    %lt3A_1688 = arith.cmpi slt, %select_n3A_1681, %lt3A_1687 : i32
    %ne3A_1689 = arith.xori %lt3A_1686, %lt3A_1688 : i1
    %and3A_1690 = arith.andi %ne3A_1689, %ne3A_1684 : i1
    %add3A_1691 = arith.addi %rem3A_1682, %select_n3A_1681 : i32
    %select_n3A_1692 = arith.select %and3A_1690, %add3A_1691, %rem3A_1682 : i32
    %dma_start3A_1693 = arith.constant 1 : i32
    %dma_start3A_1694 = arith.constant 1 : i32
    %dma_start3A_1695 = arith.constant 0 : i32
    %dma_start3A_1696 = arith.constant 0 : i32
    %dma_start3A_1697 = tpu.memref_slice %arg6[%dma_start3A_1693, %dma_start3A_1695, %dma_start3A_1696] : memref<2x256x128xf32, #tpu.memory_space<vmem>> -> memref<1x256x128xf32, #tpu.memory_space<vmem>>
    %dma_start3A_1698 = tpu.memref_squeeze %dma_start3A_1697 : memref<1x256x128xf32, #tpu.memory_space<vmem>> -> memref<256x128xf32, #tpu.memory_space<vmem>>
    %dma_start3A_1699 = arith.constant 0 : i32
    %dma_start3A_1700 = arith.constant 0 : i32
    %dma_start3A_1701 = tpu.memref_slice %arg5[%select_n3A_1676, %select_n3A_1692, %dma_start3A_1699, %dma_start3A_1700] : memref<8x16x2048x128xf32, #tpu.memory_space<hbm>> -> memref<1x1x256x128xf32, #tpu.memory_space<hbm>>
    %dma_start3A_1702 = tpu.memref_squeeze %dma_start3A_1701 : memref<1x1x256x128xf32, #tpu.memory_space<hbm>> -> memref<256x128xf32, #tpu.memory_space<hbm>>
    %dma_start3A_1703 = tpu.memref_slice %arg10[%dma_start3A_1694] : memref<2x!tpu.dma_semaphore, #tpu.memory_space<semaphore_mem>> -> memref<1x!tpu.dma_semaphore, #tpu.memory_space<semaphore_mem>>
    %dma_start3A_1704 = tpu.memref_squeeze %dma_start3A_1703 : memref<1x!tpu.dma_semaphore, #tpu.memory_space<semaphore_mem>> -> memref<!tpu.dma_semaphore, #tpu.memory_space<semaphore_mem>>
    %dma_start3A_1705 = arith.constant 0 : i32
    %dma_start3A_1706 = arith.constant 0 : i32
    %dma_start3A_1707 = tpu.memref_slice %arg5[%select_n3A_1676, %select_n3A_1692, %dma_start3A_1705, %dma_start3A_1706] : memref<8x16x2048x128xf32, #tpu.memory_space<hbm>> -> memref<1x1x256x128xf32, #tpu.memory_space<hbm>>
    %dma_start3A_1708 = tpu.memref_squeeze %dma_start3A_1707 : memref<1x1x256x128xf32, #tpu.memory_space<hbm>> -> memref<256x128xf32, #tpu.memory_space<hbm>>
    %dma_start3A_1709 = arith.constant 0 : i32
    %dma_start3A_1710 = arith.constant 0 : i32
    %dma_start3A_1711 = tpu.memref_slice %arg6[%dma_start3A_1693, %dma_start3A_1709, %dma_start3A_1710] : memref<2x256x128xf32, #tpu.memory_space<vmem>> -> memref<1x256x128xf32, #tpu.memory_space<vmem>>
    %dma_start3A_1712 = tpu.memref_squeeze %dma_start3A_1711 : memref<1x256x128xf32, #tpu.memory_space<vmem>> -> memref<256x128xf32, #tpu.memory_space<vmem>>
    tpu.enqueue_dma source(%dma_start3A_1712 : memref<256x128xf32, #tpu.memory_space<vmem>>) target(%dma_start3A_1708 : memref<256x128xf32, #tpu.memory_space<hbm>>) target_semaphore(%dma_start3A_1704 : memref<!tpu.dma_semaphore, #tpu.memory_space<semaphore_mem>>)
    %dma_wait3A_1713 = arith.constant 1 : i32
    %dma_wait3A_1714 = arith.constant 1 : i32
    %dma_wait3A_1715 = arith.constant 0 : i32
    %dma_wait3A_1716 = arith.constant 0 : i32
    %dma_wait3A_1717 = tpu.memref_slice %arg6[%dma_wait3A_1713, %dma_wait3A_1715, %dma_wait3A_1716] : memref<2x256x128xf32, #tpu.memory_space<vmem>> -> memref<1x256x128xf32, #tpu.memory_space<vmem>>
    %dma_wait3A_1718 = tpu.memref_squeeze %dma_wait3A_1717 : memref<1x256x128xf32, #tpu.memory_space<vmem>> -> memref<256x128xf32, #tpu.memory_space<vmem>>
    %dma_wait3A_1719 = arith.constant 0 : i32
    %dma_wait3A_1720 = arith.constant 0 : i32
    %dma_wait3A_1721 = tpu.memref_slice %arg5[%select_n3A_1676, %select_n3A_1692, %dma_wait3A_1719, %dma_wait3A_1720] : memref<8x16x2048x128xf32, #tpu.memory_space<hbm>> -> memref<1x1x256x128xf32, #tpu.memory_space<hbm>>
    %dma_wait3A_1722 = tpu.memref_squeeze %dma_wait3A_1721 : memref<1x1x256x128xf32, #tpu.memory_space<hbm>> -> memref<256x128xf32, #tpu.memory_space<hbm>>
    %dma_wait3A_1723 = tpu.memref_slice %arg10[%dma_wait3A_1714] : memref<2x!tpu.dma_semaphore, #tpu.memory_space<semaphore_mem>> -> memref<1x!tpu.dma_semaphore, #tpu.memory_space<semaphore_mem>>
    %dma_wait3A_1724 = tpu.memref_squeeze %dma_wait3A_1723 : memref<1x!tpu.dma_semaphore, #tpu.memory_space<semaphore_mem>> -> memref<!tpu.dma_semaphore, #tpu.memory_space<semaphore_mem>>
    %dma_wait3A_1725 = arith.constant 0 : i32
    %dma_wait3A_1726 = arith.constant 0 : i32
    %dma_wait3A_1727 = tpu.memref_slice %arg5[%select_n3A_1676, %select_n3A_1692, %dma_wait3A_1725, %dma_wait3A_1726] : memref<8x16x2048x128xf32, #tpu.memory_space<hbm>> -> memref<1x1x256x128xf32, #tpu.memory_space<hbm>>
    %dma_wait3A_1728 = tpu.memref_squeeze %dma_wait3A_1727 : memref<1x1x256x128xf32, #tpu.memory_space<hbm>> -> memref<256x128xf32, #tpu.memory_space<hbm>>
    %dma_wait3A_1729 = arith.constant 0 : i32
    %dma_wait3A_1730 = arith.constant 0 : i32
    %dma_wait3A_1731 = tpu.memref_slice %arg6[%dma_wait3A_1713, %dma_wait3A_1729, %dma_wait3A_1730] : memref<2x256x128xf32, #tpu.memory_space<vmem>> -> memref<1x256x128xf32, #tpu.memory_space<vmem>>
    %dma_wait3A_1732 = tpu.memref_squeeze %dma_wait3A_1731 : memref<1x256x128xf32, #tpu.memory_space<vmem>> -> memref<256x128xf32, #tpu.memory_space<vmem>>
    tpu.wait_dma2 semaphore(%dma_wait3A_1724 : memref<!tpu.dma_semaphore, #tpu.memory_space<semaphore_mem>>) src(%dma_wait3A_1732 : memref<256x128xf32, #tpu.memory_space<vmem>>) dst(%dma_wait3A_1728 : memref<256x128xf32, #tpu.memory_space<hbm>>)
    %mul3A_1733 = arith.constant 4 : i32
    %mul3A_1734 = arith.muli %add3A, %mul3A_1733 : i32
    %add3A_1735 = arith.constant 3 : i32
    %add3A_1736 = arith.addi %mul3A_1734, %add3A_1735 : i32
    %jit3A_1737 = arith.constant 16 : i32
    %div3A_1738 = arith.divsi %add3A_1736, %jit3A_1737 : i32
    %sign3A_1739 = arith.constant 0 : i32
    %sign3A_1740 = arith.cmpi sgt, %add3A_1736, %sign3A_1739 : i32
    %sign3A_1741 = arith.extui %sign3A_1740 : i1 to i32
    %sign3A_1742 = arith.constant 0 : i32
    %sign3A_1743 = arith.cmpi slt, %add3A_1736, %sign3A_1742 : i32
    %sign3A_1744 = arith.extui %sign3A_1743 : i1 to i32
    %sign3A_1745 = arith.subi %sign3A_1741, %sign3A_1744 : i32
    %sign3A_1746 = arith.constant 0 : i32
    %sign3A_1747 = arith.cmpi sgt, %jit3A_1737, %sign3A_1746 : i32
    %sign3A_1748 = arith.extui %sign3A_1747 : i1 to i32
    %sign3A_1749 = arith.constant 0 : i32
    %sign3A_1750 = arith.cmpi slt, %jit3A_1737, %sign3A_1749 : i32
    %sign3A_1751 = arith.extui %sign3A_1750 : i1 to i32
    %sign3A_1752 = arith.subi %sign3A_1748, %sign3A_1751 : i32
    %ne3A_1753 = arith.cmpi ne, %sign3A_1745, %sign3A_1752 : i32
    %rem3A_1754 = arith.remsi %add3A_1736, %jit3A_1737 : i32
    %ne3A_1755 = arith.constant 0 : i32
    %ne3A_1756 = arith.cmpi ne, %rem3A_1754, %ne3A_1755 : i32
    %and3A_1757 = arith.andi %ne3A_1753, %ne3A_1756 : i1
    %sub3A_1758 = arith.constant 1 : i32
    %sub3A_1759 = arith.subi %div3A_1738, %sub3A_1758 : i32
    %select_n3A_1760 = arith.select %and3A_1757, %sub3A_1759, %div3A_1738 : i32
    %jit3A_1761 = arith.constant 16 : i32
    %eq3A_1762 = arith.constant 0 : i32
    %eq3A_1763 = arith.cmpi eq, %jit3A_1761, %eq3A_1762 : i32
    %jit3A_1764 = arith.constant 1 : i32
    %select_n3A_1765 = arith.select %eq3A_1763, %jit3A_1764, %jit3A_1761 : i32
    %rem3A_1766 = arith.remsi %add3A_1736, %select_n3A_1765 : i32
    %ne3A_1767 = arith.constant 0 : i32
    %ne3A_1768 = arith.cmpi ne, %rem3A_1766, %ne3A_1767 : i32
    %lt3A_1769 = arith.constant 0 : i32
    %lt3A_1770 = arith.cmpi slt, %rem3A_1766, %lt3A_1769 : i32
    %lt3A_1771 = arith.constant 0 : i32
    %lt3A_1772 = arith.cmpi slt, %select_n3A_1765, %lt3A_1771 : i32
    %ne3A_1773 = arith.xori %lt3A_1770, %lt3A_1772 : i1
    %and3A_1774 = arith.andi %ne3A_1773, %ne3A_1768 : i1
    %add3A_1775 = arith.addi %rem3A_1766, %select_n3A_1765 : i32
    %select_n3A_1776 = arith.select %and3A_1774, %add3A_1775, %rem3A_1766 : i32
    %dma_start3A_1777 = arith.constant 1 : i32
    %dma_start3A_1778 = arith.constant 1 : i32
    %dma_start3A_1779 = arith.constant 0 : i32
    %dma_start3A_1780 = arith.constant 0 : i32
    %dma_start3A_1781 = tpu.memref_slice %arg6[%dma_start3A_1777, %dma_start3A_1779, %dma_start3A_1780] : memref<2x256x128xf32, #tpu.memory_space<vmem>> -> memref<1x256x128xf32, #tpu.memory_space<vmem>>
    %dma_start3A_1782 = tpu.memref_squeeze %dma_start3A_1781 : memref<1x256x128xf32, #tpu.memory_space<vmem>> -> memref<256x128xf32, #tpu.memory_space<vmem>>
    %dma_start3A_1783 = arith.constant 512 : i32
    %dma_start3A_1784 = arith.constant 0 : i32
    %dma_start3A_1785 = tpu.memref_slice %arg4[%select_n3A_1760, %select_n3A_1776, %dma_start3A_1783, %dma_start3A_1784] : memref<8x16x2048x128xf32, #tpu.memory_space<hbm>> -> memref<1x1x256x128xf32, #tpu.memory_space<hbm>>
    %dma_start3A_1786 = tpu.memref_squeeze %dma_start3A_1785 : memref<1x1x256x128xf32, #tpu.memory_space<hbm>> -> memref<256x128xf32, #tpu.memory_space<hbm>>
    %dma_start3A_1787 = tpu.memref_slice %arg9[%dma_start3A_1778] : memref<2x!tpu.dma_semaphore, #tpu.memory_space<semaphore_mem>> -> memref<1x!tpu.dma_semaphore, #tpu.memory_space<semaphore_mem>>
    %dma_start3A_1788 = tpu.memref_squeeze %dma_start3A_1787 : memref<1x!tpu.dma_semaphore, #tpu.memory_space<semaphore_mem>> -> memref<!tpu.dma_semaphore, #tpu.memory_space<semaphore_mem>>
    %dma_start3A_1789 = arith.constant 0 : i32
    %dma_start3A_1790 = arith.constant 0 : i32
    %dma_start3A_1791 = tpu.memref_slice %arg6[%dma_start3A_1777, %dma_start3A_1789, %dma_start3A_1790] : memref<2x256x128xf32, #tpu.memory_space<vmem>> -> memref<1x256x128xf32, #tpu.memory_space<vmem>>
    %dma_start3A_1792 = tpu.memref_squeeze %dma_start3A_1791 : memref<1x256x128xf32, #tpu.memory_space<vmem>> -> memref<256x128xf32, #tpu.memory_space<vmem>>
    %dma_start3A_1793 = arith.constant 512 : i32
    %dma_start3A_1794 = arith.constant 0 : i32
    %dma_start3A_1795 = tpu.memref_slice %arg4[%select_n3A_1760, %select_n3A_1776, %dma_start3A_1793, %dma_start3A_1794] : memref<8x16x2048x128xf32, #tpu.memory_space<hbm>> -> memref<1x1x256x128xf32, #tpu.memory_space<hbm>>
    %dma_start3A_1796 = tpu.memref_squeeze %dma_start3A_1795 : memref<1x1x256x128xf32, #tpu.memory_space<hbm>> -> memref<256x128xf32, #tpu.memory_space<hbm>>
    tpu.enqueue_dma source(%dma_start3A_1796 : memref<256x128xf32, #tpu.memory_space<hbm>>) target(%dma_start3A_1792 : memref<256x128xf32, #tpu.memory_space<vmem>>) target_semaphore(%dma_start3A_1788 : memref<!tpu.dma_semaphore, #tpu.memory_space<semaphore_mem>>)
    %dma_wait3A_1797 = arith.constant 0 : i32
    %dma_wait3A_1798 = arith.constant 0 : i32
    %dma_wait3A_1799 = arith.constant 0 : i32
    %dma_wait3A_1800 = arith.constant 0 : i32
    %dma_wait3A_1801 = tpu.memref_slice %arg6[%dma_wait3A_1797, %dma_wait3A_1799, %dma_wait3A_1800] : memref<2x256x128xf32, #tpu.memory_space<vmem>> -> memref<1x256x128xf32, #tpu.memory_space<vmem>>
    %dma_wait3A_1802 = tpu.memref_squeeze %dma_wait3A_1801 : memref<1x256x128xf32, #tpu.memory_space<vmem>> -> memref<256x128xf32, #tpu.memory_space<vmem>>
    %dma_wait3A_1803 = arith.constant 256 : i32
    %dma_wait3A_1804 = arith.constant 0 : i32
    %dma_wait3A_1805 = tpu.memref_slice %arg4[%select_n3A_1592, %select_n3A_1608, %dma_wait3A_1803, %dma_wait3A_1804] : memref<8x16x2048x128xf32, #tpu.memory_space<hbm>> -> memref<1x1x256x128xf32, #tpu.memory_space<hbm>>
    %dma_wait3A_1806 = tpu.memref_squeeze %dma_wait3A_1805 : memref<1x1x256x128xf32, #tpu.memory_space<hbm>> -> memref<256x128xf32, #tpu.memory_space<hbm>>
    %dma_wait3A_1807 = tpu.memref_slice %arg9[%dma_wait3A_1798] : memref<2x!tpu.dma_semaphore, #tpu.memory_space<semaphore_mem>> -> memref<1x!tpu.dma_semaphore, #tpu.memory_space<semaphore_mem>>
    %dma_wait3A_1808 = tpu.memref_squeeze %dma_wait3A_1807 : memref<1x!tpu.dma_semaphore, #tpu.memory_space<semaphore_mem>> -> memref<!tpu.dma_semaphore, #tpu.memory_space<semaphore_mem>>
    %dma_wait3A_1809 = arith.constant 0 : i32
    %dma_wait3A_1810 = arith.constant 0 : i32
    %dma_wait3A_1811 = tpu.memref_slice %arg6[%dma_wait3A_1797, %dma_wait3A_1809, %dma_wait3A_1810] : memref<2x256x128xf32, #tpu.memory_space<vmem>> -> memref<1x256x128xf32, #tpu.memory_space<vmem>>
    %dma_wait3A_1812 = tpu.memref_squeeze %dma_wait3A_1811 : memref<1x256x128xf32, #tpu.memory_space<vmem>> -> memref<256x128xf32, #tpu.memory_space<vmem>>
    %dma_wait3A_1813 = arith.constant 256 : i32
    %dma_wait3A_1814 = arith.constant 0 : i32
    %dma_wait3A_1815 = tpu.memref_slice %arg4[%select_n3A_1592, %select_n3A_1608, %dma_wait3A_1813, %dma_wait3A_1814] : memref<8x16x2048x128xf32, #tpu.memory_space<hbm>> -> memref<1x1x256x128xf32, #tpu.memory_space<hbm>>
    %dma_wait3A_1816 = tpu.memref_squeeze %dma_wait3A_1815 : memref<1x1x256x128xf32, #tpu.memory_space<hbm>> -> memref<256x128xf32, #tpu.memory_space<hbm>>
    tpu.wait_dma2 semaphore(%dma_wait3A_1808 : memref<!tpu.dma_semaphore, #tpu.memory_space<semaphore_mem>>) src(%dma_wait3A_1816 : memref<256x128xf32, #tpu.memory_space<hbm>>) dst(%dma_wait3A_1812 : memref<256x128xf32, #tpu.memory_space<vmem>>)
    %mul3A_1817 = arith.constant 4 : i32
    %mul3A_1818 = arith.muli %add3A, %mul3A_1817 : i32
    %add3A_1819 = arith.constant 3 : i32
    %add3A_1820 = arith.addi %mul3A_1818, %add3A_1819 : i32
    %jit3A_1821 = arith.constant 16 : i32
    %div3A_1822 = arith.divsi %add3A_1820, %jit3A_1821 : i32
    %sign3A_1823 = arith.constant 0 : i32
    %sign3A_1824 = arith.cmpi sgt, %add3A_1820, %sign3A_1823 : i32
    %sign3A_1825 = arith.extui %sign3A_1824 : i1 to i32
    %sign3A_1826 = arith.constant 0 : i32
    %sign3A_1827 = arith.cmpi slt, %add3A_1820, %sign3A_1826 : i32
    %sign3A_1828 = arith.extui %sign3A_1827 : i1 to i32
    %sign3A_1829 = arith.subi %sign3A_1825, %sign3A_1828 : i32
    %sign3A_1830 = arith.constant 0 : i32
    %sign3A_1831 = arith.cmpi sgt, %jit3A_1821, %sign3A_1830 : i32
    %sign3A_1832 = arith.extui %sign3A_1831 : i1 to i32
    %sign3A_1833 = arith.constant 0 : i32
    %sign3A_1834 = arith.cmpi slt, %jit3A_1821, %sign3A_1833 : i32
    %sign3A_1835 = arith.extui %sign3A_1834 : i1 to i32
    %sign3A_1836 = arith.subi %sign3A_1832, %sign3A_1835 : i32
    %ne3A_1837 = arith.cmpi ne, %sign3A_1829, %sign3A_1836 : i32
    %rem3A_1838 = arith.remsi %add3A_1820, %jit3A_1821 : i32
    %ne3A_1839 = arith.constant 0 : i32
    %ne3A_1840 = arith.cmpi ne, %rem3A_1838, %ne3A_1839 : i32
    %and3A_1841 = arith.andi %ne3A_1837, %ne3A_1840 : i1
    %sub3A_1842 = arith.constant 1 : i32
    %sub3A_1843 = arith.subi %div3A_1822, %sub3A_1842 : i32
    %select_n3A_1844 = arith.select %and3A_1841, %sub3A_1843, %div3A_1822 : i32
    %jit3A_1845 = arith.constant 16 : i32
    %eq3A_1846 = arith.constant 0 : i32
    %eq3A_1847 = arith.cmpi eq, %jit3A_1845, %eq3A_1846 : i32
    %jit3A_1848 = arith.constant 1 : i32
    %select_n3A_1849 = arith.select %eq3A_1847, %jit3A_1848, %jit3A_1845 : i32
    %rem3A_1850 = arith.remsi %add3A_1820, %select_n3A_1849 : i32
    %ne3A_1851 = arith.constant 0 : i32
    %ne3A_1852 = arith.cmpi ne, %rem3A_1850, %ne3A_1851 : i32
    %lt3A_1853 = arith.constant 0 : i32
    %lt3A_1854 = arith.cmpi slt, %rem3A_1850, %lt3A_1853 : i32
    %lt3A_1855 = arith.constant 0 : i32
    %lt3A_1856 = arith.cmpi slt, %select_n3A_1849, %lt3A_1855 : i32
    %ne3A_1857 = arith.xori %lt3A_1854, %lt3A_1856 : i1
    %and3A_1858 = arith.andi %ne3A_1857, %ne3A_1852 : i1
    %add3A_1859 = arith.addi %rem3A_1850, %select_n3A_1849 : i32
    %select_n3A_1860 = arith.select %and3A_1858, %add3A_1859, %rem3A_1850 : i32
    %dma_start3A_1861 = arith.constant 0 : i32
    %dma_start3A_1862 = arith.constant 0 : i32
    %dma_start3A_1863 = arith.constant 0 : i32
    %dma_start3A_1864 = arith.constant 0 : i32
    %dma_start3A_1865 = tpu.memref_slice %arg6[%dma_start3A_1861, %dma_start3A_1863, %dma_start3A_1864] : memref<2x256x128xf32, #tpu.memory_space<vmem>> -> memref<1x256x128xf32, #tpu.memory_space<vmem>>
    %dma_start3A_1866 = tpu.memref_squeeze %dma_start3A_1865 : memref<1x256x128xf32, #tpu.memory_space<vmem>> -> memref<256x128xf32, #tpu.memory_space<vmem>>
    %dma_start3A_1867 = arith.constant 256 : i32
    %dma_start3A_1868 = arith.constant 0 : i32
    %dma_start3A_1869 = tpu.memref_slice %arg5[%select_n3A_1844, %select_n3A_1860, %dma_start3A_1867, %dma_start3A_1868] : memref<8x16x2048x128xf32, #tpu.memory_space<hbm>> -> memref<1x1x256x128xf32, #tpu.memory_space<hbm>>
    %dma_start3A_1870 = tpu.memref_squeeze %dma_start3A_1869 : memref<1x1x256x128xf32, #tpu.memory_space<hbm>> -> memref<256x128xf32, #tpu.memory_space<hbm>>
    %dma_start3A_1871 = tpu.memref_slice %arg10[%dma_start3A_1862] : memref<2x!tpu.dma_semaphore, #tpu.memory_space<semaphore_mem>> -> memref<1x!tpu.dma_semaphore, #tpu.memory_space<semaphore_mem>>
    %dma_start3A_1872 = tpu.memref_squeeze %dma_start3A_1871 : memref<1x!tpu.dma_semaphore, #tpu.memory_space<semaphore_mem>> -> memref<!tpu.dma_semaphore, #tpu.memory_space<semaphore_mem>>
    %dma_start3A_1873 = arith.constant 256 : i32
    %dma_start3A_1874 = arith.constant 0 : i32
    %dma_start3A_1875 = tpu.memref_slice %arg5[%select_n3A_1844, %select_n3A_1860, %dma_start3A_1873, %dma_start3A_1874] : memref<8x16x2048x128xf32, #tpu.memory_space<hbm>> -> memref<1x1x256x128xf32, #tpu.memory_space<hbm>>
    %dma_start3A_1876 = tpu.memref_squeeze %dma_start3A_1875 : memref<1x1x256x128xf32, #tpu.memory_space<hbm>> -> memref<256x128xf32, #tpu.memory_space<hbm>>
    %dma_start3A_1877 = arith.constant 0 : i32
    %dma_start3A_1878 = arith.constant 0 : i32
    %dma_start3A_1879 = tpu.memref_slice %arg6[%dma_start3A_1861, %dma_start3A_1877, %dma_start3A_1878] : memref<2x256x128xf32, #tpu.memory_space<vmem>> -> memref<1x256x128xf32, #tpu.memory_space<vmem>>
    %dma_start3A_1880 = tpu.memref_squeeze %dma_start3A_1879 : memref<1x256x128xf32, #tpu.memory_space<vmem>> -> memref<256x128xf32, #tpu.memory_space<vmem>>
    tpu.enqueue_dma source(%dma_start3A_1880 : memref<256x128xf32, #tpu.memory_space<vmem>>) target(%dma_start3A_1876 : memref<256x128xf32, #tpu.memory_space<hbm>>) target_semaphore(%dma_start3A_1872 : memref<!tpu.dma_semaphore, #tpu.memory_space<semaphore_mem>>)
    %dma_wait3A_1881 = arith.constant 1 : i32
    %dma_wait3A_1882 = arith.constant 1 : i32
    %dma_wait3A_1883 = arith.constant 0 : i32
    %dma_wait3A_1884 = arith.constant 0 : i32
    %dma_wait3A_1885 = tpu.memref_slice %arg6[%dma_wait3A_1881, %dma_wait3A_1883, %dma_wait3A_1884] : memref<2x256x128xf32, #tpu.memory_space<vmem>> -> memref<1x256x128xf32, #tpu.memory_space<vmem>>
    %dma_wait3A_1886 = tpu.memref_squeeze %dma_wait3A_1885 : memref<1x256x128xf32, #tpu.memory_space<vmem>> -> memref<256x128xf32, #tpu.memory_space<vmem>>
    %dma_wait3A_1887 = arith.constant 512 : i32
    %dma_wait3A_1888 = arith.constant 0 : i32
    %dma_wait3A_1889 = tpu.memref_slice %arg4[%select_n3A_1760, %select_n3A_1776, %dma_wait3A_1887, %dma_wait3A_1888] : memref<8x16x2048x128xf32, #tpu.memory_space<hbm>> -> memref<1x1x256x128xf32, #tpu.memory_space<hbm>>
    %dma_wait3A_1890 = tpu.memref_squeeze %dma_wait3A_1889 : memref<1x1x256x128xf32, #tpu.memory_space<hbm>> -> memref<256x128xf32, #tpu.memory_space<hbm>>
    %dma_wait3A_1891 = tpu.memref_slice %arg9[%dma_wait3A_1882] : memref<2x!tpu.dma_semaphore, #tpu.memory_space<semaphore_mem>> -> memref<1x!tpu.dma_semaphore, #tpu.memory_space<semaphore_mem>>
    %dma_wait3A_1892 = tpu.memref_squeeze %dma_wait3A_1891 : memref<1x!tpu.dma_semaphore, #tpu.memory_space<semaphore_mem>> -> memref<!tpu.dma_semaphore, #tpu.memory_space<semaphore_mem>>
    %dma_wait3A_1893 = arith.constant 0 : i32
    %dma_wait3A_1894 = arith.constant 0 : i32
    %dma_wait3A_1895 = tpu.memref_slice %arg6[%dma_wait3A_1881, %dma_wait3A_1893, %dma_wait3A_1894] : memref<2x256x128xf32, #tpu.memory_space<vmem>> -> memref<1x256x128xf32, #tpu.memory_space<vmem>>
    %dma_wait3A_1896 = tpu.memref_squeeze %dma_wait3A_1895 : memref<1x256x128xf32, #tpu.memory_space<vmem>> -> memref<256x128xf32, #tpu.memory_space<vmem>>
    %dma_wait3A_1897 = arith.constant 512 : i32
    %dma_wait3A_1898 = arith.constant 0 : i32
    %dma_wait3A_1899 = tpu.memref_slice %arg4[%select_n3A_1760, %select_n3A_1776, %dma_wait3A_1897, %dma_wait3A_1898] : memref<8x16x2048x128xf32, #tpu.memory_space<hbm>> -> memref<1x1x256x128xf32, #tpu.memory_space<hbm>>
    %dma_wait3A_1900 = tpu.memref_squeeze %dma_wait3A_1899 : memref<1x1x256x128xf32, #tpu.memory_space<hbm>> -> memref<256x128xf32, #tpu.memory_space<hbm>>
    tpu.wait_dma2 semaphore(%dma_wait3A_1892 : memref<!tpu.dma_semaphore, #tpu.memory_space<semaphore_mem>>) src(%dma_wait3A_1900 : memref<256x128xf32, #tpu.memory_space<hbm>>) dst(%dma_wait3A_1896 : memref<256x128xf32, #tpu.memory_space<vmem>>)
    %mul3A_1901 = arith.constant 4 : i32
    %mul3A_1902 = arith.muli %add3A, %mul3A_1901 : i32
    %add3A_1903 = arith.constant 3 : i32
    %add3A_1904 = arith.addi %mul3A_1902, %add3A_1903 : i32
    %jit3A_1905 = arith.constant 16 : i32
    %div3A_1906 = arith.divsi %add3A_1904, %jit3A_1905 : i32
    %sign3A_1907 = arith.constant 0 : i32
    %sign3A_1908 = arith.cmpi sgt, %add3A_1904, %sign3A_1907 : i32
    %sign3A_1909 = arith.extui %sign3A_1908 : i1 to i32
    %sign3A_1910 = arith.constant 0 : i32
    %sign3A_1911 = arith.cmpi slt, %add3A_1904, %sign3A_1910 : i32
    %sign3A_1912 = arith.extui %sign3A_1911 : i1 to i32
    %sign3A_1913 = arith.subi %sign3A_1909, %sign3A_1912 : i32
    %sign3A_1914 = arith.constant 0 : i32
    %sign3A_1915 = arith.cmpi sgt, %jit3A_1905, %sign3A_1914 : i32
    %sign3A_1916 = arith.extui %sign3A_1915 : i1 to i32
    %sign3A_1917 = arith.constant 0 : i32
    %sign3A_1918 = arith.cmpi slt, %jit3A_1905, %sign3A_1917 : i32
    %sign3A_1919 = arith.extui %sign3A_1918 : i1 to i32
    %sign3A_1920 = arith.subi %sign3A_1916, %sign3A_1919 : i32
    %ne3A_1921 = arith.cmpi ne, %sign3A_1913, %sign3A_1920 : i32
    %rem3A_1922 = arith.remsi %add3A_1904, %jit3A_1905 : i32
    %ne3A_1923 = arith.constant 0 : i32
    %ne3A_1924 = arith.cmpi ne, %rem3A_1922, %ne3A_1923 : i32
    %and3A_1925 = arith.andi %ne3A_1921, %ne3A_1924 : i1
    %sub3A_1926 = arith.constant 1 : i32
    %sub3A_1927 = arith.subi %div3A_1906, %sub3A_1926 : i32
    %select_n3A_1928 = arith.select %and3A_1925, %sub3A_1927, %div3A_1906 : i32
    %jit3A_1929 = arith.constant 16 : i32
    %eq3A_1930 = arith.constant 0 : i32
    %eq3A_1931 = arith.cmpi eq, %jit3A_1929, %eq3A_1930 : i32
    %jit3A_1932 = arith.constant 1 : i32
    %select_n3A_1933 = arith.select %eq3A_1931, %jit3A_1932, %jit3A_1929 : i32
    %rem3A_1934 = arith.remsi %add3A_1904, %select_n3A_1933 : i32
    %ne3A_1935 = arith.constant 0 : i32
    %ne3A_1936 = arith.cmpi ne, %rem3A_1934, %ne3A_1935 : i32
    %lt3A_1937 = arith.constant 0 : i32
    %lt3A_1938 = arith.cmpi slt, %rem3A_1934, %lt3A_1937 : i32
    %lt3A_1939 = arith.constant 0 : i32
    %lt3A_1940 = arith.cmpi slt, %select_n3A_1933, %lt3A_1939 : i32
    %ne3A_1941 = arith.xori %lt3A_1938, %lt3A_1940 : i1
    %and3A_1942 = arith.andi %ne3A_1941, %ne3A_1936 : i1
    %add3A_1943 = arith.addi %rem3A_1934, %select_n3A_1933 : i32
    %select_n3A_1944 = arith.select %and3A_1942, %add3A_1943, %rem3A_1934 : i32
    %dma_start3A_1945 = arith.constant 1 : i32
    %dma_start3A_1946 = arith.constant 1 : i32
    %dma_start3A_1947 = arith.constant 0 : i32
    %dma_start3A_1948 = arith.constant 0 : i32
    %dma_start3A_1949 = tpu.memref_slice %arg6[%dma_start3A_1945, %dma_start3A_1947, %dma_start3A_1948] : memref<2x256x128xf32, #tpu.memory_space<vmem>> -> memref<1x256x128xf32, #tpu.memory_space<vmem>>
    %dma_start3A_1950 = tpu.memref_squeeze %dma_start3A_1949 : memref<1x256x128xf32, #tpu.memory_space<vmem>> -> memref<256x128xf32, #tpu.memory_space<vmem>>
    %dma_start3A_1951 = arith.constant 512 : i32
    %dma_start3A_1952 = arith.constant 0 : i32
    %dma_start3A_1953 = tpu.memref_slice %arg5[%select_n3A_1928, %select_n3A_1944, %dma_start3A_1951, %dma_start3A_1952] : memref<8x16x2048x128xf32, #tpu.memory_space<hbm>> -> memref<1x1x256x128xf32, #tpu.memory_space<hbm>>
    %dma_start3A_1954 = tpu.memref_squeeze %dma_start3A_1953 : memref<1x1x256x128xf32, #tpu.memory_space<hbm>> -> memref<256x128xf32, #tpu.memory_space<hbm>>
    %dma_start3A_1955 = tpu.memref_slice %arg10[%dma_start3A_1946] : memref<2x!tpu.dma_semaphore, #tpu.memory_space<semaphore_mem>> -> memref<1x!tpu.dma_semaphore, #tpu.memory_space<semaphore_mem>>
    %dma_start3A_1956 = tpu.memref_squeeze %dma_start3A_1955 : memref<1x!tpu.dma_semaphore, #tpu.memory_space<semaphore_mem>> -> memref<!tpu.dma_semaphore, #tpu.memory_space<semaphore_mem>>
    %dma_start3A_1957 = arith.constant 512 : i32
    %dma_start3A_1958 = arith.constant 0 : i32
    %dma_start3A_1959 = tpu.memref_slice %arg5[%select_n3A_1928, %select_n3A_1944, %dma_start3A_1957, %dma_start3A_1958] : memref<8x16x2048x128xf32, #tpu.memory_space<hbm>> -> memref<1x1x256x128xf32, #tpu.memory_space<hbm>>
    %dma_start3A_1960 = tpu.memref_squeeze %dma_start3A_1959 : memref<1x1x256x128xf32, #tpu.memory_space<hbm>> -> memref<256x128xf32, #tpu.memory_space<hbm>>
    %dma_start3A_1961 = arith.constant 0 : i32
    %dma_start3A_1962 = arith.constant 0 : i32
    %dma_start3A_1963 = tpu.memref_slice %arg6[%dma_start3A_1945, %dma_start3A_1961, %dma_start3A_1962] : memref<2x256x128xf32, #tpu.memory_space<vmem>> -> memref<1x256x128xf32, #tpu.memory_space<vmem>>
    %dma_start3A_1964 = tpu.memref_squeeze %dma_start3A_1963 : memref<1x256x128xf32, #tpu.memory_space<vmem>> -> memref<256x128xf32, #tpu.memory_space<vmem>>
    tpu.enqueue_dma source(%dma_start3A_1964 : memref<256x128xf32, #tpu.memory_space<vmem>>) target(%dma_start3A_1960 : memref<256x128xf32, #tpu.memory_space<hbm>>) target_semaphore(%dma_start3A_1956 : memref<!tpu.dma_semaphore, #tpu.memory_space<semaphore_mem>>)
    %dma_wait3A_1965 = arith.constant 0 : i32
    %dma_wait3A_1966 = arith.constant 0 : i32
    %dma_wait3A_1967 = arith.constant 0 : i32
    %dma_wait3A_1968 = arith.constant 0 : i32
    %dma_wait3A_1969 = tpu.memref_slice %arg6[%dma_wait3A_1965, %dma_wait3A_1967, %dma_wait3A_1968] : memref<2x256x128xf32, #tpu.memory_space<vmem>> -> memref<1x256x128xf32, #tpu.memory_space<vmem>>
    %dma_wait3A_1970 = tpu.memref_squeeze %dma_wait3A_1969 : memref<1x256x128xf32, #tpu.memory_space<vmem>> -> memref<256x128xf32, #tpu.memory_space<vmem>>
    %dma_wait3A_1971 = arith.constant 256 : i32
    %dma_wait3A_1972 = arith.constant 0 : i32
    %dma_wait3A_1973 = tpu.memref_slice %arg5[%select_n3A_1844, %select_n3A_1860, %dma_wait3A_1971, %dma_wait3A_1972] : memref<8x16x2048x128xf32, #tpu.memory_space<hbm>> -> memref<1x1x256x128xf32, #tpu.memory_space<hbm>>
    %dma_wait3A_1974 = tpu.memref_squeeze %dma_wait3A_1973 : memref<1x1x256x128xf32, #tpu.memory_space<hbm>> -> memref<256x128xf32, #tpu.memory_space<hbm>>
    %dma_wait3A_1975 = tpu.memref_slice %arg10[%dma_wait3A_1966] : memref<2x!tpu.dma_semaphore, #tpu.memory_space<semaphore_mem>> -> memref<1x!tpu.dma_semaphore, #tpu.memory_space<semaphore_mem>>
    %dma_wait3A_1976 = tpu.memref_squeeze %dma_wait3A_1975 : memref<1x!tpu.dma_semaphore, #tpu.memory_space<semaphore_mem>> -> memref<!tpu.dma_semaphore, #tpu.memory_space<semaphore_mem>>
    %dma_wait3A_1977 = arith.constant 256 : i32
    %dma_wait3A_1978 = arith.constant 0 : i32
    %dma_wait3A_1979 = tpu.memref_slice %arg5[%select_n3A_1844, %select_n3A_1860, %dma_wait3A_1977, %dma_wait3A_1978] : memref<8x16x2048x128xf32, #tpu.memory_space<hbm>> -> memref<1x1x256x128xf32, #tpu.memory_space<hbm>>
    %dma_wait3A_1980 = tpu.memref_squeeze %dma_wait3A_1979 : memref<1x1x256x128xf32, #tpu.memory_space<hbm>> -> memref<256x128xf32, #tpu.memory_space<hbm>>
    %dma_wait3A_1981 = arith.constant 0 : i32
    %dma_wait3A_1982 = arith.constant 0 : i32
    %dma_wait3A_1983 = tpu.memref_slice %arg6[%dma_wait3A_1965, %dma_wait3A_1981, %dma_wait3A_1982] : memref<2x256x128xf32, #tpu.memory_space<vmem>> -> memref<1x256x128xf32, #tpu.memory_space<vmem>>
    %dma_wait3A_1984 = tpu.memref_squeeze %dma_wait3A_1983 : memref<1x256x128xf32, #tpu.memory_space<vmem>> -> memref<256x128xf32, #tpu.memory_space<vmem>>
    tpu.wait_dma2 semaphore(%dma_wait3A_1976 : memref<!tpu.dma_semaphore, #tpu.memory_space<semaphore_mem>>) src(%dma_wait3A_1984 : memref<256x128xf32, #tpu.memory_space<vmem>>) dst(%dma_wait3A_1980 : memref<256x128xf32, #tpu.memory_space<hbm>>)
    %dma_wait3A_1985 = arith.constant 1 : i32
    %dma_wait3A_1986 = arith.constant 1 : i32
    %dma_wait3A_1987 = arith.constant 0 : i32
    %dma_wait3A_1988 = arith.constant 0 : i32
    %dma_wait3A_1989 = tpu.memref_slice %arg6[%dma_wait3A_1985, %dma_wait3A_1987, %dma_wait3A_1988] : memref<2x256x128xf32, #tpu.memory_space<vmem>> -> memref<1x256x128xf32, #tpu.memory_space<vmem>>
    %dma_wait3A_1990 = tpu.memref_squeeze %dma_wait3A_1989 : memref<1x256x128xf32, #tpu.memory_space<vmem>> -> memref<256x128xf32, #tpu.memory_space<vmem>>
    %dma_wait3A_1991 = arith.constant 512 : i32
    %dma_wait3A_1992 = arith.constant 0 : i32
    %dma_wait3A_1993 = tpu.memref_slice %arg5[%select_n3A_1928, %select_n3A_1944, %dma_wait3A_1991, %dma_wait3A_1992] : memref<8x16x2048x128xf32, #tpu.memory_space<hbm>> -> memref<1x1x256x128xf32, #tpu.memory_space<hbm>>
    %dma_wait3A_1994 = tpu.memref_squeeze %dma_wait3A_1993 : memref<1x1x256x128xf32, #tpu.memory_space<hbm>> -> memref<256x128xf32, #tpu.memory_space<hbm>>
    %dma_wait3A_1995 = tpu.memref_slice %arg10[%dma_wait3A_1986] : memref<2x!tpu.dma_semaphore, #tpu.memory_space<semaphore_mem>> -> memref<1x!tpu.dma_semaphore, #tpu.memory_space<semaphore_mem>>
    %dma_wait3A_1996 = tpu.memref_squeeze %dma_wait3A_1995 : memref<1x!tpu.dma_semaphore, #tpu.memory_space<semaphore_mem>> -> memref<!tpu.dma_semaphore, #tpu.memory_space<semaphore_mem>>
    %dma_wait3A_1997 = arith.constant 512 : i32
    %dma_wait3A_1998 = arith.constant 0 : i32
    %dma_wait3A_1999 = tpu.memref_slice %arg5[%select_n3A_1928, %select_n3A_1944, %dma_wait3A_1997, %dma_wait3A_1998] : memref<8x16x2048x128xf32, #tpu.memory_space<hbm>> -> memref<1x1x256x128xf32, #tpu.memory_space<hbm>>
    %dma_wait3A_2000 = tpu.memref_squeeze %dma_wait3A_1999 : memref<1x1x256x128xf32, #tpu.memory_space<hbm>> -> memref<256x128xf32, #tpu.memory_space<hbm>>
    %dma_wait3A_2001 = arith.constant 0 : i32
    %dma_wait3A_2002 = arith.constant 0 : i32
    %dma_wait3A_2003 = tpu.memref_slice %arg6[%dma_wait3A_1985, %dma_wait3A_2001, %dma_wait3A_2002] : memref<2x256x128xf32, #tpu.memory_space<vmem>> -> memref<1x256x128xf32, #tpu.memory_space<vmem>>
    %dma_wait3A_2004 = tpu.memref_squeeze %dma_wait3A_2003 : memref<1x256x128xf32, #tpu.memory_space<vmem>> -> memref<256x128xf32, #tpu.memory_space<vmem>>
    tpu.wait_dma2 semaphore(%dma_wait3A_1996 : memref<!tpu.dma_semaphore, #tpu.memory_space<semaphore_mem>>) src(%dma_wait3A_2004 : memref<256x128xf32, #tpu.memory_space<vmem>>) dst(%dma_wait3A_2000 : memref<256x128xf32, #tpu.memory_space<hbm>>)
    %mul3A_2005 = arith.constant 4 : i32
    %mul3A_2006 = arith.muli %add3A, %mul3A_2005 : i32
    %add3A_2007 = arith.constant 0 : i32
    %add3A_2008 = arith.addi %mul3A_2006, %add3A_2007 : i32
    %jit3A_2009 = arith.constant 16 : i32
    %div3A_2010 = arith.divsi %add3A_2008, %jit3A_2009 : i32
    %sign3A_2011 = arith.constant 0 : i32
    %sign3A_2012 = arith.cmpi sgt, %add3A_2008, %sign3A_2011 : i32
    %sign3A_2013 = arith.extui %sign3A_2012 : i1 to i32
    %sign3A_2014 = arith.constant 0 : i32
    %sign3A_2015 = arith.cmpi slt, %add3A_2008, %sign3A_2014 : i32
    %sign3A_2016 = arith.extui %sign3A_2015 : i1 to i32
    %sign3A_2017 = arith.subi %sign3A_2013, %sign3A_2016 : i32
    %sign3A_2018 = arith.constant 0 : i32
    %sign3A_2019 = arith.cmpi sgt, %jit3A_2009, %sign3A_2018 : i32
    %sign3A_2020 = arith.extui %sign3A_2019 : i1 to i32
    %sign3A_2021 = arith.constant 0 : i32
    %sign3A_2022 = arith.cmpi slt, %jit3A_2009, %sign3A_2021 : i32
    %sign3A_2023 = arith.extui %sign3A_2022 : i1 to i32
    %sign3A_2024 = arith.subi %sign3A_2020, %sign3A_2023 : i32
    %ne3A_2025 = arith.cmpi ne, %sign3A_2017, %sign3A_2024 : i32
    %rem3A_2026 = arith.remsi %add3A_2008, %jit3A_2009 : i32
    %ne3A_2027 = arith.constant 0 : i32
    %ne3A_2028 = arith.cmpi ne, %rem3A_2026, %ne3A_2027 : i32
    %and3A_2029 = arith.andi %ne3A_2025, %ne3A_2028 : i1
    %sub3A_2030 = arith.constant 1 : i32
    %sub3A_2031 = arith.subi %div3A_2010, %sub3A_2030 : i32
    %select_n3A_2032 = arith.select %and3A_2029, %sub3A_2031, %div3A_2010 : i32
    %jit3A_2033 = arith.constant 16 : i32
    %eq3A_2034 = arith.constant 0 : i32
    %eq3A_2035 = arith.cmpi eq, %jit3A_2033, %eq3A_2034 : i32
    %jit3A_2036 = arith.constant 1 : i32
    %select_n3A_2037 = arith.select %eq3A_2035, %jit3A_2036, %jit3A_2033 : i32
    %rem3A_2038 = arith.remsi %add3A_2008, %select_n3A_2037 : i32
    %ne3A_2039 = arith.constant 0 : i32
    %ne3A_2040 = arith.cmpi ne, %rem3A_2038, %ne3A_2039 : i32
    %lt3A_2041 = arith.constant 0 : i32
    %lt3A_2042 = arith.cmpi slt, %rem3A_2038, %lt3A_2041 : i32
    %lt3A_2043 = arith.constant 0 : i32
    %lt3A_2044 = arith.cmpi slt, %select_n3A_2037, %lt3A_2043 : i32
    %ne3A_2045 = arith.xori %lt3A_2042, %lt3A_2044 : i1
    %and3A_2046 = arith.andi %ne3A_2045, %ne3A_2040 : i1
    %add3A_2047 = arith.addi %rem3A_2038, %select_n3A_2037 : i32
    %select_n3A_2048 = arith.select %and3A_2046, %add3A_2047, %rem3A_2038 : i32
    %dma_start3A_2049 = arith.constant 0 : i32
    %dma_start3A_2050 = arith.constant 0 : i32
    %dma_start3A_2051 = tpu.memref_slice %arg3[%select_n3A_2032, %select_n3A_2048, %dma_start3A_2049, %dma_start3A_2050] : memref<8x16x1x128xf32, #tpu.memory_space<hbm>> -> memref<1x1x1x128xf32, #tpu.memory_space<hbm>>
    %dma_start3A_2052 = tpu.memref_squeeze %dma_start3A_2051 : memref<1x1x1x128xf32, #tpu.memory_space<hbm>> -> memref<1x128xf32, #tpu.memory_space<hbm>>
    %dma_start3A_2053 = arith.constant 0 : i32
    %dma_start3A_2054 = arith.constant 0 : i32
    %dma_start3A_2055 = tpu.memref_slice %arg3[%select_n3A_2032, %select_n3A_2048, %dma_start3A_2053, %dma_start3A_2054] : memref<8x16x1x128xf32, #tpu.memory_space<hbm>> -> memref<1x1x1x128xf32, #tpu.memory_space<hbm>>
    %dma_start3A_2056 = tpu.memref_squeeze %dma_start3A_2055 : memref<1x1x1x128xf32, #tpu.memory_space<hbm>> -> memref<1x128xf32, #tpu.memory_space<hbm>>
    tpu.enqueue_dma source(%dma_start3A_2056 : memref<1x128xf32, #tpu.memory_space<hbm>>) target(%arg7 : memref<1x128xf32, #tpu.memory_space<vmem>>) target_semaphore(%arg11 : memref<!tpu.dma_semaphore, #tpu.memory_space<semaphore_mem>>)
    %dma_wait3A_2057 = arith.constant 0 : i32
    %dma_wait3A_2058 = arith.constant 0 : i32
    %dma_wait3A_2059 = tpu.memref_slice %arg3[%select_n3A_2032, %select_n3A_2048, %dma_wait3A_2057, %dma_wait3A_2058] : memref<8x16x1x128xf32, #tpu.memory_space<hbm>> -> memref<1x1x1x128xf32, #tpu.memory_space<hbm>>
    %dma_wait3A_2060 = tpu.memref_squeeze %dma_wait3A_2059 : memref<1x1x1x128xf32, #tpu.memory_space<hbm>> -> memref<1x128xf32, #tpu.memory_space<hbm>>
    %dma_wait3A_2061 = arith.constant 0 : i32
    %dma_wait3A_2062 = arith.constant 0 : i32
    %dma_wait3A_2063 = tpu.memref_slice %arg3[%select_n3A_2032, %select_n3A_2048, %dma_wait3A_2061, %dma_wait3A_2062] : memref<8x16x1x128xf32, #tpu.memory_space<hbm>> -> memref<1x1x1x128xf32, #tpu.memory_space<hbm>>
    %dma_wait3A_2064 = tpu.memref_squeeze %dma_wait3A_2063 : memref<1x1x1x128xf32, #tpu.memory_space<hbm>> -> memref<1x128xf32, #tpu.memory_space<hbm>>
    tpu.wait_dma2 semaphore(%arg11 : memref<!tpu.dma_semaphore, #tpu.memory_space<semaphore_mem>>) src(%dma_wait3A_2064 : memref<1x128xf32, #tpu.memory_space<hbm>>) dst(%arg7 : memref<1x128xf32, #tpu.memory_space<vmem>>)
    %dma_start3A_2065 = arith.constant 0 : i32
    %dma_start3A_2066 = arith.constant 0 : i32
    %dma_start3A_2067 = tpu.memref_slice %arg5[%select_n3A_2032, %select_n3A_2048, %dma_start3A_2065, %dma_start3A_2066] : memref<8x16x2048x128xf32, #tpu.memory_space<hbm>> -> memref<1x1x2048x128xf32, #tpu.memory_space<hbm>>
    %dma_start3A_2068 = tpu.memref_squeeze %dma_start3A_2067 : memref<1x1x2048x128xf32, #tpu.memory_space<hbm>> -> memref<2048x128xf32, #tpu.memory_space<hbm>>
    %dma_start3A_2069 = arith.constant 0 : i32
    %dma_start3A_2070 = arith.constant 0 : i32
    %dma_start3A_2071 = tpu.memref_slice %dma_start3A_2068[%dma_start3A_2069, %dma_start3A_2070] : memref<2048x128xf32, #tpu.memory_space<hbm>> -> memref<2048x128xf32, #tpu.memory_space<hbm>>
    tpu.enqueue_indirect_dma source(%arg7 : memref<1x128xf32, #tpu.memory_space<vmem>>) target(%dma_start3A_2071 : memref<2048x128xf32, #tpu.memory_space<hbm>>) offsets(%arg8 : memref<1xi32, #tpu.memory_space<vmem>>) semaphore(%arg11 : memref<!tpu.dma_semaphore, #tpu.memory_space<semaphore_mem>>)
    %dma_wait3A_2072 = arith.constant 0 : i32
    %dma_wait3A_2073 = arith.constant 0 : i32
    %dma_wait3A_2074 = tpu.memref_slice %arg5[%select_n3A_2032, %select_n3A_2048, %dma_wait3A_2072, %dma_wait3A_2073] : memref<8x16x2048x128xf32, #tpu.memory_space<hbm>> -> memref<1x1x2048x128xf32, #tpu.memory_space<hbm>>
    %dma_wait3A_2075 = tpu.memref_squeeze %dma_wait3A_2074 : memref<1x1x2048x128xf32, #tpu.memory_space<hbm>> -> memref<2048x128xf32, #tpu.memory_space<hbm>>
    %dma_wait3A_2076 = arith.constant 0 : i32
    %dma_wait3A_2077 = arith.constant 0 : i32
    %dma_wait3A_2078 = tpu.memref_slice %dma_wait3A_2075[%dma_wait3A_2076, %dma_wait3A_2077] : memref<2048x128xf32, #tpu.memory_space<hbm>> -> memref<2048x128xf32, #tpu.memory_space<hbm>>
    tpu.wait_indirect_dma semaphore(%arg11 : memref<!tpu.dma_semaphore, #tpu.memory_space<semaphore_mem>>) src(%arg7 : memref<1x128xf32, #tpu.memory_space<vmem>>) dst(%dma_wait3A_2078 : memref<2048x128xf32, #tpu.memory_space<hbm>>)
    %mul3A_2079 = arith.constant 4 : i32
    %mul3A_2080 = arith.muli %add3A, %mul3A_2079 : i32
    %add3A_2081 = arith.constant 1 : i32
    %add3A_2082 = arith.addi %mul3A_2080, %add3A_2081 : i32
    %jit3A_2083 = arith.constant 16 : i32
    %div3A_2084 = arith.divsi %add3A_2082, %jit3A_2083 : i32
    %sign3A_2085 = arith.constant 0 : i32
    %sign3A_2086 = arith.cmpi sgt, %add3A_2082, %sign3A_2085 : i32
    %sign3A_2087 = arith.extui %sign3A_2086 : i1 to i32
    %sign3A_2088 = arith.constant 0 : i32
    %sign3A_2089 = arith.cmpi slt, %add3A_2082, %sign3A_2088 : i32
    %sign3A_2090 = arith.extui %sign3A_2089 : i1 to i32
    %sign3A_2091 = arith.subi %sign3A_2087, %sign3A_2090 : i32
    %sign3A_2092 = arith.constant 0 : i32
    %sign3A_2093 = arith.cmpi sgt, %jit3A_2083, %sign3A_2092 : i32
    %sign3A_2094 = arith.extui %sign3A_2093 : i1 to i32
    %sign3A_2095 = arith.constant 0 : i32
    %sign3A_2096 = arith.cmpi slt, %jit3A_2083, %sign3A_2095 : i32
    %sign3A_2097 = arith.extui %sign3A_2096 : i1 to i32
    %sign3A_2098 = arith.subi %sign3A_2094, %sign3A_2097 : i32
    %ne3A_2099 = arith.cmpi ne, %sign3A_2091, %sign3A_2098 : i32
    %rem3A_2100 = arith.remsi %add3A_2082, %jit3A_2083 : i32
    %ne3A_2101 = arith.constant 0 : i32
    %ne3A_2102 = arith.cmpi ne, %rem3A_2100, %ne3A_2101 : i32
    %and3A_2103 = arith.andi %ne3A_2099, %ne3A_2102 : i1
    %sub3A_2104 = arith.constant 1 : i32
    %sub3A_2105 = arith.subi %div3A_2084, %sub3A_2104 : i32
    %select_n3A_2106 = arith.select %and3A_2103, %sub3A_2105, %div3A_2084 : i32
    %jit3A_2107 = arith.constant 16 : i32
    %eq3A_2108 = arith.constant 0 : i32
    %eq3A_2109 = arith.cmpi eq, %jit3A_2107, %eq3A_2108 : i32
    %jit3A_2110 = arith.constant 1 : i32
    %select_n3A_2111 = arith.select %eq3A_2109, %jit3A_2110, %jit3A_2107 : i32
    %rem3A_2112 = arith.remsi %add3A_2082, %select_n3A_2111 : i32
    %ne3A_2113 = arith.constant 0 : i32
    %ne3A_2114 = arith.cmpi ne, %rem3A_2112, %ne3A_2113 : i32
    %lt3A_2115 = arith.constant 0 : i32
    %lt3A_2116 = arith.cmpi slt, %rem3A_2112, %lt3A_2115 : i32
    %lt3A_2117 = arith.constant 0 : i32
    %lt3A_2118 = arith.cmpi slt, %select_n3A_2111, %lt3A_2117 : i32
    %ne3A_2119 = arith.xori %lt3A_2116, %lt3A_2118 : i1
    %and3A_2120 = arith.andi %ne3A_2119, %ne3A_2114 : i1
    %add3A_2121 = arith.addi %rem3A_2112, %select_n3A_2111 : i32
    %select_n3A_2122 = arith.select %and3A_2120, %add3A_2121, %rem3A_2112 : i32
    %dma_start3A_2123 = arith.constant 0 : i32
    %dma_start3A_2124 = arith.constant 0 : i32
    %dma_start3A_2125 = tpu.memref_slice %arg3[%select_n3A_2106, %select_n3A_2122, %dma_start3A_2123, %dma_start3A_2124] : memref<8x16x1x128xf32, #tpu.memory_space<hbm>> -> memref<1x1x1x128xf32, #tpu.memory_space<hbm>>
    %dma_start3A_2126 = tpu.memref_squeeze %dma_start3A_2125 : memref<1x1x1x128xf32, #tpu.memory_space<hbm>> -> memref<1x128xf32, #tpu.memory_space<hbm>>
    %dma_start3A_2127 = arith.constant 0 : i32
    %dma_start3A_2128 = arith.constant 0 : i32
    %dma_start3A_2129 = tpu.memref_slice %arg3[%select_n3A_2106, %select_n3A_2122, %dma_start3A_2127, %dma_start3A_2128] : memref<8x16x1x128xf32, #tpu.memory_space<hbm>> -> memref<1x1x1x128xf32, #tpu.memory_space<hbm>>
    %dma_start3A_2130 = tpu.memref_squeeze %dma_start3A_2129 : memref<1x1x1x128xf32, #tpu.memory_space<hbm>> -> memref<1x128xf32, #tpu.memory_space<hbm>>
    tpu.enqueue_dma source(%dma_start3A_2130 : memref<1x128xf32, #tpu.memory_space<hbm>>) target(%arg7 : memref<1x128xf32, #tpu.memory_space<vmem>>) target_semaphore(%arg11 : memref<!tpu.dma_semaphore, #tpu.memory_space<semaphore_mem>>)
    %dma_wait3A_2131 = arith.constant 0 : i32
    %dma_wait3A_2132 = arith.constant 0 : i32
    %dma_wait3A_2133 = tpu.memref_slice %arg3[%select_n3A_2106, %select_n3A_2122, %dma_wait3A_2131, %dma_wait3A_2132] : memref<8x16x1x128xf32, #tpu.memory_space<hbm>> -> memref<1x1x1x128xf32, #tpu.memory_space<hbm>>
    %dma_wait3A_2134 = tpu.memref_squeeze %dma_wait3A_2133 : memref<1x1x1x128xf32, #tpu.memory_space<hbm>> -> memref<1x128xf32, #tpu.memory_space<hbm>>
    %dma_wait3A_2135 = arith.constant 0 : i32
    %dma_wait3A_2136 = arith.constant 0 : i32
    %dma_wait3A_2137 = tpu.memref_slice %arg3[%select_n3A_2106, %select_n3A_2122, %dma_wait3A_2135, %dma_wait3A_2136] : memref<8x16x1x128xf32, #tpu.memory_space<hbm>> -> memref<1x1x1x128xf32, #tpu.memory_space<hbm>>
    %dma_wait3A_2138 = tpu.memref_squeeze %dma_wait3A_2137 : memref<1x1x1x128xf32, #tpu.memory_space<hbm>> -> memref<1x128xf32, #tpu.memory_space<hbm>>
    tpu.wait_dma2 semaphore(%arg11 : memref<!tpu.dma_semaphore, #tpu.memory_space<semaphore_mem>>) src(%dma_wait3A_2138 : memref<1x128xf32, #tpu.memory_space<hbm>>) dst(%arg7 : memref<1x128xf32, #tpu.memory_space<vmem>>)
    %dma_start3A_2139 = arith.constant 0 : i32
    %dma_start3A_2140 = arith.constant 0 : i32
    %dma_start3A_2141 = tpu.memref_slice %arg5[%select_n3A_2106, %select_n3A_2122, %dma_start3A_2139, %dma_start3A_2140] : memref<8x16x2048x128xf32, #tpu.memory_space<hbm>> -> memref<1x1x2048x128xf32, #tpu.memory_space<hbm>>
    %dma_start3A_2142 = tpu.memref_squeeze %dma_start3A_2141 : memref<1x1x2048x128xf32, #tpu.memory_space<hbm>> -> memref<2048x128xf32, #tpu.memory_space<hbm>>
    %dma_start3A_2143 = arith.constant 0 : i32
    %dma_start3A_2144 = arith.constant 0 : i32
    %dma_start3A_2145 = tpu.memref_slice %dma_start3A_2142[%dma_start3A_2143, %dma_start3A_2144] : memref<2048x128xf32, #tpu.memory_space<hbm>> -> memref<2048x128xf32, #tpu.memory_space<hbm>>
    tpu.enqueue_indirect_dma source(%arg7 : memref<1x128xf32, #tpu.memory_space<vmem>>) target(%dma_start3A_2145 : memref<2048x128xf32, #tpu.memory_space<hbm>>) offsets(%arg8 : memref<1xi32, #tpu.memory_space<vmem>>) semaphore(%arg11 : memref<!tpu.dma_semaphore, #tpu.memory_space<semaphore_mem>>)
    %dma_wait3A_2146 = arith.constant 0 : i32
    %dma_wait3A_2147 = arith.constant 0 : i32
    %dma_wait3A_2148 = tpu.memref_slice %arg5[%select_n3A_2106, %select_n3A_2122, %dma_wait3A_2146, %dma_wait3A_2147] : memref<8x16x2048x128xf32, #tpu.memory_space<hbm>> -> memref<1x1x2048x128xf32, #tpu.memory_space<hbm>>
    %dma_wait3A_2149 = tpu.memref_squeeze %dma_wait3A_2148 : memref<1x1x2048x128xf32, #tpu.memory_space<hbm>> -> memref<2048x128xf32, #tpu.memory_space<hbm>>
    %dma_wait3A_2150 = arith.constant 0 : i32
    %dma_wait3A_2151 = arith.constant 0 : i32
    %dma_wait3A_2152 = tpu.memref_slice %dma_wait3A_2149[%dma_wait3A_2150, %dma_wait3A_2151] : memref<2048x128xf32, #tpu.memory_space<hbm>> -> memref<2048x128xf32, #tpu.memory_space<hbm>>
    tpu.wait_indirect_dma semaphore(%arg11 : memref<!tpu.dma_semaphore, #tpu.memory_space<semaphore_mem>>) src(%arg7 : memref<1x128xf32, #tpu.memory_space<vmem>>) dst(%dma_wait3A_2152 : memref<2048x128xf32, #tpu.memory_space<hbm>>)
    %mul3A_2153 = arith.constant 4 : i32
    %mul3A_2154 = arith.muli %add3A, %mul3A_2153 : i32
    %add3A_2155 = arith.constant 2 : i32
    %add3A_2156 = arith.addi %mul3A_2154, %add3A_2155 : i32
    %jit3A_2157 = arith.constant 16 : i32
    %div3A_2158 = arith.divsi %add3A_2156, %jit3A_2157 : i32
    %sign3A_2159 = arith.constant 0 : i32
    %sign3A_2160 = arith.cmpi sgt, %add3A_2156, %sign3A_2159 : i32
    %sign3A_2161 = arith.extui %sign3A_2160 : i1 to i32
    %sign3A_2162 = arith.constant 0 : i32
    %sign3A_2163 = arith.cmpi slt, %add3A_2156, %sign3A_2162 : i32
    %sign3A_2164 = arith.extui %sign3A_2163 : i1 to i32
    %sign3A_2165 = arith.subi %sign3A_2161, %sign3A_2164 : i32
    %sign3A_2166 = arith.constant 0 : i32
    %sign3A_2167 = arith.cmpi sgt, %jit3A_2157, %sign3A_2166 : i32
    %sign3A_2168 = arith.extui %sign3A_2167 : i1 to i32
    %sign3A_2169 = arith.constant 0 : i32
    %sign3A_2170 = arith.cmpi slt, %jit3A_2157, %sign3A_2169 : i32
    %sign3A_2171 = arith.extui %sign3A_2170 : i1 to i32
    %sign3A_2172 = arith.subi %sign3A_2168, %sign3A_2171 : i32
    %ne3A_2173 = arith.cmpi ne, %sign3A_2165, %sign3A_2172 : i32
    %rem3A_2174 = arith.remsi %add3A_2156, %jit3A_2157 : i32
    %ne3A_2175 = arith.constant 0 : i32
    %ne3A_2176 = arith.cmpi ne, %rem3A_2174, %ne3A_2175 : i32
    %and3A_2177 = arith.andi %ne3A_2173, %ne3A_2176 : i1
    %sub3A_2178 = arith.constant 1 : i32
    %sub3A_2179 = arith.subi %div3A_2158, %sub3A_2178 : i32
    %select_n3A_2180 = arith.select %and3A_2177, %sub3A_2179, %div3A_2158 : i32
    %jit3A_2181 = arith.constant 16 : i32
    %eq3A_2182 = arith.constant 0 : i32
    %eq3A_2183 = arith.cmpi eq, %jit3A_2181, %eq3A_2182 : i32
    %jit3A_2184 = arith.constant 1 : i32
    %select_n3A_2185 = arith.select %eq3A_2183, %jit3A_2184, %jit3A_2181 : i32
    %rem3A_2186 = arith.remsi %add3A_2156, %select_n3A_2185 : i32
    %ne3A_2187 = arith.constant 0 : i32
    %ne3A_2188 = arith.cmpi ne, %rem3A_2186, %ne3A_2187 : i32
    %lt3A_2189 = arith.constant 0 : i32
    %lt3A_2190 = arith.cmpi slt, %rem3A_2186, %lt3A_2189 : i32
    %lt3A_2191 = arith.constant 0 : i32
    %lt3A_2192 = arith.cmpi slt, %select_n3A_2185, %lt3A_2191 : i32
    %ne3A_2193 = arith.xori %lt3A_2190, %lt3A_2192 : i1
    %and3A_2194 = arith.andi %ne3A_2193, %ne3A_2188 : i1
    %add3A_2195 = arith.addi %rem3A_2186, %select_n3A_2185 : i32
    %select_n3A_2196 = arith.select %and3A_2194, %add3A_2195, %rem3A_2186 : i32
    %dma_start3A_2197 = arith.constant 0 : i32
    %dma_start3A_2198 = arith.constant 0 : i32
    %dma_start3A_2199 = tpu.memref_slice %arg3[%select_n3A_2180, %select_n3A_2196, %dma_start3A_2197, %dma_start3A_2198] : memref<8x16x1x128xf32, #tpu.memory_space<hbm>> -> memref<1x1x1x128xf32, #tpu.memory_space<hbm>>
    %dma_start3A_2200 = tpu.memref_squeeze %dma_start3A_2199 : memref<1x1x1x128xf32, #tpu.memory_space<hbm>> -> memref<1x128xf32, #tpu.memory_space<hbm>>
    %dma_start3A_2201 = arith.constant 0 : i32
    %dma_start3A_2202 = arith.constant 0 : i32
    %dma_start3A_2203 = tpu.memref_slice %arg3[%select_n3A_2180, %select_n3A_2196, %dma_start3A_2201, %dma_start3A_2202] : memref<8x16x1x128xf32, #tpu.memory_space<hbm>> -> memref<1x1x1x128xf32, #tpu.memory_space<hbm>>
    %dma_start3A_2204 = tpu.memref_squeeze %dma_start3A_2203 : memref<1x1x1x128xf32, #tpu.memory_space<hbm>> -> memref<1x128xf32, #tpu.memory_space<hbm>>
    tpu.enqueue_dma source(%dma_start3A_2204 : memref<1x128xf32, #tpu.memory_space<hbm>>) target(%arg7 : memref<1x128xf32, #tpu.memory_space<vmem>>) target_semaphore(%arg11 : memref<!tpu.dma_semaphore, #tpu.memory_space<semaphore_mem>>)
    %dma_wait3A_2205 = arith.constant 0 : i32
    %dma_wait3A_2206 = arith.constant 0 : i32
    %dma_wait3A_2207 = tpu.memref_slice %arg3[%select_n3A_2180, %select_n3A_2196, %dma_wait3A_2205, %dma_wait3A_2206] : memref<8x16x1x128xf32, #tpu.memory_space<hbm>> -> memref<1x1x1x128xf32, #tpu.memory_space<hbm>>
    %dma_wait3A_2208 = tpu.memref_squeeze %dma_wait3A_2207 : memref<1x1x1x128xf32, #tpu.memory_space<hbm>> -> memref<1x128xf32, #tpu.memory_space<hbm>>
    %dma_wait3A_2209 = arith.constant 0 : i32
    %dma_wait3A_2210 = arith.constant 0 : i32
    %dma_wait3A_2211 = tpu.memref_slice %arg3[%select_n3A_2180, %select_n3A_2196, %dma_wait3A_2209, %dma_wait3A_2210] : memref<8x16x1x128xf32, #tpu.memory_space<hbm>> -> memref<1x1x1x128xf32, #tpu.memory_space<hbm>>
    %dma_wait3A_2212 = tpu.memref_squeeze %dma_wait3A_2211 : memref<1x1x1x128xf32, #tpu.memory_space<hbm>> -> memref<1x128xf32, #tpu.memory_space<hbm>>
    tpu.wait_dma2 semaphore(%arg11 : memref<!tpu.dma_semaphore, #tpu.memory_space<semaphore_mem>>) src(%dma_wait3A_2212 : memref<1x128xf32, #tpu.memory_space<hbm>>) dst(%arg7 : memref<1x128xf32, #tpu.memory_space<vmem>>)
    %dma_start3A_2213 = arith.constant 0 : i32
    %dma_start3A_2214 = arith.constant 0 : i32
    %dma_start3A_2215 = tpu.memref_slice %arg5[%select_n3A_2180, %select_n3A_2196, %dma_start3A_2213, %dma_start3A_2214] : memref<8x16x2048x128xf32, #tpu.memory_space<hbm>> -> memref<1x1x2048x128xf32, #tpu.memory_space<hbm>>
    %dma_start3A_2216 = tpu.memref_squeeze %dma_start3A_2215 : memref<1x1x2048x128xf32, #tpu.memory_space<hbm>> -> memref<2048x128xf32, #tpu.memory_space<hbm>>
    %dma_start3A_2217 = arith.constant 0 : i32
    %dma_start3A_2218 = arith.constant 0 : i32
    %dma_start3A_2219 = tpu.memref_slice %dma_start3A_2216[%dma_start3A_2217, %dma_start3A_2218] : memref<2048x128xf32, #tpu.memory_space<hbm>> -> memref<2048x128xf32, #tpu.memory_space<hbm>>
    tpu.enqueue_indirect_dma source(%arg7 : memref<1x128xf32, #tpu.memory_space<vmem>>) target(%dma_start3A_2219 : memref<2048x128xf32, #tpu.memory_space<hbm>>) offsets(%arg8 : memref<1xi32, #tpu.memory_space<vmem>>) semaphore(%arg11 : memref<!tpu.dma_semaphore, #tpu.memory_space<semaphore_mem>>)
    %dma_wait3A_2220 = arith.constant 0 : i32
    %dma_wait3A_2221 = arith.constant 0 : i32
    %dma_wait3A_2222 = tpu.memref_slice %arg5[%select_n3A_2180, %select_n3A_2196, %dma_wait3A_2220, %dma_wait3A_2221] : memref<8x16x2048x128xf32, #tpu.memory_space<hbm>> -> memref<1x1x2048x128xf32, #tpu.memory_space<hbm>>
    %dma_wait3A_2223 = tpu.memref_squeeze %dma_wait3A_2222 : memref<1x1x2048x128xf32, #tpu.memory_space<hbm>> -> memref<2048x128xf32, #tpu.memory_space<hbm>>
    %dma_wait3A_2224 = arith.constant 0 : i32
    %dma_wait3A_2225 = arith.constant 0 : i32
    %dma_wait3A_2226 = tpu.memref_slice %dma_wait3A_2223[%dma_wait3A_2224, %dma_wait3A_2225] : memref<2048x128xf32, #tpu.memory_space<hbm>> -> memref<2048x128xf32, #tpu.memory_space<hbm>>
    tpu.wait_indirect_dma semaphore(%arg11 : memref<!tpu.dma_semaphore, #tpu.memory_space<semaphore_mem>>) src(%arg7 : memref<1x128xf32, #tpu.memory_space<vmem>>) dst(%dma_wait3A_2226 : memref<2048x128xf32, #tpu.memory_space<hbm>>)
    %mul3A_2227 = arith.constant 4 : i32
    %mul3A_2228 = arith.muli %add3A, %mul3A_2227 : i32
    %add3A_2229 = arith.constant 3 : i32
    %add3A_2230 = arith.addi %mul3A_2228, %add3A_2229 : i32
    %jit3A_2231 = arith.constant 16 : i32
    %div3A_2232 = arith.divsi %add3A_2230, %jit3A_2231 : i32
    %sign3A_2233 = arith.constant 0 : i32
    %sign3A_2234 = arith.cmpi sgt, %add3A_2230, %sign3A_2233 : i32
    %sign3A_2235 = arith.extui %sign3A_2234 : i1 to i32
    %sign3A_2236 = arith.constant 0 : i32
    %sign3A_2237 = arith.cmpi slt, %add3A_2230, %sign3A_2236 : i32
    %sign3A_2238 = arith.extui %sign3A_2237 : i1 to i32
    %sign3A_2239 = arith.subi %sign3A_2235, %sign3A_2238 : i32
    %sign3A_2240 = arith.constant 0 : i32
    %sign3A_2241 = arith.cmpi sgt, %jit3A_2231, %sign3A_2240 : i32
    %sign3A_2242 = arith.extui %sign3A_2241 : i1 to i32
    %sign3A_2243 = arith.constant 0 : i32
    %sign3A_2244 = arith.cmpi slt, %jit3A_2231, %sign3A_2243 : i32
    %sign3A_2245 = arith.extui %sign3A_2244 : i1 to i32
    %sign3A_2246 = arith.subi %sign3A_2242, %sign3A_2245 : i32
    %ne3A_2247 = arith.cmpi ne, %sign3A_2239, %sign3A_2246 : i32
    %rem3A_2248 = arith.remsi %add3A_2230, %jit3A_2231 : i32
    %ne3A_2249 = arith.constant 0 : i32
    %ne3A_2250 = arith.cmpi ne, %rem3A_2248, %ne3A_2249 : i32
    %and3A_2251 = arith.andi %ne3A_2247, %ne3A_2250 : i1
    %sub3A_2252 = arith.constant 1 : i32
    %sub3A_2253 = arith.subi %div3A_2232, %sub3A_2252 : i32
    %select_n3A_2254 = arith.select %and3A_2251, %sub3A_2253, %div3A_2232 : i32
    %jit3A_2255 = arith.constant 16 : i32
    %eq3A_2256 = arith.constant 0 : i32
    %eq3A_2257 = arith.cmpi eq, %jit3A_2255, %eq3A_2256 : i32
    %jit3A_2258 = arith.constant 1 : i32
    %select_n3A_2259 = arith.select %eq3A_2257, %jit3A_2258, %jit3A_2255 : i32
    %rem3A_2260 = arith.remsi %add3A_2230, %select_n3A_2259 : i32
    %ne3A_2261 = arith.constant 0 : i32
    %ne3A_2262 = arith.cmpi ne, %rem3A_2260, %ne3A_2261 : i32
    %lt3A_2263 = arith.constant 0 : i32
    %lt3A_2264 = arith.cmpi slt, %rem3A_2260, %lt3A_2263 : i32
    %lt3A_2265 = arith.constant 0 : i32
    %lt3A_2266 = arith.cmpi slt, %select_n3A_2259, %lt3A_2265 : i32
    %ne3A_2267 = arith.xori %lt3A_2264, %lt3A_2266 : i1
    %and3A_2268 = arith.andi %ne3A_2267, %ne3A_2262 : i1
    %add3A_2269 = arith.addi %rem3A_2260, %select_n3A_2259 : i32
    %select_n3A_2270 = arith.select %and3A_2268, %add3A_2269, %rem3A_2260 : i32
    %dma_start3A_2271 = arith.constant 0 : i32
    %dma_start3A_2272 = arith.constant 0 : i32
    %dma_start3A_2273 = tpu.memref_slice %arg3[%select_n3A_2254, %select_n3A_2270, %dma_start3A_2271, %dma_start3A_2272] : memref<8x16x1x128xf32, #tpu.memory_space<hbm>> -> memref<1x1x1x128xf32, #tpu.memory_space<hbm>>
    %dma_start3A_2274 = tpu.memref_squeeze %dma_start3A_2273 : memref<1x1x1x128xf32, #tpu.memory_space<hbm>> -> memref<1x128xf32, #tpu.memory_space<hbm>>
    %dma_start3A_2275 = arith.constant 0 : i32
    %dma_start3A_2276 = arith.constant 0 : i32
    %dma_start3A_2277 = tpu.memref_slice %arg3[%select_n3A_2254, %select_n3A_2270, %dma_start3A_2275, %dma_start3A_2276] : memref<8x16x1x128xf32, #tpu.memory_space<hbm>> -> memref<1x1x1x128xf32, #tpu.memory_space<hbm>>
    %dma_start3A_2278 = tpu.memref_squeeze %dma_start3A_2277 : memref<1x1x1x128xf32, #tpu.memory_space<hbm>> -> memref<1x128xf32, #tpu.memory_space<hbm>>
    tpu.enqueue_dma source(%dma_start3A_2278 : memref<1x128xf32, #tpu.memory_space<hbm>>) target(%arg7 : memref<1x128xf32, #tpu.memory_space<vmem>>) target_semaphore(%arg11 : memref<!tpu.dma_semaphore, #tpu.memory_space<semaphore_mem>>)
    %dma_wait3A_2279 = arith.constant 0 : i32
    %dma_wait3A_2280 = arith.constant 0 : i32
    %dma_wait3A_2281 = tpu.memref_slice %arg3[%select_n3A_2254, %select_n3A_2270, %dma_wait3A_2279, %dma_wait3A_2280] : memref<8x16x1x128xf32, #tpu.memory_space<hbm>> -> memref<1x1x1x128xf32, #tpu.memory_space<hbm>>
    %dma_wait3A_2282 = tpu.memref_squeeze %dma_wait3A_2281 : memref<1x1x1x128xf32, #tpu.memory_space<hbm>> -> memref<1x128xf32, #tpu.memory_space<hbm>>
    %dma_wait3A_2283 = arith.constant 0 : i32
    %dma_wait3A_2284 = arith.constant 0 : i32
    %dma_wait3A_2285 = tpu.memref_slice %arg3[%select_n3A_2254, %select_n3A_2270, %dma_wait3A_2283, %dma_wait3A_2284] : memref<8x16x1x128xf32, #tpu.memory_space<hbm>> -> memref<1x1x1x128xf32, #tpu.memory_space<hbm>>
    %dma_wait3A_2286 = tpu.memref_squeeze %dma_wait3A_2285 : memref<1x1x1x128xf32, #tpu.memory_space<hbm>> -> memref<1x128xf32, #tpu.memory_space<hbm>>
    tpu.wait_dma2 semaphore(%arg11 : memref<!tpu.dma_semaphore, #tpu.memory_space<semaphore_mem>>) src(%dma_wait3A_2286 : memref<1x128xf32, #tpu.memory_space<hbm>>) dst(%arg7 : memref<1x128xf32, #tpu.memory_space<vmem>>)
    %dma_start3A_2287 = arith.constant 0 : i32
    %dma_start3A_2288 = arith.constant 0 : i32
    %dma_start3A_2289 = tpu.memref_slice %arg5[%select_n3A_2254, %select_n3A_2270, %dma_start3A_2287, %dma_start3A_2288] : memref<8x16x2048x128xf32, #tpu.memory_space<hbm>> -> memref<1x1x2048x128xf32, #tpu.memory_space<hbm>>
    %dma_start3A_2290 = tpu.memref_squeeze %dma_start3A_2289 : memref<1x1x2048x128xf32, #tpu.memory_space<hbm>> -> memref<2048x128xf32, #tpu.memory_space<hbm>>
    %dma_start3A_2291 = arith.constant 0 : i32
    %dma_start3A_2292 = arith.constant 0 : i32
    %dma_start3A_2293 = tpu.memref_slice %dma_start3A_2290[%dma_start3A_2291, %dma_start3A_2292] : memref<2048x128xf32, #tpu.memory_space<hbm>> -> memref<2048x128xf32, #tpu.memory_space<hbm>>
    tpu.enqueue_indirect_dma source(%arg7 : memref<1x128xf32, #tpu.memory_space<vmem>>) target(%dma_start3A_2293 : memref<2048x128xf32, #tpu.memory_space<hbm>>) offsets(%arg8 : memref<1xi32, #tpu.memory_space<vmem>>) semaphore(%arg11 : memref<!tpu.dma_semaphore, #tpu.memory_space<semaphore_mem>>)
    %dma_wait3A_2294 = arith.constant 0 : i32
    %dma_wait3A_2295 = arith.constant 0 : i32
    %dma_wait3A_2296 = tpu.memref_slice %arg5[%select_n3A_2254, %select_n3A_2270, %dma_wait3A_2294, %dma_wait3A_2295] : memref<8x16x2048x128xf32, #tpu.memory_space<hbm>> -> memref<1x1x2048x128xf32, #tpu.memory_space<hbm>>
    %dma_wait3A_2297 = tpu.memref_squeeze %dma_wait3A_2296 : memref<1x1x2048x128xf32, #tpu.memory_space<hbm>> -> memref<2048x128xf32, #tpu.memory_space<hbm>>
    %dma_wait3A_2298 = arith.constant 0 : i32
    %dma_wait3A_2299 = arith.constant 0 : i32
    %dma_wait3A_2300 = tpu.memref_slice %dma_wait3A_2297[%dma_wait3A_2298, %dma_wait3A_2299] : memref<2048x128xf32, #tpu.memory_space<hbm>> -> memref<2048x128xf32, #tpu.memory_space<hbm>>
    tpu.wait_indirect_dma semaphore(%arg11 : memref<!tpu.dma_semaphore, #tpu.memory_space<semaphore_mem>>) src(%arg7 : memref<1x128xf32, #tpu.memory_space<vmem>>) dst(%dma_wait3A_2300 : memref<2048x128xf32, #tpu.memory_space<hbm>>)
    return
  }
}

module attributes {stable_mosaic.version = 14 : i64} {
  func.func @_tc_copy_body(%arg0: i32, %arg1: i32, %arg2: memref<1xi32, #tpu.memory_space<smem>>, %arg3: memref<1x8x1x128xf32, #tpu.memory_space<vmem>>, %arg4: memref<1x8x2048x128xf32, #tpu.memory_space<vmem>>, %arg5: memref<1x8x2048x128xf32, #tpu.memory_space<vmem>>) attributes {dimension_semantics = [#tpu.dimension_semantics<parallel>, #tpu.dimension_semantics<parallel>], iteration_bounds = array<i64: 8, 2>, scalar_prefetch = 0 : i64, scratch_operands = 0 : i64, tpu.core_type = #tpu.core_type<tc>, window_params = [{transform_indices = @transform_0, window_bounds = array<i64: 1>}, {transform_indices = @transform_1, window_bounds = array<i64: 1, 8, 1, 128>}, {transform_indices = @transform_2, window_bounds = array<i64: 1, 8, 2048, 128>}, {transform_indices = @transform_3, window_bounds = array<i64: 1, 8, 2048, 128>}]} {
    %get3A = arith.constant 0 : index
    %get3A_0 = arith.constant 0 : index
    %get3A_1 = arith.constant 0 : index
    %get3A_2 = arith.constant 0 : index
    %get3A_3 = vector.load %arg4[%get3A, %get3A_0, %get3A_1, %get3A_2] : memref<1x8x2048x128xf32, #tpu.memory_space<vmem>>, vector<1x8x2048x128xf32>
    %swap3A = arith.constant 0 : index
    %swap3A_4 = arith.constant 0 : index
    %swap3A_5 = arith.constant 0 : index
    %swap3A_6 = arith.constant 0 : index
    %swap3A_7 = vector.load %arg5[%swap3A, %swap3A_4, %swap3A_5, %swap3A_6] : memref<1x8x2048x128xf32, #tpu.memory_space<vmem>>, vector<1x8x2048x128xf32>
    tpu.vector_store %arg5[%swap3A, %swap3A_4, %swap3A_5, %swap3A_6], %get3A_3 {strides = array<i32>} : memref<1x8x2048x128xf32, #tpu.memory_space<vmem>>, vector<1x8x2048x128xf32>,
    %get3A_8 = arith.constant 0 : index
    %get3A_9 = memref.load %arg2[%get3A_8] : memref<1xi32, #tpu.memory_space<smem>>
    %add3A = arith.constant 1 : i32
    %add3A_10 = arith.addi %get3A_9, %add3A : i32
    %get3A_11 = arith.constant 0 : index
    %get3A_12 = arith.constant 0 : index
    %get3A_13 = arith.constant 0 : index
    %get3A_14 = arith.constant 0 : index
    %get3A_15 = vector.load %arg3[%get3A_11, %get3A_12, %get3A_13, %get3A_14] : memref<1x8x1x128xf32, #tpu.memory_space<vmem>>, vector<1x8x1x128xf32>
    %get3A_16 = vector.shape_cast %get3A_15 : vector<1x8x1x128xf32> to vector<8x1x128xf32>
    %swap3A_17 = arith.constant 0 : index
    %swap3A_18 = arith.constant 0 : index
    %swap3A_19 = arith.index_cast %add3A_10 : i32 to index
    %swap3A_20 = arith.constant 0 : index
    %swap3A_21 = vector.load %arg5[%swap3A_17, %swap3A_18, %swap3A_19, %swap3A_20] : memref<1x8x2048x128xf32, #tpu.memory_space<vmem>>, vector<1x8x1x128xf32>
    %swap3A_22 = vector.shape_cast %swap3A_21 : vector<1x8x1x128xf32> to vector<8x1x128xf32>
    %swap3A_23 = vector.shape_cast %get3A_16 : vector<8x1x128xf32> to vector<1x8x1x128xf32>
    tpu.vector_store %arg5[%swap3A_17, %swap3A_18, %swap3A_19, %swap3A_20], %swap3A_23 {strides = array<i32>} : memref<1x8x2048x128xf32, #tpu.memory_space<vmem>>, vector<1x8x1x128xf32>,
    return
  }
  func.func @transform_0(%arg0: i32, %arg1: i32) -> i32 {
    %c0_i32 = arith.constant 0 : i32
    %c0_i32_0 = arith.constant 0 : i32
    return %c0_i32 : i32
  }
  func.func @transform_1(%arg0: i32, %arg1: i32) -> (i32, i32, i32, i32) {
    %c0_i32 = arith.constant 0 : i32
    %c0_i32_0 = arith.constant 0 : i32
    %c0_i32_1 = arith.constant 0 : i32
    return %arg0, %arg1, %c0_i32, %c0_i32_0 : i32, i32, i32, i32
  }
  func.func @transform_2(%arg0: i32, %arg1: i32) -> (i32, i32, i32, i32) {
    %c0_i32 = arith.constant 0 : i32
    %c0_i32_0 = arith.constant 0 : i32
    %c0_i32_1 = arith.constant 0 : i32
    return %arg0, %arg1, %c0_i32, %c0_i32_0 : i32, i32, i32, i32
  }
  func.func @transform_3(%arg0: i32, %arg1: i32) -> (i32, i32, i32, i32) {
    %c0_i32 = arith.constant 0 : i32
    %c0_i32_0 = arith.constant 0 : i32
    %c0_i32_1 = arith.constant 0 : i32
    return %arg0, %arg1, %c0_i32, %c0_i32_0 : i32, i32, i32, i32
  }
}

module attributes {stable_mosaic.version = 14 : i64} {
  func.func @_tc_finish_body(%arg0: i32, %arg1: i32, %arg2: memref<1xi32, #tpu.memory_space<smem>>, %arg3: memref<1x16x1x128xf32, #tpu.memory_space<vmem>>, %arg4: memref<1x16x256x128xf32, #tpu.memory_space<vmem>>, %arg5: memref<8x16x2048x128xf32, #tpu.memory_space<hbm>>, %arg6: memref<1x16x256x128xf32, #tpu.memory_space<vmem>>) attributes {dimension_semantics = [#tpu.dimension_semantics<parallel>, #tpu.dimension_semantics<parallel>], iteration_bounds = array<i64: 8, 5>, scalar_prefetch = 0 : i64, scratch_operands = 0 : i64, tpu.core_type = #tpu.core_type<tc>, window_params = [{transform_indices = @transform_0, window_bounds = array<i64: 1>}, {transform_indices = @transform_1, window_bounds = array<i64: 1, 16, 1, 128>}, {transform_indices = @transform_2, window_bounds = array<i64: 1, 16, 256, 128>}, {}, {transform_indices = @transform_4, window_bounds = array<i64: 1, 16, 256, 128>}]} {
    %get3A = arith.constant 0 : index
    %get3A_0 = arith.constant 0 : index
    %get3A_1 = arith.constant 0 : index
    %get3A_2 = arith.constant 0 : index
    %get3A_3 = vector.load %arg4[%get3A, %get3A_0, %get3A_1, %get3A_2] : memref<1x16x256x128xf32, #tpu.memory_space<vmem>>, vector<1x16x256x128xf32>
    %swap3A = arith.constant 0 : index
    %swap3A_4 = arith.constant 0 : index
    %swap3A_5 = arith.constant 0 : index
    %swap3A_6 = arith.constant 0 : index
    %swap3A_7 = vector.load %arg6[%swap3A, %swap3A_4, %swap3A_5, %swap3A_6] : memref<1x16x256x128xf32, #tpu.memory_space<vmem>>, vector<1x16x256x128xf32>
    tpu.vector_store %arg6[%swap3A, %swap3A_4, %swap3A_5, %swap3A_6], %get3A_3 {strides = array<i32>} : memref<1x16x256x128xf32, #tpu.memory_space<vmem>>, vector<1x16x256x128xf32>,
    %get3A_8 = arith.constant 0 : index
    %get3A_9 = memref.load %arg2[%get3A_8] : memref<1xi32, #tpu.memory_space<smem>>
    %add3A = arith.constant 1 : i32
    %add3A_10 = arith.addi %get3A_9, %add3A : i32
    %mul3A = arith.constant 256 : i32
    %mul3A_11 = arith.muli %arg1, %mul3A : i32
    %add3A_12 = arith.constant 768 : i32
    %add3A_13 = arith.addi %add3A_12, %mul3A_11 : i32
    %ge3A = arith.cmpi sge, %add3A_10, %add3A_13 : i32
    %add3A_14 = arith.constant 256 : i32
    %add3A_15 = arith.addi %add3A_13, %add3A_14 : i32
    %lt3A = arith.cmpi slt, %add3A_10, %add3A_15 : i32
    %and3A = arith.andi %ge3A, %lt3A : i1
    %convert_element_type3A = arith.extui %and3A : i1 to i32
    %cond3A = arith.constant 0 : i32
    %cond3A_16 = arith.cmpi ne, %convert_element_type3A, %cond3A : i32
    scf.if %cond3A_16 {
      %get3A_17 = arith.constant 0 : index
      %get3A_18 = arith.constant 0 : index
      %get3A_19 = arith.constant 0 : index
      %get3A_20 = arith.constant 0 : index
      %get3A_21 = vector.load %arg3[%get3A_17, %get3A_18, %get3A_19, %get3A_20] : memref<1x16x1x128xf32, #tpu.memory_space<vmem>>, vector<1x16x1x128xf32>
      %get3A_22 = vector.shape_cast %get3A_21 : vector<1x16x1x128xf32> to vector<16x1x128xf32>
      %sub3A = arith.subi %add3A_10, %add3A_13 : i32
      %swap3A_23 = arith.constant 0 : index
      %swap3A_24 = arith.constant 0 : index
      %swap3A_25 = arith.index_cast %sub3A : i32 to index
      %swap3A_26 = arith.constant 0 : index
      %swap3A_27 = vector.load %arg6[%swap3A_23, %swap3A_24, %swap3A_25, %swap3A_26] : memref<1x16x256x128xf32, #tpu.memory_space<vmem>>, vector<1x16x1x128xf32>
      %swap3A_28 = vector.shape_cast %swap3A_27 : vector<1x16x1x128xf32> to vector<16x1x128xf32>
      %swap3A_29 = vector.shape_cast %get3A_22 : vector<16x1x128xf32> to vector<1x16x1x128xf32>
      tpu.vector_store %arg6[%swap3A_23, %swap3A_24, %swap3A_25, %swap3A_26], %swap3A_29 {strides = array<i32>} : memref<1x16x256x128xf32, #tpu.memory_space<vmem>>, vector<1x16x1x128xf32>,
    } else {
    }
    return
  }
  func.func @transform_0(%arg0: i32, %arg1: i32) -> i32 {
    %c0_i32 = arith.constant 0 : i32
    %c0_i32_0 = arith.constant 0 : i32
    return %c0_i32 : i32
  }
  func.func @transform_1(%arg0: i32, %arg1: i32) -> (i32, i32, i32, i32) {
    %c0_i32 = arith.constant 0 : i32
    %c0_i32_0 = arith.constant 0 : i32
    %c0_i32_1 = arith.constant 0 : i32
    %c0_i32_2 = arith.constant 0 : i32
    return %arg0, %c0_i32, %c0_i32_0, %c0_i32_1 : i32, i32, i32, i32
  }
  func.func @transform_2(%arg0: i32, %arg1: i32) -> (i32, i32, i32, i32) {
    %add3A = arith.constant 3 : i32
    %add3A_0 = arith.addi %arg1, %add3A : i32
    %c0_i32 = arith.constant 0 : i32
    %c0_i32_1 = arith.constant 0 : i32
    %c0_i32_2 = arith.constant 0 : i32
    return %arg0, %c0_i32, %add3A_0, %c0_i32_1 : i32, i32, i32, i32
  }
  func.func @transform_4(%arg0: i32, %arg1: i32) -> (i32, i32, i32, i32) {
    %add3A = arith.constant 3 : i32
    %add3A_0 = arith.addi %arg1, %add3A : i32
    %c0_i32 = arith.constant 0 : i32
    %c0_i32_1 = arith.constant 0 : i32
    %c0_i32_2 = arith.constant 0 : i32
    return %arg0, %c0_i32, %add3A_0, %c0_i32_1 : i32, i32, i32, i32
  }
}

</mosaic_0001>

<sc_bundles>
// kernel: kernel.5.cloned.1.call-start
scs
__scs_entry_jumppad:
0x0: {  	(pc) =	sbr.rel $0x88, $3  }
0x1: {  	(tag) =	ssettag $0x0;
	lr =	simm.s32 $0x1  }
0x2: {  	[smem:$0x3F9C] =	sst lr;
	_ =	strace $0xD0000000  }
0x3: {  	_ = 	snop  }
0x4: {  	_ = 	snop  }
0x5: {  	_ = 	snop  }
0x6: {  	_ = 	snop  }
0x7: {  	_ = 	snop  }
__scs_overlays_trampoline_lowered:
0x8: {  	[smem:$0x3FAB] =	sst s0  }
0x9: {  	[smem:$0x3FAC] =	sst s1  }
0xa: {  	[smem:$0x3FAD] =	sst s2  }
0xb: {  	[smem:$0x3FAE] =	sst s3  }
0xc: {  	[smem:$0x3FAF] =	sst s4  }
0xd: {  	[smem:$0x3FB0] =	sst s5  }
0xe: {  	[smem:$0x3FB1] =	sst s6  }
0xf: {  	[smem:$0x3FB2] =	sst s7  }
0x10: {  	[smem:$0x3FB3] =	sst s8  }
0x11: {  	[smem:$0x3FB4] =	sst s9;
	s0 =	simm.s32 @!p0 $0x0  }
0x12: {  	s1 =	sld [smem:$0x3F9A];
	s0 =	simm.s32 @p0 $0x1  }
0x13: {  	[smem:$0x3FB5] =	sst s0;
	s0 =	simm.s32 @!p1 $0x0  }
0x14: {  	s2 =	sld [smem:$0x3F99];
	s0 =	simm.s32 @p1 $0x1  }
0x15: {  	[smem:$0x3FB6] =	sst s0;
	s0 =	simm.s32 @!p2 $0x0  }
0x16: {  	s3 =	sld [smem:$0x3FDB];
	s0 =	simm.s32 @p2 $0x1  }
0x17: {  	s4 =	simm.s32 $0x1BF5;
	[smem:$0x3FB8] =	sst s0  }
0x18: {  	s0 =	sld [smem:$0x3F9B];
	_ =	swait.ge [sflag:s4], $0x0  }
0x19: {  	s7 =	sld [smem:$0x3F9C]  }
0x1a: {  	s8 =	sadd.s32 $0xFFFFE003, lr  }
0x1b: {  	s9 =	sadd.s32 $0xFFFFFEF7, lr;
	s5 =	simm.s32 $0xFFFFFFFF;
	p2 =	slt.u32 s8, $0xFFFFF086  }
0x1c: {  	p1 =	slt.u32 s9, $0xF7A;
	s5 =	simm.s32 @!p2 $0x0  }
0x1d: {  	s5 =	simm.s32 @p1 $0x1;
	p0 =	seq.s32 s7, s2  }
0x1e: {  	s7 =	smul.u32 @!p0 $0xF7A, s2;
	p2 =	seq.s32 @!p0 s5, $0x0  }
0x1f: {  	s9 =	smul.u32 $0xF7A, s1;
	s8 =	simm.s32 @!p0 $0x1BF5;
	p2 =	por !p2, p0  }
0x20: {  	[sflag:s8] =	ssyncset.s32 @!p0 $0xFFFFF086;
	s6 =	sadd.s32 @!p0 s3, s7;
	s7 =	simm.s32 @!p0 $0x108  }
0x21: {  	s3 =	sadd.s32 s3, s9;
	s6 =	sadd.s32 @!p0 $0x88, s6;
	s7 =	simm.s32 @p2 $0x1082  }
0x22: {  	[simem:s7], [sflag:s8] =	dma.local @!p0 [hbm:s6], $0xF7A  }
0x23: {  	s9 =	sor.u32 $0xD0000000, s2;
	s6 =	simm.s32 $0x108;
	_ =	swait.ge @!p0 [sflag:s8], $0x0  }
0x24: {  	s3 =	sadd.s32 $0x88, s3;
	s6 =	simm.s32 @!p1 $0x1082;
	[sflag:s4] =	ssyncset.s32 $0xFFFFF086  }
0x25: {  	[simem:s6], [sflag:s4] =	dma.local [hbm:s3], $0xF7A  }
0x26: {  	[smem:$0x3F9C] =	sst s1;
	(tag) =	ssettag s2;
	_ =	strace s9  }
0x27: {  	s1 =	sld [smem:$0x3FAC]  }
0x28: {  	s2 =	sld [smem:$0x3FAD]  }
0x29: {  	s4 =	sld [smem:$0x3FAF]  }
0x2a: {  	p0 =	seq.s32 s5, $0x0;
	s5 =	sld [smem:$0x3FB0]  }
0x2b: {  	s6 =	sld [smem:$0x3FB1]  }
0x2c: {  	s7 =	sld [smem:$0x3FB2]  }
0x2d: {  	s3 =	simm.s32 $0x108;
	s8 =	sld [smem:$0x3FB3]  }
0x2e: {  	s3 =	simm.s32 @!p0 $0x1082;
	s9 =	sld [smem:$0x3FB4]  }
0x2f: {  	lr =	sadd.s32 s0, s3;
	s0 =	sld [smem:$0x3FAB]  }
0x30: {  	s3 =	sld [smem:$0x3FAE]  }
0x31: {  	[smem:$0x3FB7] =	sst s10  }
0x32: {  	s10 =	sld [smem:$0x3FB5];
	_ =	sdelay $0x3  }
0x33: {  	p0 =	seq.s32 s10, $0x1;
	s10 =	sld [smem:$0x3FB7];
	_ =	sdelay $0x3  }
0x34: {  	[smem:$0x3FB7] =	sst s10  }
0x35: {  	s10 =	sld [smem:$0x3FB6];
	_ =	sdelay $0x3  }
0x36: {  	p1 =	seq.s32 s10, $0x1;
	s10 =	sld [smem:$0x3FB7];
	_ =	sdelay $0x3  }
0x37: {  	[smem:$0x3FB7] =	sst s10  }
0x38: {  	s10 =	sld [smem:$0x3FB8]  }
0x39: {  	_ = 	snop;
	(pc) =	sbr.ind lr, $3  }
0x3a: {  	_ = 	snop  }
0x3b: {  	_ = 	snop  }
0x3c: {  	p2 =	seq.s32 s10, $0x1;
	s10 =	sld [smem:$0x3FB7]  }
0x3d: {  	_ =	shalt  }
0x3e: {  	_ =	shalt  }
0x3f: {  	_ =	shalt  }
0x40: {  	_ =	shalt  }
0x41: {  	_ =	shalt  }
0x42: {  	_ =	shalt  }
0x43: {  	_ =	shalt  }
0x44: {  	_ =	shalt  }
0x45: {  	_ =	shalt  }
0x46: {  	_ =	shalt  }
0x47: {  	_ =	shalt  }
0x48: {  	_ =	shalt  }
0x49: {  	_ =	shalt  }
0x4a: {  	_ =	shalt  }
0x4b: {  	_ =	shalt  }
0x4c: {  	_ =	shalt  }
0x4d: {  	_ =	shalt  }
0x4e: {  	_ =	shalt  }
0x4f: {  	_ =	shalt  }
0x50: {  	_ =	shalt  }
0x51: {  	_ =	shalt  }
0x52: {  	_ =	shalt  }
0x53: {  	_ =	shalt  }
0x54: {  	_ =	shalt  }
0x55: {  	_ =	shalt  }
0x56: {  	_ =	shalt  }
0x57: {  	_ =	shalt  }
0x58: {  	_ =	shalt  }
0x59: {  	_ =	shalt  }
0x5a: {  	_ =	shalt  }
0x5b: {  	_ =	shalt  }
0x5c: {  	_ =	shalt  }
0x5d: {  	_ =	shalt  }
0x5e: {  	_ =	shalt  }
0x5f: {  	_ =	shalt  }
0x60: {  	_ =	shalt  }
0x61: {  	_ =	shalt  }
0x62: {  	_ =	shalt  }
0x63: {  	_ =	shalt  }
0x64: {  	_ =	shalt  }
0x65: {  	_ =	shalt  }
0x66: {  	_ =	shalt  }
0x67: {  	_ =	shalt  }
0x68: {  	_ =	shalt  }
0x69: {  	_ =	shalt  }
0x6a: {  	_ =	shalt  }
0x6b: {  	_ =	shalt  }
0x6c: {  	_ =	shalt  }
0x6d: {  	_ =	shalt  }
0x6e: {  	_ =	shalt  }
0x6f: {  	_ =	shalt  }
0x70: {  	_ =	shalt  }
0x71: {  	_ =	shalt  }
0x72: {  	_ =	shalt  }
0x73: {  	_ =	shalt  }
0x74: {  	_ =	shalt  }
0x75: {  	_ =	shalt  }
0x76: {  	_ =	shalt  }
0x77: {  	_ =	shalt  }
0x78: {  	_ =	shalt  }
0x79: {  	_ =	shalt  }
0x7a: {  	_ =	shalt  }
0x7b: {  	_ =	shalt  }
0x7c: {  	_ =	shalt  }
0x7d: {  	_ =	shalt  }
0x7e: {  	_ =	shalt  }
0x7f: {  	_ =	shalt  }
0x80: {  	_ =	shalt  }
0x81: {  	_ =	shalt  }
0x82: {  	_ =	shalt  }
0x83: {  	_ =	shalt  }
0x84: {  	_ =	shalt  }
0x85: {  	_ =	shalt  }
0x86: {  	_ =	shalt  }
0x87: {  	_ =	shalt  }
.Lfunc_end0:
.L_simem_size_0:
called_computation_lowered:
.L_overlay_start_0:
0x88: {  	s2 =	sld [smem:$0x3FD9]  }
0x89: {  	s3 =	sld [smem:$0x3FFE];
	_ =	sdelay $0x1  }
0x8a: {  	s1 =	srdreg.scid  }
0x8b: {  	s0 =	sand.u32 $0x1, s1  }
0x8c: {  	s14 =	sshll.u32 s0, $0xA;
	s2 =	sadd.s32 s3, s2  }
0x8d: {  	s2 =	sadd.s32 s2, s14  }
0x8e: {  	[smem:$0x3FC3] =	sst s2  }
0x8f: {  	_ = 	snop  }
0x90: {  	s2 =	sld [smem:$0x3FD0];
	_ =	sdelay $0x1  }
0x91: {  	s15 =	sld [smem:$0x3FC8]  }
0x92: {  	s5 =	simm.s32 $0xA;
	s6 =	simm.s32 $0x10;
	s4 =	sld [smem:$0x3FC6]  }
0x93: {  	[smem:s6], [sflag:s5] =	dma.local [hbm:s2], $0x1  }
0x94: {  	_ =	swait.eq [sflag:s5], $0x1  }
0x95: {  	[sflag:s5] =	ssyncset.done $0x0  }
0x96: {  	[sflag:s5] =	ssyncadd.s32 $0xFFFFFFFF  }
0x97: {  	s16 =	sld [smem:$0x11];
	(tm) =	ssettm $0x1  }
0x98: {  	s17 =	sld [smem:$0x3FFB];
	_ =	sdelay $0x3  }
0x99: {  	_ =	strace s17  }
0x9a: {  	s5 =	sld [smem:$0x3FFC];
	_ =	sdelay $0x3  }
0x9b: {  	_ =	strace s5  }
0x9c: {  	s5 =	sld [smem:$0x3FFD];
	_ =	sdelay $0x3  }
0x9d: {  	_ =	strace s5  }
0x9e: {  	_ =	strace $0x8FFFFFFF  }
0x9f: {  	s18 =	sld [smem:$0x3FDB];
	_ =	sdelay $0x1  }
0xa0: {  	s19 =	simm.s32 $_scs_section_size  }
0xa1: {  	s7 =	simm.s32 $_size__tile_overlayer_lowered;
	s8 =	simm.s32 $_tile_overlayer_lowered  }
0xa2: {  	s22 =	simm.s32 $0x1BFF;
	s21 =	sshll.u32 s8, $0x1;
	s5 =	sadd.s32 s19, s18  }
0xa3: {  	s9 =	simm.s32 $0x0;
	s20 =	sshll.u32 s7, $0x1;
	s7 =	sadd.s32 s21, s5  }
0xa4: {  	[timem:s9], [sflag:s22] =	dma.local [hbm:s7], s20  }
0xa5: {  	_ =	swait.ge [sflag:s22], s20  }
0xa6: {  	s6 =	ssub.s32 $0x0, s20;
	[sflag:s22] =	ssyncset.done $0x0  }
0xa7: {  	[sflag:s22] =	ssyncadd.s32 s6;
	_ =	sdelay $0x1  }
0xa8: {  	s23 =	simm.s32 $0x1B8B  }
0xa9: {  	_ =	swait.ge [sflag:s23], $0x1  }
0xaa: {  	[sflag:s23] =	ssyncset.done $0x0  }
0xab: {  	s25 =	simm.s32 $0x1B8E;
	s24 =	sld [smem:$0x3FFE];
	[sflag:s23] =	ssyncadd.s32 $0xFFFFFFFF  }
0xac: {  	s26 =	simm.s32 $execute0_lowered;
	[smem:$0x3FD2] =	sst s25  }
0xad: {  	s7 =	sshll.u32 s26, $0x1;
	_ =	strace $0x80000046;
	[dreg:$0x1] =	wrdreg $0xFFFFFFFF  }
0xae: {  	s28 =	simm.s32 $_size_execute0_lowered;
	s5 =	sadd.s32 s5, s7;
	[dreg:$0x0] =	wrdreg $0x0  }
0xaf: {  	s7 =	sshll.u32 s28, $0x1;
	[dreg:$0x2] =	wrdreg s5  }
0xb0: {  	[dreg:$0x3] =	wrdreg s7  }
0xb1: {  	[dreg:$0x4] =	wrdreg $0xC0  }
0xb2: {  	_ =	task [dreg:s9], $0x5FFFF  }
0xb3: {  	[dreg:$0x1] =	wrdreg $0xFFFFFFFF  }
0xb4: {  	[dreg:$0x0] =	wrdreg $0x60  }
0xb5: {  	[dreg:$0x2] =	wrdreg s24  }
0xb6: {  	[dreg:$0x3] =	wrdreg s15  }
0xb7: {  	[dreg:$0x4] =	wrdreg s4  }
0xb8: {  	[dreg:$0x5] =	wrdreg s16  }
0xb9: {  	[dreg:$0x6] =	wrdreg $0x9  }
0xba: {  	_ =	task.clear_ibuf [dreg:s9], $0x7FFFF;
	_ =	strace $0x90000046  }
0xbb: {  	s29 =	simm.s32 $0x9;
	_ =	strace $0x80000048  }
0xbc: {  	_ =	swait.ge [sflag:s29], $0x1  }
0xbd: {  	[sflag:s29] =	ssyncadd.s32 $0xFFFFFFFF  }
0xbe: {  	_ =	strace $0x90000048  }
0xbf: {  	_ =	sfence  }
0xc0: {  	s30 =	sld [smem:$0x0];
	_ =	sdelay $0x2  }
0xc1: {  	s31 =	sshll.u32 s1, $0xD;
	s1 =	sshrl.u32 s1, $0x2  }
0xc2: {  	s3 =	sand.u32 $0x4000, s31;
	s1 =	sadd.s32 s1, s30  }
0xc3: {  	s0 =	sor.u32 s3, s0;
	s1 =	sshll.u32 s1, $0x11  }
0xc4: {  	s0 =	sor.u32 s1, s0  }
0xc5: {  	s0 =	sadd.s32 $0x8F2B, s0  }
0xc6: {  	[sflag:s0] =	ssyncadd.remote.s32 $0x1  }
0xc7: {  	_ =	sfence.sel $0xFFFF  }
0xc8: {  	[dreg:$0x0] =	wrdreg $0xFFFFFFFF;
	(pc) =	sbr.abs _section_cstart, $3  }
0xc9: {  	[dreg:$0x1] =	wrdreg $0xFFFFFFFF  }
0xca: {  	_ =	task.clear_ibuf [dreg:s9], $0x2FFFF;
	_ =	strace $0x9FFFFFFF  }
0xcb: {  	(tm) =	ssettm $0x7FFFFFFF  }
tec
execute0_lowered:
.L_overlay_start_1:
0x0: {  	(tag) =	ssettag $0x1  }
0x1: {  	s3 =	rddreg [dreg:$0x0];
	s0 =	srdreg.scid  }
0x2: {  	s5 =	stileid.u32;
	s22 =	rddreg [dreg:$0x2]  }
0x3: {  	s24 =	rddreg [dreg:$0x3];
	s1 =	sand.u32 $0x1, s0;
	s2 =	sshll.u32 s5, $0x3  }
0x4: {  	s25 =	sshrl.u32 s5, $0x1;
	s4 =	sshll.u32 s1, $0x2;
	s2 =	sand.u32 $0x8, s2  }
0x5: {  	s3 =	sadd.s32 $0xA00, s3;
	s26 =	sor.u32 s4, s2;
	s2 =	simm.s32 $0x0  }
0x6: {  	s18 =	sshll.u32 s25, $0x16;
	s4 =	sshll.u32 s26, $0x12;
	[smem:$0x7FF] =	sst s2  }
0x7: {  	s29 =	sor.u32 $0x1, s26;
	s4 =	sor.u32 s18, s4;
	_ =	strace $0x80000047  }
0x8: {  	[dreg:$0x5] =	wrdreg s3;
	s6 =	sshll.u32 s29, $0x12;
	s7 =	sshrl.u32 s4, $0x3  }
0x9: {  	s13 =	rddreg [dreg:$0x5];
	s19 =	sadd.s32 s22, s7;
	s20 =	sor.u32 $0x1000, s7  }
0xa: {  	s23 =	sor.u32 $0x2000, s7;
	[dreg:$0x6] =	wrdreg s19;
	s21 =	sadd.s32 s22, s20  }
0xb: {  	s6 =	sor.u32 s18, s6;
	s0 =	sadd.s32 s22, s23;
	[dreg:$0x7] =	wrdreg s21  }
0xc: {  	s11 =	sshrl.u32 s6, $0x3;
	s3 =	sadd.s32 s24, s20;
	[dreg:$0x8] =	wrdreg s0  }
0xd: {  	s6 =	sadd.s32 s22, s11;
	[dreg:$0x9] =	wrdreg s3  }
0xe: {  	s8 =	sadd.s32 s24, s23;
	s9 =	sor.u32 $0x1000, s11;
	[dreg:$0xa] =	wrdreg s6  }
0xf: {  	[dreg:$0xb] =	wrdreg s8;
	s10 =	sadd.s32 s22, s9  }
0x10: {  	s0 =	sor.u32 $0x2000, s11;
	s14 =	sadd.s32 s24, s9;
	[dreg:$0xc] =	wrdreg s10  }
0x11: {  	s3 =	simm.s32 $0x10080;
	s12 =	sadd.s32 s22, s0;
	[dreg:$0xe] =	wrdreg s14  }
0x12: {  	[tilespmem:s3], [sflag:$0x6] =	stream.linear.gather [hbm4b:s13+s2], $0x80, $0x38;
	[tilespmem:$0x10100] =	vst v63  }
0x13: {  	s4 =	simm.s32 $0x6;
	[dreg:$0xd] =	wrdreg s12  }
0x14: {  	_ =	swait.ge [sflag:s4], $0x80  }
0x15: {  	[sflag:s4] =	ssyncset.done $0x0  }
0x16: {  	s15 =	rddreg [dreg:$0x6];
	[sflag:s4] =	ssyncadd.s32 $0xFFFFFF80  }
0x17: {  	[tilespmem:s2], [sflag:$0x1] =	stream.linear.gather [hbm4b:s15+s2], $0x8000, $0x38;
	[tilespmem:$0x10100] =	vst v63  }
0x18: {  	s5 =	simm.s32 $0x8000;
	s6 =	simm.s32 $0x1;
	s8 =	rddreg [dreg:$0x7]  }
0x19: {  	[tilespmem:s5], [sflag:$0x2] =	stream.linear.gather [hbm4b:s8+s2], $0x8000, $0x38;
	[tilespmem:$0x10100] =	vst v63  }
0x1a: {  	_ =	swait.ge [sflag:s6], $0x8000  }
0x1b: {  	[sflag:s6] =	ssyncset.done $0x0  }
0x1c: {  	s7 =	sadd.s32 s24, s7;
	s8 =	simm.s32 $0x3;
	[sflag:s6] =	ssyncadd.s32 $0xFFFF8000  }
0x1d: {  	[hbm4b:s7+s2] =	stream.linear.scatter [tilespmem:s2], [sflag:$0x3], $0x8000, $0x38;
	[tilespmem:$0x10100] =	vst v63  }
0x1e: {  	_ =	swait.ge [sflag:s8], $0x8000  }
0x1f: {  	[sflag:s8] =	ssyncset.done $0x0  }
0x20: {  	s9 =	simm.s32 $0x2;
	s10 =	rddreg [dreg:$0x8];
	[sflag:s8] =	ssyncadd.s32 $0xFFFF8000  }
0x21: {  	[tilespmem:s2], [sflag:$0x1] =	stream.linear.gather [hbm4b:s10+s2], $0x8000, $0x38;
	[tilespmem:$0x10100] =	vst v63  }
0x22: {  	_ =	swait.ge [sflag:s9], $0x8000  }
0x23: {  	[sflag:s9] =	ssyncset.done $0x0  }
0x24: {  	s10 =	simm.s32 $0x4;
	s12 =	rddreg [dreg:$0x9];
	[sflag:s9] =	ssyncadd.s32 $0xFFFF8000  }
0x25: {  	[hbm4b:s12+s2] =	stream.linear.scatter [tilespmem:s5], [sflag:$0x4], $0x8000, $0x38;
	[tilespmem:$0x10100] =	vst v63  }
0x26: {  	_ =	swait.ge [sflag:s10], $0x8000  }
0x27: {  	[sflag:s10] =	ssyncset.done $0x0  }
0x28: {  	s16 =	rddreg [dreg:$0xa];
	[sflag:s10] =	ssyncadd.s32 $0xFFFF8000  }
0x29: {  	[tilespmem:s5], [sflag:$0x2] =	stream.linear.gather [hbm4b:s16+s2], $0x8000, $0x38;
	[tilespmem:$0x10100] =	vst v63  }
0x2a: {  	_ =	swait.ge [sflag:s6], $0x8000  }
0x2b: {  	[sflag:s6] =	ssyncset.done $0x0  }
0x2c: {  	s17 =	rddreg [dreg:$0xb];
	[sflag:s6] =	ssyncadd.s32 $0xFFFF8000  }
0x2d: {  	[hbm4b:s17+s2] =	stream.linear.scatter [tilespmem:s2], [sflag:$0x3], $0x8000, $0x38;
	[tilespmem:$0x10100] =	vst v63  }
0x2e: {  	_ =	swait.ge [sflag:s8], $0x8000  }
0x2f: {  	[sflag:s8] =	ssyncset.done $0x0  }
0x30: {  	s19 =	rddreg [dreg:$0xc];
	[sflag:s8] =	ssyncadd.s32 $0xFFFF8000  }
0x31: {  	[tilespmem:s2], [sflag:$0x1] =	stream.linear.gather [hbm4b:s19+s2], $0x8000, $0x38;
	[tilespmem:$0x10100] =	vst v63  }
0x32: {  	_ =	swait.ge [sflag:s9], $0x8000  }
0x33: {  	[sflag:s9] =	ssyncset.done $0x0  }
0x34: {  	s11 =	sadd.s32 s24, s11;
	[sflag:s9] =	ssyncadd.s32 $0xFFFF8000  }
0x35: {  	[hbm4b:s11+s2] =	stream.linear.scatter [tilespmem:s5], [sflag:$0x4], $0x8000, $0x38;
	[tilespmem:$0x10100] =	vst v63  }
0x36: {  	_ =	swait.ge [sflag:s10], $0x8000  }
0x37: {  	[sflag:s10] =	ssyncset.done $0x0  }
0x38: {  	s20 =	rddreg [dreg:$0xd];
	[sflag:s10] =	ssyncadd.s32 $0xFFFF8000  }
0x39: {  	[tilespmem:s5], [sflag:$0x2] =	stream.linear.gather [hbm4b:s20+s2], $0x8000, $0x38;
	[tilespmem:$0x10100] =	vst v63  }
0x3a: {  	s30 =	sor.u32 $0x2, s26;
	_ =	swait.ge [sflag:s6], $0x8000  }
0x3b: {  	s14 =	sshll.u32 s30, $0x12;
	[sflag:s6] =	ssyncset.done $0x0  }
0x3c: {  	s23 =	sor.u32 s18, s14;
	s21 =	rddreg [dreg:$0xe];
	[sflag:s6] =	ssyncadd.s32 $0xFFFF8000  }
0x3d: {  	[hbm4b:s21+s2] =	stream.linear.scatter [tilespmem:s2], [sflag:$0x3], $0x8000, $0x38;
	[tilespmem:$0x10100] =	vst v63  }
0x3e: {  	s16 =	sshrl.u32 s23, $0x3;
	_ =	swait.ge [sflag:s8], $0x8000  }
0x3f: {  	s12 =	sadd.s32 s22, s16;
	[sflag:s8] =	ssyncset.done $0x0  }
0x40: {  	[dreg:$0xf] =	wrdreg s12;
	[sflag:s8] =	ssyncadd.s32 $0xFFFF8000  }
0x41: {  	[tilespmem:s2], [sflag:$0x1] =	stream.linear.gather [hbm4b:s12+s2], $0x8000, $0x38;
	[tilespmem:$0x10100] =	vst v63  }
0x42: {  	_ =	swait.ge [sflag:s9], $0x8000  }
0x43: {  	[sflag:s9] =	ssyncset.done $0x0  }
0x44: {  	s0 =	sadd.s32 s24, s0;
	[sflag:s9] =	ssyncadd.s32 $0xFFFF8000  }
0x45: {  	[hbm4b:s0+s2] =	stream.linear.scatter [tilespmem:s5], [sflag:$0x4], $0x8000, $0x38;
	[tilespmem:$0x10100] =	vst v63  }
0x46: {  	_ =	swait.ge [sflag:s10], $0x8000  }
0x47: {  	s17 =	sor.u32 $0x1000, s16;
	[sflag:s10] =	ssyncset.done $0x0  }
0x48: {  	s14 =	sadd.s32 s22, s17;
	[sflag:s10] =	ssyncadd.s32 $0xFFFF8000  }
0x49: {  	[tilespmem:s5], [sflag:$0x2] =	stream.linear.gather [hbm4b:s14+s2], $0x8000, $0x38;
	[tilespmem:$0x10100] =	vst v63  }
0x4a: {  	_ =	swait.ge [sflag:s6], $0x8000  }
0x4b: {  	[sflag:s6] =	ssyncset.done $0x0  }
0x4c: {  	s15 =	sadd.s32 s24, s16;
	[sflag:s6] =	ssyncadd.s32 $0xFFFF8000  }
0x4d: {  	[hbm4b:s15+s2] =	stream.linear.scatter [tilespmem:s2], [sflag:$0x3], $0x8000, $0x38;
	[tilespmem:$0x10100] =	vst v63  }
0x4e: {  	_ =	swait.ge [sflag:s8], $0x8000  }
0x4f: {  	s19 =	sor.u32 $0x2000, s16;
	[sflag:s8] =	ssyncset.done $0x0  }
0x50: {  	s16 =	sadd.s32 s22, s19;
	[sflag:s8] =	ssyncadd.s32 $0xFFFF8000  }
0x51: {  	[tilespmem:s2], [sflag:$0x1] =	stream.linear.gather [hbm4b:s16+s2], $0x8000, $0x38;
	[tilespmem:$0x10100] =	vst v63  }
0x52: {  	_ =	swait.ge [sflag:s9], $0x8000  }
0x53: {  	s31 =	sor.u32 $0x3, s26;
	[sflag:s9] =	ssyncset.done $0x0  }
0x54: {  	s17 =	sadd.s32 s24, s17;
	s20 =	sshll.u32 s31, $0x12;
	[sflag:s9] =	ssyncadd.s32 $0xFFFF8000  }
0x55: {  	[hbm4b:s17+s2] =	stream.linear.scatter [tilespmem:s5], [sflag:$0x4], $0x8000, $0x38;
	[tilespmem:$0x10100] =	vst v63  }
0x56: {  	s18 =	sor.u32 s18, s20;
	_ =	swait.ge [sflag:s10], $0x8000  }
0x57: {  	s23 =	sshrl.u32 s18, $0x3;
	[sflag:s10] =	ssyncset.done $0x0  }
0x58: {  	s18 =	sadd.s32 s22, s23;
	[sflag:s10] =	ssyncadd.s32 $0xFFFF8000  }
0x59: {  	[tilespmem:s5], [sflag:$0x2] =	stream.linear.gather [hbm4b:s18+s2], $0x8000, $0x38;
	[tilespmem:$0x10100] =	vst v63  }
0x5a: {  	_ =	swait.ge [sflag:s6], $0x8000  }
0x5b: {  	[sflag:s6] =	ssyncset.done $0x0  }
0x5c: {  	s19 =	sadd.s32 s24, s19;
	[sflag:s6] =	ssyncadd.s32 $0xFFFF8000  }
0x5d: {  	[hbm4b:s19+s2] =	stream.linear.scatter [tilespmem:s2], [sflag:$0x3], $0x8000, $0x38;
	[tilespmem:$0x10100] =	vst v63  }
0x5e: {  	_ =	swait.ge [sflag:s8], $0x8000  }
0x5f: {  	s28 =	sor.u32 $0x1000, s23;
	[sflag:s8] =	ssyncset.done $0x0  }
0x60: {  	s20 =	sadd.s32 s22, s28;
	[sflag:s8] =	ssyncadd.s32 $0xFFFF8000  }
0x61: {  	[tilespmem:s2], [sflag:$0x1] =	stream.linear.gather [hbm4b:s20+s2], $0x8000, $0x38;
	[tilespmem:$0x10100] =	vst v63  }
0x62: {  	_ =	swait.ge [sflag:s9], $0x8000  }
0x63: {  	[sflag:s9] =	ssyncset.done $0x0  }
0x64: {  	s21 =	sadd.s32 s24, s23;
	[sflag:s9] =	ssyncadd.s32 $0xFFFF8000  }
0x65: {  	[hbm4b:s21+s2] =	stream.linear.scatter [tilespmem:s5], [sflag:$0x4], $0x8000, $0x38;
	[tilespmem:$0x10100] =	vst v63  }
0x66: {  	_ =	swait.ge [sflag:s10], $0x8000  }
0x67: {  	s12 =	sor.u32 $0x2000, s23;
	[sflag:s10] =	ssyncset.done $0x0  }
0x68: {  	s22 =	sadd.s32 s22, s12;
	[sflag:s10] =	ssyncadd.s32 $0xFFFF8000  }
0x69: {  	[tilespmem:s5], [sflag:$0x2] =	stream.linear.gather [hbm4b:s22+s2], $0x8000, $0x38;
	[tilespmem:$0x10100] =	vst v63  }
0x6a: {  	_ =	swait.ge [sflag:s6], $0x8000  }
0x6b: {  	[sflag:s6] =	ssyncset.done $0x0  }
0x6c: {  	s23 =	sadd.s32 s24, s28;
	[sflag:s6] =	ssyncadd.s32 $0xFFFF8000  }
0x6d: {  	[hbm4b:s23+s2] =	stream.linear.scatter [tilespmem:s2], [sflag:$0x3], $0x8000, $0x38;
	[tilespmem:$0x10100] =	vst v63  }
0x6e: {  	_ =	swait.ge [sflag:s9], $0x8000  }
0x6f: {  	[sflag:s9] =	ssyncset.done $0x0  }
0x70: {  	s24 =	sadd.s32 s24, s12;
	[sflag:s9] =	ssyncadd.s32 $0xFFFF8000  }
0x71: {  	[hbm4b:s24+s2] =	stream.linear.scatter [tilespmem:s5], [sflag:$0x4], $0x8000, $0x38;
	[tilespmem:$0x10100] =	vst v63  }
0x72: {  	_ =	swait.ge [sflag:s8], $0x8000  }
0x73: {  	[sflag:s8] =	ssyncset.done $0x0  }
0x74: {  	s26 =	sshll.u32 s26, $0x7;
	[sflag:s8] =	ssyncadd.s32 $0xFFFF8000  }
0x75: {  	s13 =	smov.u32 s0;
	s0 =	sshll.u32 s25, $0xB;
	_ =	swait.ge [sflag:s10], $0x8000  }
0x76: {  	s25 =	sor.u32 s0, s26;
	[sflag:s10] =	ssyncset.done $0x0  }
0x77: {  	s28 =	simm.s32 $0x10000;
	s25 =	sshrl.u32 s25, $0x3;
	s12 =	rddreg [dreg:$0x1]  }
0x78: {  	s26 =	simm.s32 $0x5;
	[sflag:s10] =	ssyncadd.s32 $0xFFFF8000;
	s25 =	sadd.s32 s12, s25  }
0x79: {  	[tilespmem:s28], [sflag:$0x5] =	stream.linear.gather [hbm4b:s25+s2], $0x80, $0x38;
	[tilespmem:$0x10100] =	vst v63  }
0x7a: {  	_ =	swait.ge [sflag:s26], $0x80  }
0x7b: {  	[sflag:s26] =	ssyncset.done $0x0  }
0x7c: {  	s29 =	sshll.u32 s29, $0x7;
	[sflag:s26] =	ssyncadd.s32 $0xFFFFFF80  }
0x7d: {  	[hbm4b:s7+s6] =	stream.indirect.scatter [tilespmem:s28], [sflag:$0x5], $0x80, s3, s6, $0xb8;
	[tilespmem:$0x10100] =	vst v63  }
0x7e: {  	s29 =	sor.u32 s0, s29;
	_ =	swait.ge [sflag:s26], $0x80  }
0x7f: {  	s29 =	sshrl.u32 s29, $0x3;
	[sflag:s26] =	ssyncset.done $0x0  }
0x80: {  	s29 =	sadd.s32 s12, s29;
	[sflag:s26] =	ssyncadd.s32 $0xFFFFFF80  }
0x81: {  	[tilespmem:s28], [sflag:$0x5] =	stream.linear.gather [hbm4b:s29+s2], $0x80, $0x38;
	[tilespmem:$0x10100] =	vst v63  }
0x82: {  	_ =	swait.ge [sflag:s26], $0x80  }
0x83: {  	[sflag:s26] =	ssyncset.done $0x0  }
0x84: {  	s30 =	sshll.u32 s30, $0x7;
	[sflag:s26] =	ssyncadd.s32 $0xFFFFFF80  }
0x85: {  	[hbm4b:s11+s6] =	stream.indirect.scatter [tilespmem:s28], [sflag:$0x5], $0x80, s3, s6, $0xb8;
	[tilespmem:$0x10100] =	vst v63  }
0x86: {  	s30 =	sor.u32 s0, s30;
	_ =	swait.ge [sflag:s26], $0x80  }
0x87: {  	s31 =	sshll.u32 s31, $0x7;
	s30 =	sshrl.u32 s30, $0x3;
	[sflag:s26] =	ssyncset.done $0x0  }
0x88: {  	s0 =	sor.u32 s0, s31;
	s30 =	sadd.s32 s12, s30;
	[sflag:s26] =	ssyncadd.s32 $0xFFFFFF80  }
0x89: {  	[tilespmem:s28], [sflag:$0x5] =	stream.linear.gather [hbm4b:s30+s2], $0x80, $0x38;
	[tilespmem:$0x10100] =	vst v63  }
0x8a: {  	s0 =	sshrl.u32 s0, $0x3;
	_ =	swait.ge [sflag:s26], $0x80  }
0x8b: {  	s31 =	sadd.s32 s12, s0;
	s12 =	ssub.s32 $0x2, s1;
	[sflag:s26] =	ssyncset.done $0x0  }
0x8c: {  	s1 =	sshrl.u32 s12, $0x1;
	[sflag:s26] =	ssyncadd.s32 $0xFFFFFF80  }
0x8d: {  	[hbm4b:s15+s6] =	stream.indirect.scatter [tilespmem:s28], [sflag:$0x5], $0x80, s3, s6, $0xb8;
	[tilespmem:$0x10100] =	vst v63  }
0x8e: {  	s0 =	ssub.s32 s12, s1;
	_ =	swait.ge [sflag:s26], $0x80  }
0x8f: {  	s0 =	smax.u32 s0, $0x1;
	[sflag:s26] =	ssyncset.done $0x0  }
0x90: {  	p0 =	sne.s32 s0, $0x1;
	[sflag:s26] =	ssyncadd.s32 $0xFFFFFF80  }
0x91: {  	[tilespmem:s28], [sflag:$0x5] =	stream.linear.gather [hbm4b:s31+s2], $0x80, $0x38;
	[tilespmem:$0x10100] =	vst v63  }
.Ltmp0:
0x92: {  	_ =	swait.ge [sflag:s26], $0x80;
	(pc) =	sbr.rel @!p0 .LBB2_2-.Ltmp0, $4  }
0x93: {  	[sflag:s26] =	ssyncset.done $0x0  }
0x94: {  	[sflag:s26] =	ssyncadd.s32 $0xFFFFFF80  }
0x95: {  	[hbm4b:s21+s6] =	stream.indirect.scatter [tilespmem:s28], [sflag:$0x5], $0x80, s3, s6, $0xb8;
	[tilespmem:$0x10100] =	vst v63  }
0x96: {  	s1 =	sadd.s32 $0xFFFFFFFF, s0;
	_ =	swait.ge [sflag:s26], $0x80  }
.LBB2_1:
0x97: {  	[sflag:s26] =	ssyncset.done $0x0  }
0x98: {  	s0 =	rddreg [dreg:$0x5];
	[sflag:s26] =	ssyncadd.s32 $0xFFFFFF80  }
0x99: {  	[tilespmem:s3], [sflag:$0x6] =	stream.linear.gather [hbm4b:s0+s2], $0x80, $0x38;
	[tilespmem:$0x10100] =	vst v63  }
0x9a: {  	_ =	swait.ge [sflag:s4], $0x80  }
0x9b: {  	[sflag:s4] =	ssyncset.done $0x0  }
0x9c: {  	s0 =	rddreg [dreg:$0x6];
	[sflag:s4] =	ssyncadd.s32 $0xFFFFFF80  }
0x9d: {  	[tilespmem:s2], [sflag:$0x1] =	stream.linear.gather [hbm4b:s0+s2], $0x8000, $0x38;
	[tilespmem:$0x10100] =	vst v63  }
0x9e: {  	s12 =	rddreg [dreg:$0x7]  }
0x9f: {  	[tilespmem:s5], [sflag:$0x2] =	stream.linear.gather [hbm4b:s12+s2], $0x8000, $0x38;
	[tilespmem:$0x10100] =	vst v63  }
0xa0: {  	_ =	swait.ge [sflag:s6], $0x8000  }
0xa1: {  	[sflag:s6] =	ssyncset.done $0x0  }
0xa2: {  	[sflag:s6] =	ssyncadd.s32 $0xFFFF8000  }
0xa3: {  	[hbm4b:s7+s2] =	stream.linear.scatter [tilespmem:s2], [sflag:$0x3], $0x8000, $0x38;
	[tilespmem:$0x10100] =	vst v63  }
0xa4: {  	_ =	swait.ge [sflag:s8], $0x8000  }
0xa5: {  	[sflag:s8] =	ssyncset.done $0x0  }
0xa6: {  	s12 =	rddreg [dreg:$0x8];
	[sflag:s8] =	ssyncadd.s32 $0xFFFF8000  }
0xa7: {  	[tilespmem:s2], [sflag:$0x1] =	stream.linear.gather [hbm4b:s12+s2], $0x8000, $0x38;
	[tilespmem:$0x10100] =	vst v63  }
0xa8: {  	_ =	swait.ge [sflag:s9], $0x8000  }
0xa9: {  	[sflag:s9] =	ssyncset.done $0x0  }
0xaa: {  	s12 =	rddreg [dreg:$0x9];
	[sflag:s9] =	ssyncadd.s32 $0xFFFF8000  }
0xab: {  	[hbm4b:s12+s2] =	stream.linear.scatter [tilespmem:s5], [sflag:$0x4], $0x8000, $0x38;
	[tilespmem:$0x10100] =	vst v63  }
0xac: {  	_ =	swait.ge [sflag:s10], $0x8000  }
0xad: {  	[sflag:s10] =	ssyncset.done $0x0  }
0xae: {  	s12 =	rddreg [dreg:$0xa];
	[sflag:s10] =	ssyncadd.s32 $0xFFFF8000  }
0xaf: {  	[tilespmem:s5], [sflag:$0x2] =	stream.linear.gather [hbm4b:s12+s2], $0x8000, $0x38;
	[tilespmem:$0x10100] =	vst v63  }
0xb0: {  	_ =	swait.ge [sflag:s6], $0x8000  }
0xb1: {  	[sflag:s6] =	ssyncset.done $0x0  }
0xb2: {  	s12 =	rddreg [dreg:$0xb];
	[sflag:s6] =	ssyncadd.s32 $0xFFFF8000  }
0xb3: {  	[hbm4b:s12+s2] =	stream.linear.scatter [tilespmem:s2], [sflag:$0x3], $0x8000, $0x38;
	[tilespmem:$0x10100] =	vst v63  }
0xb4: {  	_ =	swait.ge [sflag:s8], $0x8000  }
0xb5: {  	[sflag:s8] =	ssyncset.done $0x0  }
0xb6: {  	s12 =	rddreg [dreg:$0xc];
	[sflag:s8] =	ssyncadd.s32 $0xFFFF8000  }
0xb7: {  	[tilespmem:s2], [sflag:$0x1] =	stream.linear.gather [hbm4b:s12+s2], $0x8000, $0x38;
	[tilespmem:$0x10100] =	vst v63  }
0xb8: {  	_ =	swait.ge [sflag:s9], $0x8000  }
0xb9: {  	[sflag:s9] =	ssyncset.done $0x0  }
0xba: {  	[sflag:s9] =	ssyncadd.s32 $0xFFFF8000  }
0xbb: {  	[hbm4b:s11+s2] =	stream.linear.scatter [tilespmem:s5], [sflag:$0x4], $0x8000, $0x38;
	[tilespmem:$0x10100] =	vst v63  }
0xbc: {  	_ =	swait.ge [sflag:s10], $0x8000  }
0xbd: {  	[sflag:s10] =	ssyncset.done $0x0  }
0xbe: {  	s12 =	rddreg [dreg:$0xd];
	[sflag:s10] =	ssyncadd.s32 $0xFFFF8000  }
0xbf: {  	[tilespmem:s5], [sflag:$0x2] =	stream.linear.gather [hbm4b:s12+s2], $0x8000, $0x38;
	[tilespmem:$0x10100] =	vst v63  }
0xc0: {  	_ =	swait.ge [sflag:s6], $0x8000  }
0xc1: {  	[sflag:s6] =	ssyncset.done $0x0  }
0xc2: {  	s12 =	rddreg [dreg:$0xe];
	[sflag:s6] =	ssyncadd.s32 $0xFFFF8000  }
0xc3: {  	[hbm4b:s12+s2] =	stream.linear.scatter [tilespmem:s2], [sflag:$0x3], $0x8000, $0x38;
	[tilespmem:$0x10100] =	vst v63  }
0xc4: {  	_ =	swait.ge [sflag:s8], $0x8000  }
0xc5: {  	[sflag:s8] =	ssyncset.done $0x0  }
0xc6: {  	s12 =	rddreg [dreg:$0xf];
	[sflag:s8] =	ssyncadd.s32 $0xFFFF8000  }
0xc7: {  	[tilespmem:s2], [sflag:$0x1] =	stream.linear.gather [hbm4b:s12+s2], $0x8000, $0x38;
	[tilespmem:$0x10100] =	vst v63  }
0xc8: {  	_ =	swait.ge [sflag:s9], $0x8000  }
0xc9: {  	[sflag:s9] =	ssyncset.done $0x0  }
0xca: {  	[sflag:s9] =	ssyncadd.s32 $0xFFFF8000  }
0xcb: {  	[hbm4b:s13+s2] =	stream.linear.scatter [tilespmem:s5], [sflag:$0x4], $0x8000, $0x38;
	[tilespmem:$0x10100] =	vst v63  }
0xcc: {  	_ =	swait.ge [sflag:s10], $0x8000  }
0xcd: {  	[sflag:s10] =	ssyncset.done $0x0  }
0xce: {  	[sflag:s10] =	ssyncadd.s32 $0xFFFF8000  }
0xcf: {  	[tilespmem:s5], [sflag:$0x2] =	stream.linear.gather [hbm4b:s14+s2], $0x8000, $0x38;
	[tilespmem:$0x10100] =	vst v63  }
0xd0: {  	_ =	swait.ge [sflag:s6], $0x8000  }
0xd1: {  	[sflag:s6] =	ssyncset.done $0x0  }
0xd2: {  	[sflag:s6] =	ssyncadd.s32 $0xFFFF8000  }
0xd3: {  	[hbm4b:s15+s2] =	stream.linear.scatter [tilespmem:s2], [sflag:$0x3], $0x8000, $0x38;
	[tilespmem:$0x10100] =	vst v63  }
0xd4: {  	_ =	swait.ge [sflag:s8], $0x8000  }
0xd5: {  	[sflag:s8] =	ssyncset.done $0x0  }
0xd6: {  	[sflag:s8] =	ssyncadd.s32 $0xFFFF8000  }
0xd7: {  	[tilespmem:s2], [sflag:$0x1] =	stream.linear.gather [hbm4b:s16+s2], $0x8000, $0x38;
	[tilespmem:$0x10100] =	vst v63  }
0xd8: {  	_ =	swait.ge [sflag:s9], $0x8000  }
0xd9: {  	[sflag:s9] =	ssyncset.done $0x0  }
0xda: {  	[sflag:s9] =	ssyncadd.s32 $0xFFFF8000  }
0xdb: {  	[hbm4b:s17+s2] =	stream.linear.scatter [tilespmem:s5], [sflag:$0x4], $0x8000, $0x38;
	[tilespmem:$0x10100] =	vst v63  }
0xdc: {  	_ =	swait.ge [sflag:s10], $0x8000  }
0xdd: {  	[sflag:s10] =	ssyncset.done $0x0  }
0xde: {  	[sflag:s10] =	ssyncadd.s32 $0xFFFF8000  }
0xdf: {  	[tilespmem:s5], [sflag:$0x2] =	stream.linear.gather [hbm4b:s18+s2], $0x8000, $0x38;
	[tilespmem:$0x10100] =	vst v63  }
0xe0: {  	_ =	swait.ge [sflag:s6], $0x8000  }
0xe1: {  	[sflag:s6] =	ssyncset.done $0x0  }
0xe2: {  	[sflag:s6] =	ssyncadd.s32 $0xFFFF8000  }
0xe3: {  	[hbm4b:s19+s2] =	stream.linear.scatter [tilespmem:s2], [sflag:$0x3], $0x8000, $0x38;
	[tilespmem:$0x10100] =	vst v63  }
0xe4: {  	_ =	swait.ge [sflag:s8], $0x8000  }
0xe5: {  	[sflag:s8] =	ssyncset.done $0x0  }
0xe6: {  	[sflag:s8] =	ssyncadd.s32 $0xFFFF8000  }
0xe7: {  	[tilespmem:s2], [sflag:$0x1] =	stream.linear.gather [hbm4b:s20+s2], $0x8000, $0x38;
	[tilespmem:$0x10100] =	vst v63  }
0xe8: {  	_ =	swait.ge [sflag:s9], $0x8000  }
0xe9: {  	[sflag:s9] =	ssyncset.done $0x0  }
0xea: {  	[sflag:s9] =	ssyncadd.s32 $0xFFFF8000  }
0xeb: {  	[hbm4b:s21+s2] =	stream.linear.scatter [tilespmem:s5], [sflag:$0x4], $0x8000, $0x38;
	[tilespmem:$0x10100] =	vst v63  }
0xec: {  	_ =	swait.ge [sflag:s10], $0x8000  }
0xed: {  	[sflag:s10] =	ssyncset.done $0x0  }
0xee: {  	[sflag:s10] =	ssyncadd.s32 $0xFFFF8000  }
0xef: {  	[tilespmem:s5], [sflag:$0x2] =	stream.linear.gather [hbm4b:s22+s2], $0x8000, $0x38;
	[tilespmem:$0x10100] =	vst v63  }
0xf0: {  	_ =	swait.ge [sflag:s6], $0x8000  }
0xf1: {  	[sflag:s6] =	ssyncset.done $0x0  }
0xf2: {  	[sflag:s6] =	ssyncadd.s32 $0xFFFF8000  }
0xf3: {  	[hbm4b:s23+s2] =	stream.linear.scatter [tilespmem:s2], [sflag:$0x3], $0x8000, $0x38;
	[tilespmem:$0x10100] =	vst v63  }
0xf4: {  	_ =	swait.ge [sflag:s9], $0x8000  }
0xf5: {  	[sflag:s9] =	ssyncset.done $0x0  }
0xf6: {  	[sflag:s9] =	ssyncadd.s32 $0xFFFF8000  }
0xf7: {  	[hbm4b:s24+s2] =	stream.linear.scatter [tilespmem:s5], [sflag:$0x4], $0x8000, $0x38;
	[tilespmem:$0x10100] =	vst v63  }
0xf8: {  	_ =	swait.ge [sflag:s8], $0x8000  }
0xf9: {  	[sflag:s8] =	ssyncset.done $0x0  }
0xfa: {  	[sflag:s8] =	ssyncadd.s32 $0xFFFF8000  }
0xfb: {  	_ =	swait.ge [sflag:s10], $0x8000  }
0xfc: {  	[sflag:s10] =	ssyncset.done $0x0  }
0xfd: {  	[sflag:s10] =	ssyncadd.s32 $0xFFFF8000  }
0xfe: {  	[tilespmem:s28], [sflag:$0x5] =	stream.linear.gather [hbm4b:s25+s2], $0x80, $0x38;
	[tilespmem:$0x10100] =	vst v63  }
0xff: {  	_ =	swait.ge [sflag:s26], $0x80  }
0x100: {  	[sflag:s26] =	ssyncset.done $0x0  }
0x101: {  	[sflag:s26] =	ssyncadd.s32 $0xFFFFFF80  }
0x102: {  	[hbm4b:s7+s6] =	stream.indirect.scatter [tilespmem:s28], [sflag:$0x5], $0x80, s3, s6, $0xb8;
	[tilespmem:$0x10100] =	vst v63  }
0x103: {  	_ =	swait.ge [sflag:s26], $0x80  }
0x104: {  	[sflag:s26] =	ssyncset.done $0x0  }
0x105: {  	[sflag:s26] =	ssyncadd.s32 $0xFFFFFF80  }
0x106: {  	[tilespmem:s28], [sflag:$0x5] =	stream.linear.gather [hbm4b:s29+s2], $0x80, $0x38;
	[tilespmem:$0x10100] =	vst v63  }
0x107: {  	_ =	swait.ge [sflag:s26], $0x80  }
0x108: {  	[sflag:s26] =	ssyncset.done $0x0  }
0x109: {  	[sflag:s26] =	ssyncadd.s32 $0xFFFFFF80  }
0x10a: {  	[hbm4b:s11+s6] =	stream.indirect.scatter [tilespmem:s28], [sflag:$0x5], $0x80, s3, s6, $0xb8;
	[tilespmem:$0x10100] =	vst v63  }
0x10b: {  	_ =	swait.ge [sflag:s26], $0x80  }
0x10c: {  	[sflag:s26] =	ssyncset.done $0x0  }
0x10d: {  	[sflag:s26] =	ssyncadd.s32 $0xFFFFFF80  }
0x10e: {  	[tilespmem:s28], [sflag:$0x5] =	stream.linear.gather [hbm4b:s30+s2], $0x80, $0x38;
	[tilespmem:$0x10100] =	vst v63  }
0x10f: {  	_ =	swait.ge [sflag:s26], $0x80  }
0x110: {  	[sflag:s26] =	ssyncset.done $0x0  }
0x111: {  	[sflag:s26] =	ssyncadd.s32 $0xFFFFFF80  }
0x112: {  	[hbm4b:s15+s6] =	stream.indirect.scatter [tilespmem:s28], [sflag:$0x5], $0x80, s3, s6, $0xb8;
	[tilespmem:$0x10100] =	vst v63  }
0x113: {  	_ =	swait.ge [sflag:s26], $0x80  }
0x114: {  	[sflag:s26] =	ssyncset.done $0x0  }
0x115: {  	p0 =	sne.s32 s1, $0x1;
	[sflag:s26] =	ssyncadd.s32 $0xFFFFFF80  }
0x116: {  	[tilespmem:s28], [sflag:$0x5] =	stream.linear.gather [hbm4b:s31+s2], $0x80, $0x38;
	[tilespmem:$0x10100] =	vst v63  }
.Ltmp1:
0x117: {  	_ =	swait.ge [sflag:s26], $0x80;
	(pc) =	sbr.rel @p0 .LBB2_1-.Ltmp1, $4  }
0x118: {  	[sflag:s26] =	ssyncset.done $0x0  }
0x119: {  	[sflag:s26] =	ssyncadd.s32 $0xFFFFFF80  }
0x11a: {  	[hbm4b:s21+s6] =	stream.indirect.scatter [tilespmem:s28], [sflag:$0x5], $0x80, s3, s6, $0xb8;
	[tilespmem:$0x10100] =	vst v63  }
0x11b: {  	s1 =	sadd.s32 $0xFFFFFFFF, s1;
	_ =	swait.ge [sflag:s26], $0x80  }
.LBB2_2:
0x11c: {  	[sflag:s26] =	ssyncset.done $0x0  }
0x11d: {  	[sflag:s26] =	ssyncadd.s32 $0xFFFFFF80  }
0x11e: {  	_ =	sfence.sel $0x180000  }
0x11f: {  	[bflag:$0x0] =	sbarrier.arrive $0xFFFF  }
0x120: {  	_ =	strace $0x90000047  }
0x121: {  	s0 =	stileid.u32;
	[bflag:$0x2] =	sbarrier.arrive $0xFFFF  }
0x122: {  	p0 =	sne.s32 s0, $0x0;
	s0 =	rddreg [dreg:$0x4]  }
0x123: {  	s0 =	sadd.s32 @!p0 $0x100000, s0  }
0x124: {  	[sflag:s0] =	ssyncadd.tile.s32 @!p0 $0x1;
	_ =	shalt  }
.Lfunc_end2:
_tile_overlayer_lowered:
.L_overlay_start_2:
0x125: {  	(tag) =	ssettag $0x2  }
0x126: {  	s0 =	rddreg [dreg:$0x0];
	s2 =	stileid.u32  }
0x127: {  	s1 =	rddreg [dreg:$0x1];
	p0 =	sne.s32 s2, $0x0  }
0x128: {  	s3 =	rddreg [dreg:$0x2];
	[bflag:$0x3] =	sbarrier.arrive $0xFFFF;
	s2 =	simm.s32 @!p0 $0x1C06  }
0x129: {  	[timem:s3], [sflag:s2] =	dma.local @!p0 [hbm:s0], s1  }
0x12a: {  	s0 =	simm.s32 @!p0 $0x6  }
0x12b: {  	_ =	swait.ge @!p0 [sflag:s0], s1  }
0x12c: {  	s1 =	ssub.s32 @!p0 $0x0, s1;
	[sflag:s0] =	ssyncset.done @!p0 $0x0  }
0x12d: {  	[sflag:s0] =	ssyncadd.s32 @!p0 s1  }
0x12e: {  	[bflag:$0x3] =	sbarrier.arrive $0xFFFF  }
0x12f: {  	_ =	shalt  }

</sc_bundles>
